<compile_context>
chip_gen: v7x
topology: tpu7x:2x2x1
jax: 0.10.2.dev20260603
libtpu: 0.0.44.dev20260713+nightly
codegen_flags: <defaults>
</compile_context>

<pallas_src>
import functools

import jax
import jax.numpy as jnp
from jax import lax
from jax.experimental import pallas as pl
from jax.experimental.pallas import tpu as pltpu
from jax.experimental.pallas import tpu_sc as plsc

_B = 2
_S = 4096
_T = _B * _S
_D = 1024
_F = 4096
_NT = 4

_TILE = 512
_P = _T + _NT * _TILE
_NUM_TILES = _P // _TILE
_FB = 2048
_NF = _F // _FB

_NC = 2
_NS = 16
_NW = _NC * _NS
_CHUNK = 32


def _sc_gather(table, idx, chunk):
    v, d = table.shape
    n = idx.shape[0]
    rows_per = n // _NW
    n_chunks = rows_per // chunk
    mesh = plsc.VectorSubcoreMesh(core_axis_name="c", subcore_axis_name="s")

    @functools.partial(
        pl.kernel,
        mesh=mesh,
        out_type=jax.ShapeDtypeStruct((n, d), table.dtype),
        scratch_types=[
            pltpu.VMEM((2, chunk), jnp.int32),
            pltpu.VMEM((2, chunk, d), table.dtype),
            pltpu.SemaphoreType.DMA,
            pltpu.SemaphoreType.DMA,
        ],
    )
    def gather_k(table_hbm, idx_hbm, out_hbm, idx_v, rows_v, sem0, sem1):
        wid = lax.axis_index("s") * _NC + lax.axis_index("c")
        base = wid * rows_per
        sems = (sem0, sem1)
        copies = [None, None]

        def start(c):
            b = c % 2
            pltpu.sync_copy(idx_hbm.at[pl.ds(base + c * chunk, chunk)],
                            idx_v.at[b])
            copies[b] = pltpu.async_copy(table_hbm.at[idx_v.at[b]],
                                         rows_v.at[b], sems[b])

        start(0)
        for c in range(n_chunks):
            b = c % 2
            if c + 1 < n_chunks:
                start(c + 1)
            copies[b].wait()
            pltpu.sync_copy(rows_v.at[b],
                            out_hbm.at[pl.ds(base + c * chunk, chunk)])

    return gather_k(table, idx)


def _sc_scatter(x2, slot):
    n, d = x2.shape
    rows_per = n // _NW
    chunk = 32
    n_chunks = rows_per // chunk
    mesh = plsc.VectorSubcoreMesh(core_axis_name="c", subcore_axis_name="s")

    @functools.partial(
        pl.kernel,
        mesh=mesh,
        out_type=jax.ShapeDtypeStruct((_P, d), x2.dtype),
        scratch_types=[
            pltpu.VMEM((2, chunk), jnp.int32),
            pltpu.VMEM((2, chunk, d), x2.dtype),
            pltpu.SemaphoreType.DMA,
            pltpu.SemaphoreType.DMA,
            pltpu.SemaphoreType.DMA,
        ],
    )
    def scatter_k(x_hbm, slot_hbm, out_hbm, idx_v, rows_v, sem0, sem1, sem_r):
        wid = lax.axis_index("s") * _NC + lax.axis_index("c")
        base = wid * rows_per
        sems = (sem0, sem1)
        reads = [None, None]
        scats = [None, None]

        def start_read(c):
            b = c % 2
            pltpu.sync_copy(slot_hbm.at[pl.ds(base + c * chunk, chunk)],
                            idx_v.at[b])
            reads[b] = pltpu.async_copy(
                x_hbm.at[pl.ds(base + c * chunk, chunk)], rows_v.at[b], sem_r)

        def wait_scat(b):
            if scats[b] is not None:
                scats[b].wait()
                scats[b] = None

        start_read(0)
        for c in range(n_chunks):
            b = c % 2
            reads[b].wait()
            if c + 1 < n_chunks:
                wait_scat(1 - b)
                start_read(c + 1)
            scats[b] = pltpu.async_copy(rows_v.at[b],
                                        out_hbm.at[idx_v.at[b]], sems[b])
        wait_scat(0)
        wait_scat(1)

    return scatter_k(x2, slot)


def _ffn_body(tt_ref, valid_ref, xs_ref, w1_ref, b1_ref, w2_ref, b2_ref,
              out_ref):
    m = pl.program_id(0)
    f = pl.program_id(1)

    @pl.when(valid_ref[m] == 1)
    def _():
        a = jnp.dot(xs_ref[...].astype(jnp.bfloat16), w1_ref[0],
                    preferred_element_type=jnp.float32) + b1_ref[0]
        h = 0.5 * a * (1.0 + lax.erf(a * 0.7071067811865476))
        contrib = jnp.dot(h.astype(jnp.bfloat16), w2_ref[0],
                          preferred_element_type=jnp.float32)

        @pl.when(f == 0)
        def _():
            out_ref[...] = contrib + b2_ref[0]

        @pl.when(f != 0)
        def _():
            out_ref[...] += contrib


def _grouped_ffn(xs, w1, b1, w2, b2, tile_type, tile_valid):
    def f_act(m, f):
        return jnp.where(m % 2 == 0, f, _NF - 1 - f)

    grid_spec = pltpu.PrefetchScalarGridSpec(
        num_scalar_prefetch=2,
        grid=(_NUM_TILES, _NF),
        in_specs=[
            pl.BlockSpec((_TILE, _D), lambda m, f, tt, vv: (m, 0)),
            pl.BlockSpec((1, _D, _FB), lambda m, f, tt, vv: (tt[m], 0, f_act(m, f))),
            pl.BlockSpec((1, 1, _FB), lambda m, f, tt, vv: (tt[m], 0, f_act(m, f))),
            pl.BlockSpec((1, _FB, _D), lambda m, f, tt, vv: (tt[m], f_act(m, f), 0)),
            pl.BlockSpec((1, 1, _D), lambda m, f, tt, vv: (tt[m], 0, 0)),
        ],
        out_specs=pl.BlockSpec((_TILE, _D), lambda m, f, tt, vv: (m, 0)),
    )
    return pl.pallas_call(
        _ffn_body,
        grid_spec=grid_spec,
        out_shape=jax.ShapeDtypeStruct((_P, _D), jnp.float32),
        compiler_params=pltpu.CompilerParams(
            dimension_semantics=("arbitrary", "arbitrary")),
    )(tile_type, tile_valid, xs, w1, b1, w2, b2)


def kernel(x, token_types, W1, b1, W2, b2):
    x2 = x.reshape(_T, _D)
    types = token_types.reshape(_T).astype(jnp.int32)

    oh = (types[:, None] == jnp.arange(_NT, dtype=jnp.int32)[None, :])
    ohi = oh.astype(jnp.int32)
    csum = jnp.cumsum(ohi, axis=0)
    counts = csum[-1]
    rank = jnp.sum(csum * ohi, axis=1) - 1

    starts = [jnp.int32(0)]
    for t in range(1, _NT):
        prev_end = starts[t - 1] + counts[t - 1]
        starts.append(((prev_end + _TILE - 1) // _TILE) * _TILE)
    starts = jnp.stack(starts)
    end = starts[-1] + counts[-1]

    slot = jnp.sum(ohi * starts[None, :], axis=1) + rank

    tile_start = jnp.arange(_NUM_TILES, dtype=jnp.int32) * _TILE
    tile_valid = (tile_start < end).astype(jnp.int32)
    tile_type = jnp.sum(
        (tile_start[:, None] >= starts[None, :]).astype(jnp.int32),
        axis=1) - 1
    tile_type = jnp.where(tile_valid == 1, tile_type, _NT - 1)

    xs = _sc_scatter(x2, slot)
    ys = _grouped_ffn(xs, W1.astype(jnp.bfloat16), b1.reshape(_NT, 1, _F),
                      W2.astype(jnp.bfloat16), b2.reshape(_NT, 1, _D),
                      tile_type, tile_valid)
    out = _sc_gather(ys, slot, 32)
    return out.reshape(_B, _S, _D)

# --- scband reference (transcript-rebuilt; emitter-appended) ---
"""Pipeline reference for scband-token-aware-ffn-59399397703836 (READ-ONLY COPY).

The authoritative reference and input builder live on the scoring server;
editing this copy changes nothing except your own understanding.
"""

import jax, jax.numpy as jnp
import numpy as np

B = 2
S = 4096
D_MODEL = 1024
D_FF = 4096
N_TYPES = 4


def setup_inputs(seed: int = 0) -> dict:
    key = jax.random.key(seed)
    ks = jax.random.split(key, 6)
    x = jax.random.normal(ks[0], (B, S, D_MODEL), dtype=jnp.float32)
    token_types = jax.random.randint(ks[1], (B, S), 0, N_TYPES)
    W1 = jax.random.normal(ks[2], (N_TYPES, D_MODEL, D_FF), dtype=jnp.float32) * 0.02
    b1 = jnp.zeros((N_TYPES, D_FF), dtype=jnp.float32)
    W2 = jax.random.normal(ks[3], (N_TYPES, D_FF, D_MODEL), dtype=jnp.float32) * 0.02
    b2 = jnp.zeros((N_TYPES, D_MODEL), dtype=jnp.float32)
    return {"x": x, "token_types": token_types, "W1": W1, "b1": b1, "W2": W2, "b2": b2}


def reference(x, token_types, W1, b1, W2, b2):
    # TokenAwareFFN: out[mask_t] = FFN_t(x[mask_t]) for each token type t.
    # Equivalent masked-combine formulation (dropout=0.0, eval semantics).
    out = jnp.zeros_like(x)
    for t in range(N_TYPES):
        h = jax.nn.gelu(jnp.einsum('bsd,df->bsf', x, W1[t]) + b1[t], approximate=False)
        y = jnp.einsum('bsf,fd->bsd', h, W2[t]) + b2[t]
        mask = (token_types == t)[..., None]
        out = jnp.where(mask, y, out)
    return out

if __name__ == "__main__":
    import jax
    _d = setup_inputs()
    print(jax.jit(kernel)(*tuple(_d.values())))

</pallas_src>

<mosaic_0001>
#map = affine_map<(d0, d1) -> (0, 0)>
#map1 = affine_map<(d0, d1) -> (0)>
module attributes {stable_mosaic.version = 14 : i64} {
  func.func @scatter_k(%arg0: i32, %arg1: i32, %arg2: memref<8192x1024xf32, #tpu.memory_space<hbm>>, %arg3: memref<8192xi32, #tpu.memory_space<hbm>>, %arg4: memref<10240x1024xf32, #tpu.memory_space<hbm>>, %arg5: memref<2x32xi32, #tpu.memory_space<vmem>>, %arg6: memref<2x32x1024xf32, #tpu.memory_space<vmem>>, %arg7: memref<!tpu.dma_semaphore, #tpu.memory_space<semaphore_mem>>, %arg8: memref<!tpu.dma_semaphore, #tpu.memory_space<semaphore_mem>>, %arg9: memref<!tpu.dma_semaphore, #tpu.memory_space<semaphore_mem>>) attributes {dimension_semantics = [#tpu.dimension_semantics<core_parallel>, #tpu.dimension_semantics<subcore_parallel>], iteration_bounds = array<i64: 2, 16>, scalar_prefetch = 0 : i64, scratch_operands = 5 : i64, tpu.core_type = #tpu.core_type<sc_vector_subcore>, window_params = [{transform_indices = #map}, {transform_indices = #map1}, {transform_indices = #map}]} {
    %mul3A = arith.constant 2 : i32
    %mul3A_0 = arith.muli %arg1, %mul3A : i32
    %add3A = arith.addi %mul3A_0, %arg0 : i32
    %mul3A_1 = arith.constant 256 : i32
    %mul3A_2 = arith.muli %add3A, %mul3A_1 : i32
    %add3A_3 = arith.constant 0 : i32
    %add3A_4 = arith.addi %mul3A_2, %add3A_3 : i32
    %run_scoped3A = arith.constant 0 : i32
    "tpu.region"() ({
      %run_scoped3A_440 = tpu.sem_alloc : memref<!tpu.dma_semaphore, #tpu.memory_space<semaphore_mem>>
      %dma_start3A_441 = arith.constant 0 : i32
      %dma_start3A_442 = tpu.memref_slice %arg5[%run_scoped3A, %dma_start3A_441] : memref<2x32xi32, #tpu.memory_space<vmem>> -> memref<1x32xi32, #tpu.memory_space<vmem>>
      %dma_start3A_443 = tpu.memref_squeeze %dma_start3A_442 : memref<1x32xi32, #tpu.memory_space<vmem>> -> memref<32xi32, #tpu.memory_space<vmem>>
      %dma_start3A_444 = tpu.memref_slice %arg3[%add3A_4] : memref<8192xi32, #tpu.memory_space<hbm>> -> memref<32xi32, #tpu.memory_space<hbm>>
      %dma_start3A_445 = arith.constant 0 : i32
      %dma_start3A_446 = tpu.memref_slice %arg5[%run_scoped3A, %dma_start3A_445] : memref<2x32xi32, #tpu.memory_space<vmem>> -> memref<1x32xi32, #tpu.memory_space<vmem>>
      %dma_start3A_447 = tpu.memref_squeeze %dma_start3A_446 : memref<1x32xi32, #tpu.memory_space<vmem>> -> memref<32xi32, #tpu.memory_space<vmem>>
      %dma_start3A_448 = tpu.memref_slice %arg3[%add3A_4] : memref<8192xi32, #tpu.memory_space<hbm>> -> memref<32xi32, #tpu.memory_space<hbm>>
      tpu.enqueue_dma source(%dma_start3A_448 : memref<32xi32, #tpu.memory_space<hbm>>) target(%dma_start3A_447 : memref<32xi32, #tpu.memory_space<vmem>>) target_semaphore(%run_scoped3A_440 : memref<!tpu.dma_semaphore, #tpu.memory_space<semaphore_mem>>)
      %dma_wait3A_449 = arith.constant 0 : i32
      %dma_wait3A_450 = tpu.memref_slice %arg5[%run_scoped3A, %dma_wait3A_449] : memref<2x32xi32, #tpu.memory_space<vmem>> -> memref<1x32xi32, #tpu.memory_space<vmem>>
      %dma_wait3A_451 = tpu.memref_squeeze %dma_wait3A_450 : memref<1x32xi32, #tpu.memory_space<vmem>> -> memref<32xi32, #tpu.memory_space<vmem>>
      %dma_wait3A_452 = tpu.memref_slice %arg3[%add3A_4] : memref<8192xi32, #tpu.memory_space<hbm>> -> memref<32xi32, #tpu.memory_space<hbm>>
      %dma_wait3A_453 = arith.constant 0 : i32
      %dma_wait3A_454 = tpu.memref_slice %arg5[%run_scoped3A, %dma_wait3A_453] : memref<2x32xi32, #tpu.memory_space<vmem>> -> memref<1x32xi32, #tpu.memory_space<vmem>>
      %dma_wait3A_455 = tpu.memref_squeeze %dma_wait3A_454 : memref<1x32xi32, #tpu.memory_space<vmem>> -> memref<32xi32, #tpu.memory_space<vmem>>
      %dma_wait3A_456 = tpu.memref_slice %arg3[%add3A_4] : memref<8192xi32, #tpu.memory_space<hbm>> -> memref<32xi32, #tpu.memory_space<hbm>>
      tpu.wait_dma2 semaphore(%run_scoped3A_440 : memref<!tpu.dma_semaphore, #tpu.memory_space<semaphore_mem>>) src(%dma_wait3A_456 : memref<32xi32, #tpu.memory_space<hbm>>) dst(%dma_wait3A_455 : memref<32xi32, #tpu.memory_space<vmem>>)
      tpu.yield
    }) : () -> ()
    %add3A_5 = arith.constant 0 : i32
    %add3A_6 = arith.addi %mul3A_2, %add3A_5 : i32
    %dma_start3A = arith.constant 0 : i32
    %dma_start3A_7 = arith.constant 0 : i32
    %dma_start3A_8 = arith.constant 0 : i32
    %dma_start3A_9 = tpu.memref_slice %arg6[%dma_start3A, %dma_start3A_7, %dma_start3A_8] : memref<2x32x1024xf32, #tpu.memory_space<vmem>> -> memref<1x32x1024xf32, #tpu.memory_space<vmem>>
    %dma_start3A_10 = tpu.memref_squeeze %dma_start3A_9 : memref<1x32x1024xf32, #tpu.memory_space<vmem>> -> memref<32x1024xf32, #tpu.memory_space<vmem>>
    %dma_start3A_11 = arith.constant 0 : i32
    %dma_start3A_12 = tpu.memref_slice %arg2[%add3A_6, %dma_start3A_11] : memref<8192x1024xf32, #tpu.memory_space<hbm>> -> memref<32x1024xf32, #tpu.memory_space<hbm>>
    %dma_start3A_13 = arith.constant 0 : i32
    %dma_start3A_14 = arith.constant 0 : i32
    %dma_start3A_15 = tpu.memref_slice %arg6[%dma_start3A, %dma_start3A_13, %dma_start3A_14] : memref<2x32x1024xf32, #tpu.memory_space<vmem>> -> memref<1x32x1024xf32, #tpu.memory_space<vmem>>
    %dma_start3A_16 = tpu.memref_squeeze %dma_start3A_15 : memref<1x32x1024xf32, #tpu.memory_space<vmem>> -> memref<32x1024xf32, #tpu.memory_space<vmem>>
    %dma_start3A_17 = arith.constant 0 : i32
    %dma_start3A_18 = tpu.memref_slice %arg2[%add3A_6, %dma_start3A_17] : memref<8192x1024xf32, #tpu.memory_space<hbm>> -> memref<32x1024xf32, #tpu.memory_space<hbm>>
    tpu.enqueue_dma source(%dma_start3A_18 : memref<32x1024xf32, #tpu.memory_space<hbm>>) target(%dma_start3A_16 : memref<32x1024xf32, #tpu.memory_space<vmem>>) target_semaphore(%arg9 : memref<!tpu.dma_semaphore, #tpu.memory_space<semaphore_mem>>)
    %dma_wait3A = arith.constant 0 : i32
    %dma_wait3A_19 = arith.constant 0 : i32
    %dma_wait3A_20 = arith.constant 0 : i32
    %dma_wait3A_21 = tpu.memref_slice %arg6[%dma_wait3A, %dma_wait3A_19, %dma_wait3A_20] : memref<2x32x1024xf32, #tpu.memory_space<vmem>> -> memref<1x32x1024xf32, #tpu.memory_space<vmem>>
    %dma_wait3A_22 = tpu.memref_squeeze %dma_wait3A_21 : memref<1x32x1024xf32, #tpu.memory_space<vmem>> -> memref<32x1024xf32, #tpu.memory_space<vmem>>
    %dma_wait3A_23 = arith.constant 0 : i32
    %dma_wait3A_24 = tpu.memref_slice %arg2[%add3A_6, %dma_wait3A_23] : memref<8192x1024xf32, #tpu.memory_space<hbm>> -> memref<32x1024xf32, #tpu.memory_space<hbm>>
    %dma_wait3A_25 = arith.constant 0 : i32
    %dma_wait3A_26 = arith.constant 0 : i32
    %dma_wait3A_27 = tpu.memref_slice %arg6[%dma_wait3A, %dma_wait3A_25, %dma_wait3A_26] : memref<2x32x1024xf32, #tpu.memory_space<vmem>> -> memref<1x32x1024xf32, #tpu.memory_space<vmem>>
    %dma_wait3A_28 = tpu.memref_squeeze %dma_wait3A_27 : memref<1x32x1024xf32, #tpu.memory_space<vmem>> -> memref<32x1024xf32, #tpu.memory_space<vmem>>
    %dma_wait3A_29 = arith.constant 0 : i32
    %dma_wait3A_30 = tpu.memref_slice %arg2[%add3A_6, %dma_wait3A_29] : memref<8192x1024xf32, #tpu.memory_space<hbm>> -> memref<32x1024xf32, #tpu.memory_space<hbm>>
    tpu.wait_dma2 semaphore(%arg9 : memref<!tpu.dma_semaphore, #tpu.memory_space<semaphore_mem>>) src(%dma_wait3A_30 : memref<32x1024xf32, #tpu.memory_space<hbm>>) dst(%dma_wait3A_28 : memref<32x1024xf32, #tpu.memory_space<vmem>>)
    %add3A_31 = arith.constant 32 : i32
    %add3A_32 = arith.addi %mul3A_2, %add3A_31 : i32
    %run_scoped3A_33 = arith.constant 1 : i32
    "tpu.region"() ({
      %run_scoped3A_440 = tpu.sem_alloc : memref<!tpu.dma_semaphore, #tpu.memory_space<semaphore_mem>>
      %dma_start3A_441 = arith.constant 0 : i32
      %dma_start3A_442 = tpu.memref_slice %arg5[%run_scoped3A_33, %dma_start3A_441] : memref<2x32xi32, #tpu.memory_space<vmem>> -> memref<1x32xi32, #tpu.memory_space<vmem>>
      %dma_start3A_443 = tpu.memref_squeeze %dma_start3A_442 : memref<1x32xi32, #tpu.memory_space<vmem>> -> memref<32xi32, #tpu.memory_space<vmem>>
      %dma_start3A_444 = tpu.memref_slice %arg3[%add3A_32] : memref<8192xi32, #tpu.memory_space<hbm>> -> memref<32xi32, #tpu.memory_space<hbm>>
      %dma_start3A_445 = arith.constant 0 : i32
      %dma_start3A_446 = tpu.memref_slice %arg5[%run_scoped3A_33, %dma_start3A_445] : memref<2x32xi32, #tpu.memory_space<vmem>> -> memref<1x32xi32, #tpu.memory_space<vmem>>
      %dma_start3A_447 = tpu.memref_squeeze %dma_start3A_446 : memref<1x32xi32, #tpu.memory_space<vmem>> -> memref<32xi32, #tpu.memory_space<vmem>>
      %dma_start3A_448 = tpu.memref_slice %arg3[%add3A_32] : memref<8192xi32, #tpu.memory_space<hbm>> -> memref<32xi32, #tpu.memory_space<hbm>>
      tpu.enqueue_dma source(%dma_start3A_448 : memref<32xi32, #tpu.memory_space<hbm>>) target(%dma_start3A_447 : memref<32xi32, #tpu.memory_space<vmem>>) target_semaphore(%run_scoped3A_440 : memref<!tpu.dma_semaphore, #tpu.memory_space<semaphore_mem>>)
      %dma_wait3A_449 = arith.constant 0 : i32
      %dma_wait3A_450 = tpu.memref_slice %arg5[%run_scoped3A_33, %dma_wait3A_449] : memref<2x32xi32, #tpu.memory_space<vmem>> -> memref<1x32xi32, #tpu.memory_space<vmem>>
      %dma_wait3A_451 = tpu.memref_squeeze %dma_wait3A_450 : memref<1x32xi32, #tpu.memory_space<vmem>> -> memref<32xi32, #tpu.memory_space<vmem>>
      %dma_wait3A_452 = tpu.memref_slice %arg3[%add3A_32] : memref<8192xi32, #tpu.memory_space<hbm>> -> memref<32xi32, #tpu.memory_space<hbm>>
      %dma_wait3A_453 = arith.constant 0 : i32
      %dma_wait3A_454 = tpu.memref_slice %arg5[%run_scoped3A_33, %dma_wait3A_453] : memref<2x32xi32, #tpu.memory_space<vmem>> -> memref<1x32xi32, #tpu.memory_space<vmem>>
      %dma_wait3A_455 = tpu.memref_squeeze %dma_wait3A_454 : memref<1x32xi32, #tpu.memory_space<vmem>> -> memref<32xi32, #tpu.memory_space<vmem>>
      %dma_wait3A_456 = tpu.memref_slice %arg3[%add3A_32] : memref<8192xi32, #tpu.memory_space<hbm>> -> memref<32xi32, #tpu.memory_space<hbm>>
      tpu.wait_dma2 semaphore(%run_scoped3A_440 : memref<!tpu.dma_semaphore, #tpu.memory_space<semaphore_mem>>) src(%dma_wait3A_456 : memref<32xi32, #tpu.memory_space<hbm>>) dst(%dma_wait3A_455 : memref<32xi32, #tpu.memory_space<vmem>>)
      tpu.yield
    }) : () -> ()
    %add3A_34 = arith.constant 32 : i32
    %add3A_35 = arith.addi %mul3A_2, %add3A_34 : i32
    %dma_start3A_36 = arith.constant 1 : i32
    %dma_start3A_37 = arith.constant 0 : i32
    %dma_start3A_38 = arith.constant 0 : i32
    %dma_start3A_39 = tpu.memref_slice %arg6[%dma_start3A_36, %dma_start3A_37, %dma_start3A_38] : memref<2x32x1024xf32, #tpu.memory_space<vmem>> -> memref<1x32x1024xf32, #tpu.memory_space<vmem>>
    %dma_start3A_40 = tpu.memref_squeeze %dma_start3A_39 : memref<1x32x1024xf32, #tpu.memory_space<vmem>> -> memref<32x1024xf32, #tpu.memory_space<vmem>>
    %dma_start3A_41 = arith.constant 0 : i32
    %dma_start3A_42 = tpu.memref_slice %arg2[%add3A_35, %dma_start3A_41] : memref<8192x1024xf32, #tpu.memory_space<hbm>> -> memref<32x1024xf32, #tpu.memory_space<hbm>>
    %dma_start3A_43 = arith.constant 0 : i32
    %dma_start3A_44 = arith.constant 0 : i32
    %dma_start3A_45 = tpu.memref_slice %arg6[%dma_start3A_36, %dma_start3A_43, %dma_start3A_44] : memref<2x32x1024xf32, #tpu.memory_space<vmem>> -> memref<1x32x1024xf32, #tpu.memory_space<vmem>>
    %dma_start3A_46 = tpu.memref_squeeze %dma_start3A_45 : memref<1x32x1024xf32, #tpu.memory_space<vmem>> -> memref<32x1024xf32, #tpu.memory_space<vmem>>
    %dma_start3A_47 = arith.constant 0 : i32
    %dma_start3A_48 = tpu.memref_slice %arg2[%add3A_35, %dma_start3A_47] : memref<8192x1024xf32, #tpu.memory_space<hbm>> -> memref<32x1024xf32, #tpu.memory_space<hbm>>
    tpu.enqueue_dma source(%dma_start3A_48 : memref<32x1024xf32, #tpu.memory_space<hbm>>) target(%dma_start3A_46 : memref<32x1024xf32, #tpu.memory_space<vmem>>) target_semaphore(%arg9 : memref<!tpu.dma_semaphore, #tpu.memory_space<semaphore_mem>>)
    %dma_start3A_49 = arith.constant 0 : i32
    %dma_start3A_50 = arith.constant 0 : i32
    %dma_start3A_51 = arith.constant 0 : i32
    %dma_start3A_52 = arith.constant 0 : i32
    %dma_start3A_53 = tpu.memref_slice %arg6[%dma_start3A_49, %dma_start3A_51, %dma_start3A_52] : memref<2x32x1024xf32, #tpu.memory_space<vmem>> -> memref<1x32x1024xf32, #tpu.memory_space<vmem>>
    %dma_start3A_54 = tpu.memref_squeeze %dma_start3A_53 : memref<1x32x1024xf32, #tpu.memory_space<vmem>> -> memref<32x1024xf32, #tpu.memory_space<vmem>>
    %dma_start3A_55 = arith.constant 0 : i32
    %dma_start3A_56 = tpu.memref_slice %arg5[%dma_start3A_50, %dma_start3A_55] : memref<2x32xi32, #tpu.memory_space<vmem>> -> memref<1x32xi32, #tpu.memory_space<vmem>>
    %dma_start3A_57 = tpu.memref_squeeze %dma_start3A_56 : memref<1x32xi32, #tpu.memory_space<vmem>> -> memref<32xi32, #tpu.memory_space<vmem>>
    %dma_start3A_58 = arith.constant 0 : i32
    %dma_start3A_59 = arith.constant 0 : i32
    %dma_start3A_60 = tpu.memref_slice %arg4[%dma_start3A_58, %dma_start3A_59] : memref<10240x1024xf32, #tpu.memory_space<hbm>> -> memref<10240x1024xf32, #tpu.memory_space<hbm>>
    tpu.enqueue_indirect_dma source(%dma_start3A_54 : memref<32x1024xf32, #tpu.memory_space<vmem>>) target(%dma_start3A_60 : memref<10240x1024xf32, #tpu.memory_space<hbm>>) offsets(%dma_start3A_57 : memref<32xi32, #tpu.memory_space<vmem>>) semaphore(%arg7 : memref<!tpu.dma_semaphore, #tpu.memory_space<semaphore_mem>>)
    %dma_wait3A_61 = arith.constant 1 : i32
    %dma_wait3A_62 = arith.constant 0 : i32
    %dma_wait3A_63 = arith.constant 0 : i32
    %dma_wait3A_64 = tpu.memref_slice %arg6[%dma_wait3A_61, %dma_wait3A_62, %dma_wait3A_63] : memref<2x32x1024xf32, #tpu.memory_space<vmem>> -> memref<1x32x1024xf32, #tpu.memory_space<vmem>>
    %dma_wait3A_65 = tpu.memref_squeeze %dma_wait3A_64 : memref<1x32x1024xf32, #tpu.memory_space<vmem>> -> memref<32x1024xf32, #tpu.memory_space<vmem>>
    %dma_wait3A_66 = arith.constant 0 : i32
    %dma_wait3A_67 = tpu.memref_slice %arg2[%add3A_35, %dma_wait3A_66] : memref<8192x1024xf32, #tpu.memory_space<hbm>> -> memref<32x1024xf32, #tpu.memory_space<hbm>>
    %dma_wait3A_68 = arith.constant 0 : i32
    %dma_wait3A_69 = arith.constant 0 : i32
    %dma_wait3A_70 = tpu.memref_slice %arg6[%dma_wait3A_61, %dma_wait3A_68, %dma_wait3A_69] : memref<2x32x1024xf32, #tpu.memory_space<vmem>> -> memref<1x32x1024xf32, #tpu.memory_space<vmem>>
    %dma_wait3A_71 = tpu.memref_squeeze %dma_wait3A_70 : memref<1x32x1024xf32, #tpu.memory_space<vmem>> -> memref<32x1024xf32, #tpu.memory_space<vmem>>
    %dma_wait3A_72 = arith.constant 0 : i32
    %dma_wait3A_73 = tpu.memref_slice %arg2[%add3A_35, %dma_wait3A_72] : memref<8192x1024xf32, #tpu.memory_space<hbm>> -> memref<32x1024xf32, #tpu.memory_space<hbm>>
    tpu.wait_dma2 semaphore(%arg9 : memref<!tpu.dma_semaphore, #tpu.memory_space<semaphore_mem>>) src(%dma_wait3A_73 : memref<32x1024xf32, #tpu.memory_space<hbm>>) dst(%dma_wait3A_71 : memref<32x1024xf32, #tpu.memory_space<vmem>>)
    %dma_wait3A_74 = arith.constant 0 : i32
    %dma_wait3A_75 = arith.constant 0 : i32
    %dma_wait3A_76 = arith.constant 0 : i32
    %dma_wait3A_77 = arith.constant 0 : i32
    %dma_wait3A_78 = tpu.memref_slice %arg6[%dma_wait3A_74, %dma_wait3A_76, %dma_wait3A_77] : memref<2x32x1024xf32, #tpu.memory_space<vmem>> -> memref<1x32x1024xf32, #tpu.memory_space<vmem>>
    %dma_wait3A_79 = tpu.memref_squeeze %dma_wait3A_78 : memref<1x32x1024xf32, #tpu.memory_space<vmem>> -> memref<32x1024xf32, #tpu.memory_space<vmem>>
    %dma_wait3A_80 = arith.constant 0 : i32
    %dma_wait3A_81 = tpu.memref_slice %arg5[%dma_wait3A_75, %dma_wait3A_80] : memref<2x32xi32, #tpu.memory_space<vmem>> -> memref<1x32xi32, #tpu.memory_space<vmem>>
    %dma_wait3A_82 = tpu.memref_squeeze %dma_wait3A_81 : memref<1x32xi32, #tpu.memory_space<vmem>> -> memref<32xi32, #tpu.memory_space<vmem>>
    %dma_wait3A_83 = arith.constant 0 : i32
    %dma_wait3A_84 = arith.constant 0 : i32
    %dma_wait3A_85 = tpu.memref_slice %arg4[%dma_wait3A_83, %dma_wait3A_84] : memref<10240x1024xf32, #tpu.memory_space<hbm>> -> memref<10240x1024xf32, #tpu.memory_space<hbm>>
    tpu.wait_indirect_dma semaphore(%arg7 : memref<!tpu.dma_semaphore, #tpu.memory_space<semaphore_mem>>) src(%dma_wait3A_79 : memref<32x1024xf32, #tpu.memory_space<vmem>>) dst(%dma_wait3A_85 : memref<10240x1024xf32, #tpu.memory_space<hbm>>)
    %add3A_86 = arith.constant 64 : i32
    %add3A_87 = arith.addi %mul3A_2, %add3A_86 : i32
    %run_scoped3A_88 = arith.constant 0 : i32
    "tpu.region"() ({
      %run_scoped3A_440 = tpu.sem_alloc : memref<!tpu.dma_semaphore, #tpu.memory_space<semaphore_mem>>
      %dma_start3A_441 = arith.constant 0 : i32
      %dma_start3A_442 = tpu.memref_slice %arg5[%run_scoped3A_88, %dma_start3A_441] : memref<2x32xi32, #tpu.memory_space<vmem>> -> memref<1x32xi32, #tpu.memory_space<vmem>>
      %dma_start3A_443 = tpu.memref_squeeze %dma_start3A_442 : memref<1x32xi32, #tpu.memory_space<vmem>> -> memref<32xi32, #tpu.memory_space<vmem>>
      %dma_start3A_444 = tpu.memref_slice %arg3[%add3A_87] : memref<8192xi32, #tpu.memory_space<hbm>> -> memref<32xi32, #tpu.memory_space<hbm>>
      %dma_start3A_445 = arith.constant 0 : i32
      %dma_start3A_446 = tpu.memref_slice %arg5[%run_scoped3A_88, %dma_start3A_445] : memref<2x32xi32, #tpu.memory_space<vmem>> -> memref<1x32xi32, #tpu.memory_space<vmem>>
      %dma_start3A_447 = tpu.memref_squeeze %dma_start3A_446 : memref<1x32xi32, #tpu.memory_space<vmem>> -> memref<32xi32, #tpu.memory_space<vmem>>
      %dma_start3A_448 = tpu.memref_slice %arg3[%add3A_87] : memref<8192xi32, #tpu.memory_space<hbm>> -> memref<32xi32, #tpu.memory_space<hbm>>
      tpu.enqueue_dma source(%dma_start3A_448 : memref<32xi32, #tpu.memory_space<hbm>>) target(%dma_start3A_447 : memref<32xi32, #tpu.memory_space<vmem>>) target_semaphore(%run_scoped3A_440 : memref<!tpu.dma_semaphore, #tpu.memory_space<semaphore_mem>>)
      %dma_wait3A_449 = arith.constant 0 : i32
      %dma_wait3A_450 = tpu.memref_slice %arg5[%run_scoped3A_88, %dma_wait3A_449] : memref<2x32xi32, #tpu.memory_space<vmem>> -> memref<1x32xi32, #tpu.memory_space<vmem>>
      %dma_wait3A_451 = tpu.memref_squeeze %dma_wait3A_450 : memref<1x32xi32, #tpu.memory_space<vmem>> -> memref<32xi32, #tpu.memory_space<vmem>>
      %dma_wait3A_452 = tpu.memref_slice %arg3[%add3A_87] : memref<8192xi32, #tpu.memory_space<hbm>> -> memref<32xi32, #tpu.memory_space<hbm>>
      %dma_wait3A_453 = arith.constant 0 : i32
      %dma_wait3A_454 = tpu.memref_slice %arg5[%run_scoped3A_88, %dma_wait3A_453] : memref<2x32xi32, #tpu.memory_space<vmem>> -> memref<1x32xi32, #tpu.memory_space<vmem>>
      %dma_wait3A_455 = tpu.memref_squeeze %dma_wait3A_454 : memref<1x32xi32, #tpu.memory_space<vmem>> -> memref<32xi32, #tpu.memory_space<vmem>>
      %dma_wait3A_456 = tpu.memref_slice %arg3[%add3A_87] : memref<8192xi32, #tpu.memory_space<hbm>> -> memref<32xi32, #tpu.memory_space<hbm>>
      tpu.wait_dma2 semaphore(%run_scoped3A_440 : memref<!tpu.dma_semaphore, #tpu.memory_space<semaphore_mem>>) src(%dma_wait3A_456 : memref<32xi32, #tpu.memory_space<hbm>>) dst(%dma_wait3A_455 : memref<32xi32, #tpu.memory_space<vmem>>)
      tpu.yield
    }) : () -> ()
    %add3A_89 = arith.constant 64 : i32
    %add3A_90 = arith.addi %mul3A_2, %add3A_89 : i32
    %dma_start3A_91 = arith.constant 0 : i32
    %dma_start3A_92 = arith.constant 0 : i32
    %dma_start3A_93 = arith.constant 0 : i32
    %dma_start3A_94 = tpu.memref_slice %arg6[%dma_start3A_91, %dma_start3A_92, %dma_start3A_93] : memref<2x32x1024xf32, #tpu.memory_space<vmem>> -> memref<1x32x1024xf32, #tpu.memory_space<vmem>>
    %dma_start3A_95 = tpu.memref_squeeze %dma_start3A_94 : memref<1x32x1024xf32, #tpu.memory_space<vmem>> -> memref<32x1024xf32, #tpu.memory_space<vmem>>
    %dma_start3A_96 = arith.constant 0 : i32
    %dma_start3A_97 = tpu.memref_slice %arg2[%add3A_90, %dma_start3A_96] : memref<8192x1024xf32, #tpu.memory_space<hbm>> -> memref<32x1024xf32, #tpu.memory_space<hbm>>
    %dma_start3A_98 = arith.constant 0 : i32
    %dma_start3A_99 = arith.constant 0 : i32
    %dma_start3A_100 = tpu.memref_slice %arg6[%dma_start3A_91, %dma_start3A_98, %dma_start3A_99] : memref<2x32x1024xf32, #tpu.memory_space<vmem>> -> memref<1x32x1024xf32, #tpu.memory_space<vmem>>
    %dma_start3A_101 = tpu.memref_squeeze %dma_start3A_100 : memref<1x32x1024xf32, #tpu.memory_space<vmem>> -> memref<32x1024xf32, #tpu.memory_space<vmem>>
    %dma_start3A_102 = arith.constant 0 : i32
    %dma_start3A_103 = tpu.memref_slice %arg2[%add3A_90, %dma_start3A_102] : memref<8192x1024xf32, #tpu.memory_space<hbm>> -> memref<32x1024xf32, #tpu.memory_space<hbm>>
    tpu.enqueue_dma source(%dma_start3A_103 : memref<32x1024xf32, #tpu.memory_space<hbm>>) target(%dma_start3A_101 : memref<32x1024xf32, #tpu.memory_space<vmem>>) target_semaphore(%arg9 : memref<!tpu.dma_semaphore, #tpu.memory_space<semaphore_mem>>)
    %dma_start3A_104 = arith.constant 1 : i32
    %dma_start3A_105 = arith.constant 1 : i32
    %dma_start3A_106 = arith.constant 0 : i32
    %dma_start3A_107 = arith.constant 0 : i32
    %dma_start3A_108 = tpu.memref_slice %arg6[%dma_start3A_104, %dma_start3A_106, %dma_start3A_107] : memref<2x32x1024xf32, #tpu.memory_space<vmem>> -> memref<1x32x1024xf32, #tpu.memory_space<vmem>>
    %dma_start3A_109 = tpu.memref_squeeze %dma_start3A_108 : memref<1x32x1024xf32, #tpu.memory_space<vmem>> -> memref<32x1024xf32, #tpu.memory_space<vmem>>
    %dma_start3A_110 = arith.constant 0 : i32
    %dma_start3A_111 = tpu.memref_slice %arg5[%dma_start3A_105, %dma_start3A_110] : memref<2x32xi32, #tpu.memory_space<vmem>> -> memref<1x32xi32, #tpu.memory_space<vmem>>
    %dma_start3A_112 = tpu.memref_squeeze %dma_start3A_111 : memref<1x32xi32, #tpu.memory_space<vmem>> -> memref<32xi32, #tpu.memory_space<vmem>>
    %dma_start3A_113 = arith.constant 0 : i32
    %dma_start3A_114 = arith.constant 0 : i32
    %dma_start3A_115 = tpu.memref_slice %arg4[%dma_start3A_113, %dma_start3A_114] : memref<10240x1024xf32, #tpu.memory_space<hbm>> -> memref<10240x1024xf32, #tpu.memory_space<hbm>>
    tpu.enqueue_indirect_dma source(%dma_start3A_109 : memref<32x1024xf32, #tpu.memory_space<vmem>>) target(%dma_start3A_115 : memref<10240x1024xf32, #tpu.memory_space<hbm>>) offsets(%dma_start3A_112 : memref<32xi32, #tpu.memory_space<vmem>>) semaphore(%arg8 : memref<!tpu.dma_semaphore, #tpu.memory_space<semaphore_mem>>)
    %dma_wait3A_116 = arith.constant 0 : i32
    %dma_wait3A_117 = arith.constant 0 : i32
    %dma_wait3A_118 = arith.constant 0 : i32
    %dma_wait3A_119 = tpu.memref_slice %arg6[%dma_wait3A_116, %dma_wait3A_117, %dma_wait3A_118] : memref<2x32x1024xf32, #tpu.memory_space<vmem>> -> memref<1x32x1024xf32, #tpu.memory_space<vmem>>
    %dma_wait3A_120 = tpu.memref_squeeze %dma_wait3A_119 : memref<1x32x1024xf32, #tpu.memory_space<vmem>> -> memref<32x1024xf32, #tpu.memory_space<vmem>>
    %dma_wait3A_121 = arith.constant 0 : i32
    %dma_wait3A_122 = tpu.memref_slice %arg2[%add3A_90, %dma_wait3A_121] : memref<8192x1024xf32, #tpu.memory_space<hbm>> -> memref<32x1024xf32, #tpu.memory_space<hbm>>
    %dma_wait3A_123 = arith.constant 0 : i32
    %dma_wait3A_124 = arith.constant 0 : i32
    %dma_wait3A_125 = tpu.memref_slice %arg6[%dma_wait3A_116, %dma_wait3A_123, %dma_wait3A_124] : memref<2x32x1024xf32, #tpu.memory_space<vmem>> -> memref<1x32x1024xf32, #tpu.memory_space<vmem>>
    %dma_wait3A_126 = tpu.memref_squeeze %dma_wait3A_125 : memref<1x32x1024xf32, #tpu.memory_space<vmem>> -> memref<32x1024xf32, #tpu.memory_space<vmem>>
    %dma_wait3A_127 = arith.constant 0 : i32
    %dma_wait3A_128 = tpu.memref_slice %arg2[%add3A_90, %dma_wait3A_127] : memref<8192x1024xf32, #tpu.memory_space<hbm>> -> memref<32x1024xf32, #tpu.memory_space<hbm>>
    tpu.wait_dma2 semaphore(%arg9 : memref<!tpu.dma_semaphore, #tpu.memory_space<semaphore_mem>>) src(%dma_wait3A_128 : memref<32x1024xf32, #tpu.memory_space<hbm>>) dst(%dma_wait3A_126 : memref<32x1024xf32, #tpu.memory_space<vmem>>)
    %dma_wait3A_129 = arith.constant 1 : i32
    %dma_wait3A_130 = arith.constant 1 : i32
    %dma_wait3A_131 = arith.constant 0 : i32
    %dma_wait3A_132 = arith.constant 0 : i32
    %dma_wait3A_133 = tpu.memref_slice %arg6[%dma_wait3A_129, %dma_wait3A_131, %dma_wait3A_132] : memref<2x32x1024xf32, #tpu.memory_space<vmem>> -> memref<1x32x1024xf32, #tpu.memory_space<vmem>>
    %dma_wait3A_134 = tpu.memref_squeeze %dma_wait3A_133 : memref<1x32x1024xf32, #tpu.memory_space<vmem>> -> memref<32x1024xf32, #tpu.memory_space<vmem>>
    %dma_wait3A_135 = arith.constant 0 : i32
    %dma_wait3A_136 = tpu.memref_slice %arg5[%dma_wait3A_130, %dma_wait3A_135] : memref<2x32xi32, #tpu.memory_space<vmem>> -> memref<1x32xi32, #tpu.memory_space<vmem>>
    %dma_wait3A_137 = tpu.memref_squeeze %dma_wait3A_136 : memref<1x32xi32, #tpu.memory_space<vmem>> -> memref<32xi32, #tpu.memory_space<vmem>>
    %dma_wait3A_138 = arith.constant 0 : i32
    %dma_wait3A_139 = arith.constant 0 : i32
    %dma_wait3A_140 = tpu.memref_slice %arg4[%dma_wait3A_138, %dma_wait3A_139] : memref<10240x1024xf32, #tpu.memory_space<hbm>> -> memref<10240x1024xf32, #tpu.memory_space<hbm>>
    tpu.wait_indirect_dma semaphore(%arg8 : memref<!tpu.dma_semaphore, #tpu.memory_space<semaphore_mem>>) src(%dma_wait3A_134 : memref<32x1024xf32, #tpu.memory_space<vmem>>) dst(%dma_wait3A_140 : memref<10240x1024xf32, #tpu.memory_space<hbm>>)
    %add3A_141 = arith.constant 96 : i32
    %add3A_142 = arith.addi %mul3A_2, %add3A_141 : i32
    %run_scoped3A_143 = arith.constant 1 : i32
    "tpu.region"() ({
      %run_scoped3A_440 = tpu.sem_alloc : memref<!tpu.dma_semaphore, #tpu.memory_space<semaphore_mem>>
      %dma_start3A_441 = arith.constant 0 : i32
      %dma_start3A_442 = tpu.memref_slice %arg5[%run_scoped3A_143, %dma_start3A_441] : memref<2x32xi32, #tpu.memory_space<vmem>> -> memref<1x32xi32, #tpu.memory_space<vmem>>
      %dma_start3A_443 = tpu.memref_squeeze %dma_start3A_442 : memref<1x32xi32, #tpu.memory_space<vmem>> -> memref<32xi32, #tpu.memory_space<vmem>>
      %dma_start3A_444 = tpu.memref_slice %arg3[%add3A_142] : memref<8192xi32, #tpu.memory_space<hbm>> -> memref<32xi32, #tpu.memory_space<hbm>>
      %dma_start3A_445 = arith.constant 0 : i32
      %dma_start3A_446 = tpu.memref_slice %arg5[%run_scoped3A_143, %dma_start3A_445] : memref<2x32xi32, #tpu.memory_space<vmem>> -> memref<1x32xi32, #tpu.memory_space<vmem>>
      %dma_start3A_447 = tpu.memref_squeeze %dma_start3A_446 : memref<1x32xi32, #tpu.memory_space<vmem>> -> memref<32xi32, #tpu.memory_space<vmem>>
      %dma_start3A_448 = tpu.memref_slice %arg3[%add3A_142] : memref<8192xi32, #tpu.memory_space<hbm>> -> memref<32xi32, #tpu.memory_space<hbm>>
      tpu.enqueue_dma source(%dma_start3A_448 : memref<32xi32, #tpu.memory_space<hbm>>) target(%dma_start3A_447 : memref<32xi32, #tpu.memory_space<vmem>>) target_semaphore(%run_scoped3A_440 : memref<!tpu.dma_semaphore, #tpu.memory_space<semaphore_mem>>)
      %dma_wait3A_449 = arith.constant 0 : i32
      %dma_wait3A_450 = tpu.memref_slice %arg5[%run_scoped3A_143, %dma_wait3A_449] : memref<2x32xi32, #tpu.memory_space<vmem>> -> memref<1x32xi32, #tpu.memory_space<vmem>>
      %dma_wait3A_451 = tpu.memref_squeeze %dma_wait3A_450 : memref<1x32xi32, #tpu.memory_space<vmem>> -> memref<32xi32, #tpu.memory_space<vmem>>
      %dma_wait3A_452 = tpu.memref_slice %arg3[%add3A_142] : memref<8192xi32, #tpu.memory_space<hbm>> -> memref<32xi32, #tpu.memory_space<hbm>>
      %dma_wait3A_453 = arith.constant 0 : i32
      %dma_wait3A_454 = tpu.memref_slice %arg5[%run_scoped3A_143, %dma_wait3A_453] : memref<2x32xi32, #tpu.memory_space<vmem>> -> memref<1x32xi32, #tpu.memory_space<vmem>>
      %dma_wait3A_455 = tpu.memref_squeeze %dma_wait3A_454 : memref<1x32xi32, #tpu.memory_space<vmem>> -> memref<32xi32, #tpu.memory_space<vmem>>
      %dma_wait3A_456 = tpu.memref_slice %arg3[%add3A_142] : memref<8192xi32, #tpu.memory_space<hbm>> -> memref<32xi32, #tpu.memory_space<hbm>>
      tpu.wait_dma2 semaphore(%run_scoped3A_440 : memref<!tpu.dma_semaphore, #tpu.memory_space<semaphore_mem>>) src(%dma_wait3A_456 : memref<32xi32, #tpu.memory_space<hbm>>) dst(%dma_wait3A_455 : memref<32xi32, #tpu.memory_space<vmem>>)
      tpu.yield
    }) : () -> ()
    %add3A_144 = arith.constant 96 : i32
    %add3A_145 = arith.addi %mul3A_2, %add3A_144 : i32
    %dma_start3A_146 = arith.constant 1 : i32
    %dma_start3A_147 = arith.constant 0 : i32
    %dma_start3A_148 = arith.constant 0 : i32
    %dma_start3A_149 = tpu.memref_slice %arg6[%dma_start3A_146, %dma_start3A_147, %dma_start3A_148] : memref<2x32x1024xf32, #tpu.memory_space<vmem>> -> memref<1x32x1024xf32, #tpu.memory_space<vmem>>
    %dma_start3A_150 = tpu.memref_squeeze %dma_start3A_149 : memref<1x32x1024xf32, #tpu.memory_space<vmem>> -> memref<32x1024xf32, #tpu.memory_space<vmem>>
    %dma_start3A_151 = arith.constant 0 : i32
    %dma_start3A_152 = tpu.memref_slice %arg2[%add3A_145, %dma_start3A_151] : memref<8192x1024xf32, #tpu.memory_space<hbm>> -> memref<32x1024xf32, #tpu.memory_space<hbm>>
    %dma_start3A_153 = arith.constant 0 : i32
    %dma_start3A_154 = arith.constant 0 : i32
    %dma_start3A_155 = tpu.memref_slice %arg6[%dma_start3A_146, %dma_start3A_153, %dma_start3A_154] : memref<2x32x1024xf32, #tpu.memory_space<vmem>> -> memref<1x32x1024xf32, #tpu.memory_space<vmem>>
    %dma_start3A_156 = tpu.memref_squeeze %dma_start3A_155 : memref<1x32x1024xf32, #tpu.memory_space<vmem>> -> memref<32x1024xf32, #tpu.memory_space<vmem>>
    %dma_start3A_157 = arith.constant 0 : i32
    %dma_start3A_158 = tpu.memref_slice %arg2[%add3A_145, %dma_start3A_157] : memref<8192x1024xf32, #tpu.memory_space<hbm>> -> memref<32x1024xf32, #tpu.memory_space<hbm>>
    tpu.enqueue_dma source(%dma_start3A_158 : memref<32x1024xf32, #tpu.memory_space<hbm>>) target(%dma_start3A_156 : memref<32x1024xf32, #tpu.memory_space<vmem>>) target_semaphore(%arg9 : memref<!tpu.dma_semaphore, #tpu.memory_space<semaphore_mem>>)
    %dma_start3A_159 = arith.constant 0 : i32
    %dma_start3A_160 = arith.constant 0 : i32
    %dma_start3A_161 = arith.constant 0 : i32
    %dma_start3A_162 = arith.constant 0 : i32
    %dma_start3A_163 = tpu.memref_slice %arg6[%dma_start3A_159, %dma_start3A_161, %dma_start3A_162] : memref<2x32x1024xf32, #tpu.memory_space<vmem>> -> memref<1x32x1024xf32, #tpu.memory_space<vmem>>
    %dma_start3A_164 = tpu.memref_squeeze %dma_start3A_163 : memref<1x32x1024xf32, #tpu.memory_space<vmem>> -> memref<32x1024xf32, #tpu.memory_space<vmem>>
    %dma_start3A_165 = arith.constant 0 : i32
    %dma_start3A_166 = tpu.memref_slice %arg5[%dma_start3A_160, %dma_start3A_165] : memref<2x32xi32, #tpu.memory_space<vmem>> -> memref<1x32xi32, #tpu.memory_space<vmem>>
    %dma_start3A_167 = tpu.memref_squeeze %dma_start3A_166 : memref<1x32xi32, #tpu.memory_space<vmem>> -> memref<32xi32, #tpu.memory_space<vmem>>
    %dma_start3A_168 = arith.constant 0 : i32
    %dma_start3A_169 = arith.constant 0 : i32
    %dma_start3A_170 = tpu.memref_slice %arg4[%dma_start3A_168, %dma_start3A_169] : memref<10240x1024xf32, #tpu.memory_space<hbm>> -> memref<10240x1024xf32, #tpu.memory_space<hbm>>
    tpu.enqueue_indirect_dma source(%dma_start3A_164 : memref<32x1024xf32, #tpu.memory_space<vmem>>) target(%dma_start3A_170 : memref<10240x1024xf32, #tpu.memory_space<hbm>>) offsets(%dma_start3A_167 : memref<32xi32, #tpu.memory_space<vmem>>) semaphore(%arg7 : memref<!tpu.dma_semaphore, #tpu.memory_space<semaphore_mem>>)
    %dma_wait3A_171 = arith.constant 1 : i32
    %dma_wait3A_172 = arith.constant 0 : i32
    %dma_wait3A_173 = arith.constant 0 : i32
    %dma_wait3A_174 = tpu.memref_slice %arg6[%dma_wait3A_171, %dma_wait3A_172, %dma_wait3A_173] : memref<2x32x1024xf32, #tpu.memory_space<vmem>> -> memref<1x32x1024xf32, #tpu.memory_space<vmem>>
    %dma_wait3A_175 = tpu.memref_squeeze %dma_wait3A_174 : memref<1x32x1024xf32, #tpu.memory_space<vmem>> -> memref<32x1024xf32, #tpu.memory_space<vmem>>
    %dma_wait3A_176 = arith.constant 0 : i32
    %dma_wait3A_177 = tpu.memref_slice %arg2[%add3A_145, %dma_wait3A_176] : memref<8192x1024xf32, #tpu.memory_space<hbm>> -> memref<32x1024xf32, #tpu.memory_space<hbm>>
    %dma_wait3A_178 = arith.constant 0 : i32
    %dma_wait3A_179 = arith.constant 0 : i32
    %dma_wait3A_180 = tpu.memref_slice %arg6[%dma_wait3A_171, %dma_wait3A_178, %dma_wait3A_179] : memref<2x32x1024xf32, #tpu.memory_space<vmem>> -> memref<1x32x1024xf32, #tpu.memory_space<vmem>>
    %dma_wait3A_181 = tpu.memref_squeeze %dma_wait3A_180 : memref<1x32x1024xf32, #tpu.memory_space<vmem>> -> memref<32x1024xf32, #tpu.memory_space<vmem>>
    %dma_wait3A_182 = arith.constant 0 : i32
    %dma_wait3A_183 = tpu.memref_slice %arg2[%add3A_145, %dma_wait3A_182] : memref<8192x1024xf32, #tpu.memory_space<hbm>> -> memref<32x1024xf32, #tpu.memory_space<hbm>>
    tpu.wait_dma2 semaphore(%arg9 : memref<!tpu.dma_semaphore, #tpu.memory_space<semaphore_mem>>) src(%dma_wait3A_183 : memref<32x1024xf32, #tpu.memory_space<hbm>>) dst(%dma_wait3A_181 : memref<32x1024xf32, #tpu.memory_space<vmem>>)
    %dma_wait3A_184 = arith.constant 0 : i32
    %dma_wait3A_185 = arith.constant 0 : i32
    %dma_wait3A_186 = arith.constant 0 : i32
    %dma_wait3A_187 = arith.constant 0 : i32
    %dma_wait3A_188 = tpu.memref_slice %arg6[%dma_wait3A_184, %dma_wait3A_186, %dma_wait3A_187] : memref<2x32x1024xf32, #tpu.memory_space<vmem>> -> memref<1x32x1024xf32, #tpu.memory_space<vmem>>
    %dma_wait3A_189 = tpu.memref_squeeze %dma_wait3A_188 : memref<1x32x1024xf32, #tpu.memory_space<vmem>> -> memref<32x1024xf32, #tpu.memory_space<vmem>>
    %dma_wait3A_190 = arith.constant 0 : i32
    %dma_wait3A_191 = tpu.memref_slice %arg5[%dma_wait3A_185, %dma_wait3A_190] : memref<2x32xi32, #tpu.memory_space<vmem>> -> memref<1x32xi32, #tpu.memory_space<vmem>>
    %dma_wait3A_192 = tpu.memref_squeeze %dma_wait3A_191 : memref<1x32xi32, #tpu.memory_space<vmem>> -> memref<32xi32, #tpu.memory_space<vmem>>
    %dma_wait3A_193 = arith.constant 0 : i32
    %dma_wait3A_194 = arith.constant 0 : i32
    %dma_wait3A_195 = tpu.memref_slice %arg4[%dma_wait3A_193, %dma_wait3A_194] : memref<10240x1024xf32, #tpu.memory_space<hbm>> -> memref<10240x1024xf32, #tpu.memory_space<hbm>>
    tpu.wait_indirect_dma semaphore(%arg7 : memref<!tpu.dma_semaphore, #tpu.memory_space<semaphore_mem>>) src(%dma_wait3A_189 : memref<32x1024xf32, #tpu.memory_space<vmem>>) dst(%dma_wait3A_195 : memref<10240x1024xf32, #tpu.memory_space<hbm>>)
    %add3A_196 = arith.constant 128 : i32
    %add3A_197 = arith.addi %mul3A_2, %add3A_196 : i32
    %run_scoped3A_198 = arith.constant 0 : i32
    "tpu.region"() ({
      %run_scoped3A_440 = tpu.sem_alloc : memref<!tpu.dma_semaphore, #tpu.memory_space<semaphore_mem>>
      %dma_start3A_441 = arith.constant 0 : i32
      %dma_start3A_442 = tpu.memref_slice %arg5[%run_scoped3A_198, %dma_start3A_441] : memref<2x32xi32, #tpu.memory_space<vmem>> -> memref<1x32xi32, #tpu.memory_space<vmem>>
      %dma_start3A_443 = tpu.memref_squeeze %dma_start3A_442 : memref<1x32xi32, #tpu.memory_space<vmem>> -> memref<32xi32, #tpu.memory_space<vmem>>
      %dma_start3A_444 = tpu.memref_slice %arg3[%add3A_197] : memref<8192xi32, #tpu.memory_space<hbm>> -> memref<32xi32, #tpu.memory_space<hbm>>
      %dma_start3A_445 = arith.constant 0 : i32
      %dma_start3A_446 = tpu.memref_slice %arg5[%run_scoped3A_198, %dma_start3A_445] : memref<2x32xi32, #tpu.memory_space<vmem>> -> memref<1x32xi32, #tpu.memory_space<vmem>>
      %dma_start3A_447 = tpu.memref_squeeze %dma_start3A_446 : memref<1x32xi32, #tpu.memory_space<vmem>> -> memref<32xi32, #tpu.memory_space<vmem>>
      %dma_start3A_448 = tpu.memref_slice %arg3[%add3A_197] : memref<8192xi32, #tpu.memory_space<hbm>> -> memref<32xi32, #tpu.memory_space<hbm>>
      tpu.enqueue_dma source(%dma_start3A_448 : memref<32xi32, #tpu.memory_space<hbm>>) target(%dma_start3A_447 : memref<32xi32, #tpu.memory_space<vmem>>) target_semaphore(%run_scoped3A_440 : memref<!tpu.dma_semaphore, #tpu.memory_space<semaphore_mem>>)
      %dma_wait3A_449 = arith.constant 0 : i32
      %dma_wait3A_450 = tpu.memref_slice %arg5[%run_scoped3A_198, %dma_wait3A_449] : memref<2x32xi32, #tpu.memory_space<vmem>> -> memref<1x32xi32, #tpu.memory_space<vmem>>
      %dma_wait3A_451 = tpu.memref_squeeze %dma_wait3A_450 : memref<1x32xi32, #tpu.memory_space<vmem>> -> memref<32xi32, #tpu.memory_space<vmem>>
      %dma_wait3A_452 = tpu.memref_slice %arg3[%add3A_197] : memref<8192xi32, #tpu.memory_space<hbm>> -> memref<32xi32, #tpu.memory_space<hbm>>
      %dma_wait3A_453 = arith.constant 0 : i32
      %dma_wait3A_454 = tpu.memref_slice %arg5[%run_scoped3A_198, %dma_wait3A_453] : memref<2x32xi32, #tpu.memory_space<vmem>> -> memref<1x32xi32, #tpu.memory_space<vmem>>
      %dma_wait3A_455 = tpu.memref_squeeze %dma_wait3A_454 : memref<1x32xi32, #tpu.memory_space<vmem>> -> memref<32xi32, #tpu.memory_space<vmem>>
      %dma_wait3A_456 = tpu.memref_slice %arg3[%add3A_197] : memref<8192xi32, #tpu.memory_space<hbm>> -> memref<32xi32, #tpu.memory_space<hbm>>
      tpu.wait_dma2 semaphore(%run_scoped3A_440 : memref<!tpu.dma_semaphore, #tpu.memory_space<semaphore_mem>>) src(%dma_wait3A_456 : memref<32xi32, #tpu.memory_space<hbm>>) dst(%dma_wait3A_455 : memref<32xi32, #tpu.memory_space<vmem>>)
      tpu.yield
    }) : () -> ()
    %add3A_199 = arith.constant 128 : i32
    %add3A_200 = arith.addi %mul3A_2, %add3A_199 : i32
    %dma_start3A_201 = arith.constant 0 : i32
    %dma_start3A_202 = arith.constant 0 : i32
    %dma_start3A_203 = arith.constant 0 : i32
    %dma_start3A_204 = tpu.memref_slice %arg6[%dma_start3A_201, %dma_start3A_202, %dma_start3A_203] : memref<2x32x1024xf32, #tpu.memory_space<vmem>> -> memref<1x32x1024xf32, #tpu.memory_space<vmem>>
    %dma_start3A_205 = tpu.memref_squeeze %dma_start3A_204 : memref<1x32x1024xf32, #tpu.memory_space<vmem>> -> memref<32x1024xf32, #tpu.memory_space<vmem>>
    %dma_start3A_206 = arith.constant 0 : i32
    %dma_start3A_207 = tpu.memref_slice %arg2[%add3A_200, %dma_start3A_206] : memref<8192x1024xf32, #tpu.memory_space<hbm>> -> memref<32x1024xf32, #tpu.memory_space<hbm>>
    %dma_start3A_208 = arith.constant 0 : i32
    %dma_start3A_209 = arith.constant 0 : i32
    %dma_start3A_210 = tpu.memref_slice %arg6[%dma_start3A_201, %dma_start3A_208, %dma_start3A_209] : memref<2x32x1024xf32, #tpu.memory_space<vmem>> -> memref<1x32x1024xf32, #tpu.memory_space<vmem>>
    %dma_start3A_211 = tpu.memref_squeeze %dma_start3A_210 : memref<1x32x1024xf32, #tpu.memory_space<vmem>> -> memref<32x1024xf32, #tpu.memory_space<vmem>>
    %dma_start3A_212 = arith.constant 0 : i32
    %dma_start3A_213 = tpu.memref_slice %arg2[%add3A_200, %dma_start3A_212] : memref<8192x1024xf32, #tpu.memory_space<hbm>> -> memref<32x1024xf32, #tpu.memory_space<hbm>>
    tpu.enqueue_dma source(%dma_start3A_213 : memref<32x1024xf32, #tpu.memory_space<hbm>>) target(%dma_start3A_211 : memref<32x1024xf32, #tpu.memory_space<vmem>>) target_semaphore(%arg9 : memref<!tpu.dma_semaphore, #tpu.memory_space<semaphore_mem>>)
    %dma_start3A_214 = arith.constant 1 : i32
    %dma_start3A_215 = arith.constant 1 : i32
    %dma_start3A_216 = arith.constant 0 : i32
    %dma_start3A_217 = arith.constant 0 : i32
    %dma_start3A_218 = tpu.memref_slice %arg6[%dma_start3A_214, %dma_start3A_216, %dma_start3A_217] : memref<2x32x1024xf32, #tpu.memory_space<vmem>> -> memref<1x32x1024xf32, #tpu.memory_space<vmem>>
    %dma_start3A_219 = tpu.memref_squeeze %dma_start3A_218 : memref<1x32x1024xf32, #tpu.memory_space<vmem>> -> memref<32x1024xf32, #tpu.memory_space<vmem>>
    %dma_start3A_220 = arith.constant 0 : i32
    %dma_start3A_221 = tpu.memref_slice %arg5[%dma_start3A_215, %dma_start3A_220] : memref<2x32xi32, #tpu.memory_space<vmem>> -> memref<1x32xi32, #tpu.memory_space<vmem>>
    %dma_start3A_222 = tpu.memref_squeeze %dma_start3A_221 : memref<1x32xi32, #tpu.memory_space<vmem>> -> memref<32xi32, #tpu.memory_space<vmem>>
    %dma_start3A_223 = arith.constant 0 : i32
    %dma_start3A_224 = arith.constant 0 : i32
    %dma_start3A_225 = tpu.memref_slice %arg4[%dma_start3A_223, %dma_start3A_224] : memref<10240x1024xf32, #tpu.memory_space<hbm>> -> memref<10240x1024xf32, #tpu.memory_space<hbm>>
    tpu.enqueue_indirect_dma source(%dma_start3A_219 : memref<32x1024xf32, #tpu.memory_space<vmem>>) target(%dma_start3A_225 : memref<10240x1024xf32, #tpu.memory_space<hbm>>) offsets(%dma_start3A_222 : memref<32xi32, #tpu.memory_space<vmem>>) semaphore(%arg8 : memref<!tpu.dma_semaphore, #tpu.memory_space<semaphore_mem>>)
    %dma_wait3A_226 = arith.constant 0 : i32
    %dma_wait3A_227 = arith.constant 0 : i32
    %dma_wait3A_228 = arith.constant 0 : i32
    %dma_wait3A_229 = tpu.memref_slice %arg6[%dma_wait3A_226, %dma_wait3A_227, %dma_wait3A_228] : memref<2x32x1024xf32, #tpu.memory_space<vmem>> -> memref<1x32x1024xf32, #tpu.memory_space<vmem>>
    %dma_wait3A_230 = tpu.memref_squeeze %dma_wait3A_229 : memref<1x32x1024xf32, #tpu.memory_space<vmem>> -> memref<32x1024xf32, #tpu.memory_space<vmem>>
    %dma_wait3A_231 = arith.constant 0 : i32
    %dma_wait3A_232 = tpu.memref_slice %arg2[%add3A_200, %dma_wait3A_231] : memref<8192x1024xf32, #tpu.memory_space<hbm>> -> memref<32x1024xf32, #tpu.memory_space<hbm>>
    %dma_wait3A_233 = arith.constant 0 : i32
    %dma_wait3A_234 = arith.constant 0 : i32
    %dma_wait3A_235 = tpu.memref_slice %arg6[%dma_wait3A_226, %dma_wait3A_233, %dma_wait3A_234] : memref<2x32x1024xf32, #tpu.memory_space<vmem>> -> memref<1x32x1024xf32, #tpu.memory_space<vmem>>
    %dma_wait3A_236 = tpu.memref_squeeze %dma_wait3A_235 : memref<1x32x1024xf32, #tpu.memory_space<vmem>> -> memref<32x1024xf32, #tpu.memory_space<vmem>>
    %dma_wait3A_237 = arith.constant 0 : i32
    %dma_wait3A_238 = tpu.memref_slice %arg2[%add3A_200, %dma_wait3A_237] : memref<8192x1024xf32, #tpu.memory_space<hbm>> -> memref<32x1024xf32, #tpu.memory_space<hbm>>
    tpu.wait_dma2 semaphore(%arg9 : memref<!tpu.dma_semaphore, #tpu.memory_space<semaphore_mem>>) src(%dma_wait3A_238 : memref<32x1024xf32, #tpu.memory_space<hbm>>) dst(%dma_wait3A_236 : memref<32x1024xf32, #tpu.memory_space<vmem>>)
    %dma_wait3A_239 = arith.constant 1 : i32
    %dma_wait3A_240 = arith.constant 1 : i32
    %dma_wait3A_241 = arith.constant 0 : i32
    %dma_wait3A_242 = arith.constant 0 : i32
    %dma_wait3A_243 = tpu.memref_slice %arg6[%dma_wait3A_239, %dma_wait3A_241, %dma_wait3A_242] : memref<2x32x1024xf32, #tpu.memory_space<vmem>> -> memref<1x32x1024xf32, #tpu.memory_space<vmem>>
    %dma_wait3A_244 = tpu.memref_squeeze %dma_wait3A_243 : memref<1x32x1024xf32, #tpu.memory_space<vmem>> -> memref<32x1024xf32, #tpu.memory_space<vmem>>
    %dma_wait3A_245 = arith.constant 0 : i32
    %dma_wait3A_246 = tpu.memref_slice %arg5[%dma_wait3A_240, %dma_wait3A_245] : memref<2x32xi32, #tpu.memory_space<vmem>> -> memref<1x32xi32, #tpu.memory_space<vmem>>
    %dma_wait3A_247 = tpu.memref_squeeze %dma_wait3A_246 : memref<1x32xi32, #tpu.memory_space<vmem>> -> memref<32xi32, #tpu.memory_space<vmem>>
    %dma_wait3A_248 = arith.constant 0 : i32
    %dma_wait3A_249 = arith.constant 0 : i32
    %dma_wait3A_250 = tpu.memref_slice %arg4[%dma_wait3A_248, %dma_wait3A_249] : memref<10240x1024xf32, #tpu.memory_space<hbm>> -> memref<10240x1024xf32, #tpu.memory_space<hbm>>
    tpu.wait_indirect_dma semaphore(%arg8 : memref<!tpu.dma_semaphore, #tpu.memory_space<semaphore_mem>>) src(%dma_wait3A_244 : memref<32x1024xf32, #tpu.memory_space<vmem>>) dst(%dma_wait3A_250 : memref<10240x1024xf32, #tpu.memory_space<hbm>>)
    %add3A_251 = arith.constant 160 : i32
    %add3A_252 = arith.addi %mul3A_2, %add3A_251 : i32
    %run_scoped3A_253 = arith.constant 1 : i32
    "tpu.region"() ({
      %run_scoped3A_440 = tpu.sem_alloc : memref<!tpu.dma_semaphore, #tpu.memory_space<semaphore_mem>>
      %dma_start3A_441 = arith.constant 0 : i32
      %dma_start3A_442 = tpu.memref_slice %arg5[%run_scoped3A_253, %dma_start3A_441] : memref<2x32xi32, #tpu.memory_space<vmem>> -> memref<1x32xi32, #tpu.memory_space<vmem>>
      %dma_start3A_443 = tpu.memref_squeeze %dma_start3A_442 : memref<1x32xi32, #tpu.memory_space<vmem>> -> memref<32xi32, #tpu.memory_space<vmem>>
      %dma_start3A_444 = tpu.memref_slice %arg3[%add3A_252] : memref<8192xi32, #tpu.memory_space<hbm>> -> memref<32xi32, #tpu.memory_space<hbm>>
      %dma_start3A_445 = arith.constant 0 : i32
      %dma_start3A_446 = tpu.memref_slice %arg5[%run_scoped3A_253, %dma_start3A_445] : memref<2x32xi32, #tpu.memory_space<vmem>> -> memref<1x32xi32, #tpu.memory_space<vmem>>
      %dma_start3A_447 = tpu.memref_squeeze %dma_start3A_446 : memref<1x32xi32, #tpu.memory_space<vmem>> -> memref<32xi32, #tpu.memory_space<vmem>>
      %dma_start3A_448 = tpu.memref_slice %arg3[%add3A_252] : memref<8192xi32, #tpu.memory_space<hbm>> -> memref<32xi32, #tpu.memory_space<hbm>>
      tpu.enqueue_dma source(%dma_start3A_448 : memref<32xi32, #tpu.memory_space<hbm>>) target(%dma_start3A_447 : memref<32xi32, #tpu.memory_space<vmem>>) target_semaphore(%run_scoped3A_440 : memref<!tpu.dma_semaphore, #tpu.memory_space<semaphore_mem>>)
      %dma_wait3A_449 = arith.constant 0 : i32
      %dma_wait3A_450 = tpu.memref_slice %arg5[%run_scoped3A_253, %dma_wait3A_449] : memref<2x32xi32, #tpu.memory_space<vmem>> -> memref<1x32xi32, #tpu.memory_space<vmem>>
      %dma_wait3A_451 = tpu.memref_squeeze %dma_wait3A_450 : memref<1x32xi32, #tpu.memory_space<vmem>> -> memref<32xi32, #tpu.memory_space<vmem>>
      %dma_wait3A_452 = tpu.memref_slice %arg3[%add3A_252] : memref<8192xi32, #tpu.memory_space<hbm>> -> memref<32xi32, #tpu.memory_space<hbm>>
      %dma_wait3A_453 = arith.constant 0 : i32
      %dma_wait3A_454 = tpu.memref_slice %arg5[%run_scoped3A_253, %dma_wait3A_453] : memref<2x32xi32, #tpu.memory_space<vmem>> -> memref<1x32xi32, #tpu.memory_space<vmem>>
      %dma_wait3A_455 = tpu.memref_squeeze %dma_wait3A_454 : memref<1x32xi32, #tpu.memory_space<vmem>> -> memref<32xi32, #tpu.memory_space<vmem>>
      %dma_wait3A_456 = tpu.memref_slice %arg3[%add3A_252] : memref<8192xi32, #tpu.memory_space<hbm>> -> memref<32xi32, #tpu.memory_space<hbm>>
      tpu.wait_dma2 semaphore(%run_scoped3A_440 : memref<!tpu.dma_semaphore, #tpu.memory_space<semaphore_mem>>) src(%dma_wait3A_456 : memref<32xi32, #tpu.memory_space<hbm>>) dst(%dma_wait3A_455 : memref<32xi32, #tpu.memory_space<vmem>>)
      tpu.yield
    }) : () -> ()
    %add3A_254 = arith.constant 160 : i32
    %add3A_255 = arith.addi %mul3A_2, %add3A_254 : i32
    %dma_start3A_256 = arith.constant 1 : i32
    %dma_start3A_257 = arith.constant 0 : i32
    %dma_start3A_258 = arith.constant 0 : i32
    %dma_start3A_259 = tpu.memref_slice %arg6[%dma_start3A_256, %dma_start3A_257, %dma_start3A_258] : memref<2x32x1024xf32, #tpu.memory_space<vmem>> -> memref<1x32x1024xf32, #tpu.memory_space<vmem>>
    %dma_start3A_260 = tpu.memref_squeeze %dma_start3A_259 : memref<1x32x1024xf32, #tpu.memory_space<vmem>> -> memref<32x1024xf32, #tpu.memory_space<vmem>>
    %dma_start3A_261 = arith.constant 0 : i32
    %dma_start3A_262 = tpu.memref_slice %arg2[%add3A_255, %dma_start3A_261] : memref<8192x1024xf32, #tpu.memory_space<hbm>> -> memref<32x1024xf32, #tpu.memory_space<hbm>>
    %dma_start3A_263 = arith.constant 0 : i32
    %dma_start3A_264 = arith.constant 0 : i32
    %dma_start3A_265 = tpu.memref_slice %arg6[%dma_start3A_256, %dma_start3A_263, %dma_start3A_264] : memref<2x32x1024xf32, #tpu.memory_space<vmem>> -> memref<1x32x1024xf32, #tpu.memory_space<vmem>>
    %dma_start3A_266 = tpu.memref_squeeze %dma_start3A_265 : memref<1x32x1024xf32, #tpu.memory_space<vmem>> -> memref<32x1024xf32, #tpu.memory_space<vmem>>
    %dma_start3A_267 = arith.constant 0 : i32
    %dma_start3A_268 = tpu.memref_slice %arg2[%add3A_255, %dma_start3A_267] : memref<8192x1024xf32, #tpu.memory_space<hbm>> -> memref<32x1024xf32, #tpu.memory_space<hbm>>
    tpu.enqueue_dma source(%dma_start3A_268 : memref<32x1024xf32, #tpu.memory_space<hbm>>) target(%dma_start3A_266 : memref<32x1024xf32, #tpu.memory_space<vmem>>) target_semaphore(%arg9 : memref<!tpu.dma_semaphore, #tpu.memory_space<semaphore_mem>>)
    %dma_start3A_269 = arith.constant 0 : i32
    %dma_start3A_270 = arith.constant 0 : i32
    %dma_start3A_271 = arith.constant 0 : i32
    %dma_start3A_272 = arith.constant 0 : i32
    %dma_start3A_273 = tpu.memref_slice %arg6[%dma_start3A_269, %dma_start3A_271, %dma_start3A_272] : memref<2x32x1024xf32, #tpu.memory_space<vmem>> -> memref<1x32x1024xf32, #tpu.memory_space<vmem>>
    %dma_start3A_274 = tpu.memref_squeeze %dma_start3A_273 : memref<1x32x1024xf32, #tpu.memory_space<vmem>> -> memref<32x1024xf32, #tpu.memory_space<vmem>>
    %dma_start3A_275 = arith.constant 0 : i32
    %dma_start3A_276 = tpu.memref_slice %arg5[%dma_start3A_270, %dma_start3A_275] : memref<2x32xi32, #tpu.memory_space<vmem>> -> memref<1x32xi32, #tpu.memory_space<vmem>>
    %dma_start3A_277 = tpu.memref_squeeze %dma_start3A_276 : memref<1x32xi32, #tpu.memory_space<vmem>> -> memref<32xi32, #tpu.memory_space<vmem>>
    %dma_start3A_278 = arith.constant 0 : i32
    %dma_start3A_279 = arith.constant 0 : i32
    %dma_start3A_280 = tpu.memref_slice %arg4[%dma_start3A_278, %dma_start3A_279] : memref<10240x1024xf32, #tpu.memory_space<hbm>> -> memref<10240x1024xf32, #tpu.memory_space<hbm>>
    tpu.enqueue_indirect_dma source(%dma_start3A_274 : memref<32x1024xf32, #tpu.memory_space<vmem>>) target(%dma_start3A_280 : memref<10240x1024xf32, #tpu.memory_space<hbm>>) offsets(%dma_start3A_277 : memref<32xi32, #tpu.memory_space<vmem>>) semaphore(%arg7 : memref<!tpu.dma_semaphore, #tpu.memory_space<semaphore_mem>>)
    %dma_wait3A_281 = arith.constant 1 : i32
    %dma_wait3A_282 = arith.constant 0 : i32
    %dma_wait3A_283 = arith.constant 0 : i32
    %dma_wait3A_284 = tpu.memref_slice %arg6[%dma_wait3A_281, %dma_wait3A_282, %dma_wait3A_283] : memref<2x32x1024xf32, #tpu.memory_space<vmem>> -> memref<1x32x1024xf32, #tpu.memory_space<vmem>>
    %dma_wait3A_285 = tpu.memref_squeeze %dma_wait3A_284 : memref<1x32x1024xf32, #tpu.memory_space<vmem>> -> memref<32x1024xf32, #tpu.memory_space<vmem>>
    %dma_wait3A_286 = arith.constant 0 : i32
    %dma_wait3A_287 = tpu.memref_slice %arg2[%add3A_255, %dma_wait3A_286] : memref<8192x1024xf32, #tpu.memory_space<hbm>> -> memref<32x1024xf32, #tpu.memory_space<hbm>>
    %dma_wait3A_288 = arith.constant 0 : i32
    %dma_wait3A_289 = arith.constant 0 : i32
    %dma_wait3A_290 = tpu.memref_slice %arg6[%dma_wait3A_281, %dma_wait3A_288, %dma_wait3A_289] : memref<2x32x1024xf32, #tpu.memory_space<vmem>> -> memref<1x32x1024xf32, #tpu.memory_space<vmem>>
    %dma_wait3A_291 = tpu.memref_squeeze %dma_wait3A_290 : memref<1x32x1024xf32, #tpu.memory_space<vmem>> -> memref<32x1024xf32, #tpu.memory_space<vmem>>
    %dma_wait3A_292 = arith.constant 0 : i32
    %dma_wait3A_293 = tpu.memref_slice %arg2[%add3A_255, %dma_wait3A_292] : memref<8192x1024xf32, #tpu.memory_space<hbm>> -> memref<32x1024xf32, #tpu.memory_space<hbm>>
    tpu.wait_dma2 semaphore(%arg9 : memref<!tpu.dma_semaphore, #tpu.memory_space<semaphore_mem>>) src(%dma_wait3A_293 : memref<32x1024xf32, #tpu.memory_space<hbm>>) dst(%dma_wait3A_291 : memref<32x1024xf32, #tpu.memory_space<vmem>>)
    %dma_wait3A_294 = arith.constant 0 : i32
    %dma_wait3A_295 = arith.constant 0 : i32
    %dma_wait3A_296 = arith.constant 0 : i32
    %dma_wait3A_297 = arith.constant 0 : i32
    %dma_wait3A_298 = tpu.memref_slice %arg6[%dma_wait3A_294, %dma_wait3A_296, %dma_wait3A_297] : memref<2x32x1024xf32, #tpu.memory_space<vmem>> -> memref<1x32x1024xf32, #tpu.memory_space<vmem>>
    %dma_wait3A_299 = tpu.memref_squeeze %dma_wait3A_298 : memref<1x32x1024xf32, #tpu.memory_space<vmem>> -> memref<32x1024xf32, #tpu.memory_space<vmem>>
    %dma_wait3A_300 = arith.constant 0 : i32
    %dma_wait3A_301 = tpu.memref_slice %arg5[%dma_wait3A_295, %dma_wait3A_300] : memref<2x32xi32, #tpu.memory_space<vmem>> -> memref<1x32xi32, #tpu.memory_space<vmem>>
    %dma_wait3A_302 = tpu.memref_squeeze %dma_wait3A_301 : memref<1x32xi32, #tpu.memory_space<vmem>> -> memref<32xi32, #tpu.memory_space<vmem>>
    %dma_wait3A_303 = arith.constant 0 : i32
    %dma_wait3A_304 = arith.constant 0 : i32
    %dma_wait3A_305 = tpu.memref_slice %arg4[%dma_wait3A_303, %dma_wait3A_304] : memref<10240x1024xf32, #tpu.memory_space<hbm>> -> memref<10240x1024xf32, #tpu.memory_space<hbm>>
    tpu.wait_indirect_dma semaphore(%arg7 : memref<!tpu.dma_semaphore, #tpu.memory_space<semaphore_mem>>) src(%dma_wait3A_299 : memref<32x1024xf32, #tpu.memory_space<vmem>>) dst(%dma_wait3A_305 : memref<10240x1024xf32, #tpu.memory_space<hbm>>)
    %add3A_306 = arith.constant 192 : i32
    %add3A_307 = arith.addi %mul3A_2, %add3A_306 : i32
    %run_scoped3A_308 = arith.constant 0 : i32
    "tpu.region"() ({
      %run_scoped3A_440 = tpu.sem_alloc : memref<!tpu.dma_semaphore, #tpu.memory_space<semaphore_mem>>
      %dma_start3A_441 = arith.constant 0 : i32
      %dma_start3A_442 = tpu.memref_slice %arg5[%run_scoped3A_308, %dma_start3A_441] : memref<2x32xi32, #tpu.memory_space<vmem>> -> memref<1x32xi32, #tpu.memory_space<vmem>>
      %dma_start3A_443 = tpu.memref_squeeze %dma_start3A_442 : memref<1x32xi32, #tpu.memory_space<vmem>> -> memref<32xi32, #tpu.memory_space<vmem>>
      %dma_start3A_444 = tpu.memref_slice %arg3[%add3A_307] : memref<8192xi32, #tpu.memory_space<hbm>> -> memref<32xi32, #tpu.memory_space<hbm>>
      %dma_start3A_445 = arith.constant 0 : i32
      %dma_start3A_446 = tpu.memref_slice %arg5[%run_scoped3A_308, %dma_start3A_445] : memref<2x32xi32, #tpu.memory_space<vmem>> -> memref<1x32xi32, #tpu.memory_space<vmem>>
      %dma_start3A_447 = tpu.memref_squeeze %dma_start3A_446 : memref<1x32xi32, #tpu.memory_space<vmem>> -> memref<32xi32, #tpu.memory_space<vmem>>
      %dma_start3A_448 = tpu.memref_slice %arg3[%add3A_307] : memref<8192xi32, #tpu.memory_space<hbm>> -> memref<32xi32, #tpu.memory_space<hbm>>
      tpu.enqueue_dma source(%dma_start3A_448 : memref<32xi32, #tpu.memory_space<hbm>>) target(%dma_start3A_447 : memref<32xi32, #tpu.memory_space<vmem>>) target_semaphore(%run_scoped3A_440 : memref<!tpu.dma_semaphore, #tpu.memory_space<semaphore_mem>>)
      %dma_wait3A_449 = arith.constant 0 : i32
      %dma_wait3A_450 = tpu.memref_slice %arg5[%run_scoped3A_308, %dma_wait3A_449] : memref<2x32xi32, #tpu.memory_space<vmem>> -> memref<1x32xi32, #tpu.memory_space<vmem>>
      %dma_wait3A_451 = tpu.memref_squeeze %dma_wait3A_450 : memref<1x32xi32, #tpu.memory_space<vmem>> -> memref<32xi32, #tpu.memory_space<vmem>>
      %dma_wait3A_452 = tpu.memref_slice %arg3[%add3A_307] : memref<8192xi32, #tpu.memory_space<hbm>> -> memref<32xi32, #tpu.memory_space<hbm>>
      %dma_wait3A_453 = arith.constant 0 : i32
      %dma_wait3A_454 = tpu.memref_slice %arg5[%run_scoped3A_308, %dma_wait3A_453] : memref<2x32xi32, #tpu.memory_space<vmem>> -> memref<1x32xi32, #tpu.memory_space<vmem>>
      %dma_wait3A_455 = tpu.memref_squeeze %dma_wait3A_454 : memref<1x32xi32, #tpu.memory_space<vmem>> -> memref<32xi32, #tpu.memory_space<vmem>>
      %dma_wait3A_456 = tpu.memref_slice %arg3[%add3A_307] : memref<8192xi32, #tpu.memory_space<hbm>> -> memref<32xi32, #tpu.memory_space<hbm>>
      tpu.wait_dma2 semaphore(%run_scoped3A_440 : memref<!tpu.dma_semaphore, #tpu.memory_space<semaphore_mem>>) src(%dma_wait3A_456 : memref<32xi32, #tpu.memory_space<hbm>>) dst(%dma_wait3A_455 : memref<32xi32, #tpu.memory_space<vmem>>)
      tpu.yield
    }) : () -> ()
    %add3A_309 = arith.constant 192 : i32
    %add3A_310 = arith.addi %mul3A_2, %add3A_309 : i32
    %dma_start3A_311 = arith.constant 0 : i32
    %dma_start3A_312 = arith.constant 0 : i32
    %dma_start3A_313 = arith.constant 0 : i32
    %dma_start3A_314 = tpu.memref_slice %arg6[%dma_start3A_311, %dma_start3A_312, %dma_start3A_313] : memref<2x32x1024xf32, #tpu.memory_space<vmem>> -> memref<1x32x1024xf32, #tpu.memory_space<vmem>>
    %dma_start3A_315 = tpu.memref_squeeze %dma_start3A_314 : memref<1x32x1024xf32, #tpu.memory_space<vmem>> -> memref<32x1024xf32, #tpu.memory_space<vmem>>
    %dma_start3A_316 = arith.constant 0 : i32
    %dma_start3A_317 = tpu.memref_slice %arg2[%add3A_310, %dma_start3A_316] : memref<8192x1024xf32, #tpu.memory_space<hbm>> -> memref<32x1024xf32, #tpu.memory_space<hbm>>
    %dma_start3A_318 = arith.constant 0 : i32
    %dma_start3A_319 = arith.constant 0 : i32
    %dma_start3A_320 = tpu.memref_slice %arg6[%dma_start3A_311, %dma_start3A_318, %dma_start3A_319] : memref<2x32x1024xf32, #tpu.memory_space<vmem>> -> memref<1x32x1024xf32, #tpu.memory_space<vmem>>
    %dma_start3A_321 = tpu.memref_squeeze %dma_start3A_320 : memref<1x32x1024xf32, #tpu.memory_space<vmem>> -> memref<32x1024xf32, #tpu.memory_space<vmem>>
    %dma_start3A_322 = arith.constant 0 : i32
    %dma_start3A_323 = tpu.memref_slice %arg2[%add3A_310, %dma_start3A_322] : memref<8192x1024xf32, #tpu.memory_space<hbm>> -> memref<32x1024xf32, #tpu.memory_space<hbm>>
    tpu.enqueue_dma source(%dma_start3A_323 : memref<32x1024xf32, #tpu.memory_space<hbm>>) target(%dma_start3A_321 : memref<32x1024xf32, #tpu.memory_space<vmem>>) target_semaphore(%arg9 : memref<!tpu.dma_semaphore, #tpu.memory_space<semaphore_mem>>)
    %dma_start3A_324 = arith.constant 1 : i32
    %dma_start3A_325 = arith.constant 1 : i32
    %dma_start3A_326 = arith.constant 0 : i32
    %dma_start3A_327 = arith.constant 0 : i32
    %dma_start3A_328 = tpu.memref_slice %arg6[%dma_start3A_324, %dma_start3A_326, %dma_start3A_327] : memref<2x32x1024xf32, #tpu.memory_space<vmem>> -> memref<1x32x1024xf32, #tpu.memory_space<vmem>>
    %dma_start3A_329 = tpu.memref_squeeze %dma_start3A_328 : memref<1x32x1024xf32, #tpu.memory_space<vmem>> -> memref<32x1024xf32, #tpu.memory_space<vmem>>
    %dma_start3A_330 = arith.constant 0 : i32
    %dma_start3A_331 = tpu.memref_slice %arg5[%dma_start3A_325, %dma_start3A_330] : memref<2x32xi32, #tpu.memory_space<vmem>> -> memref<1x32xi32, #tpu.memory_space<vmem>>
    %dma_start3A_332 = tpu.memref_squeeze %dma_start3A_331 : memref<1x32xi32, #tpu.memory_space<vmem>> -> memref<32xi32, #tpu.memory_space<vmem>>
    %dma_start3A_333 = arith.constant 0 : i32
    %dma_start3A_334 = arith.constant 0 : i32
    %dma_start3A_335 = tpu.memref_slice %arg4[%dma_start3A_333, %dma_start3A_334] : memref<10240x1024xf32, #tpu.memory_space<hbm>> -> memref<10240x1024xf32, #tpu.memory_space<hbm>>
    tpu.enqueue_indirect_dma source(%dma_start3A_329 : memref<32x1024xf32, #tpu.memory_space<vmem>>) target(%dma_start3A_335 : memref<10240x1024xf32, #tpu.memory_space<hbm>>) offsets(%dma_start3A_332 : memref<32xi32, #tpu.memory_space<vmem>>) semaphore(%arg8 : memref<!tpu.dma_semaphore, #tpu.memory_space<semaphore_mem>>)
    %dma_wait3A_336 = arith.constant 0 : i32
    %dma_wait3A_337 = arith.constant 0 : i32
    %dma_wait3A_338 = arith.constant 0 : i32
    %dma_wait3A_339 = tpu.memref_slice %arg6[%dma_wait3A_336, %dma_wait3A_337, %dma_wait3A_338] : memref<2x32x1024xf32, #tpu.memory_space<vmem>> -> memref<1x32x1024xf32, #tpu.memory_space<vmem>>
    %dma_wait3A_340 = tpu.memref_squeeze %dma_wait3A_339 : memref<1x32x1024xf32, #tpu.memory_space<vmem>> -> memref<32x1024xf32, #tpu.memory_space<vmem>>
    %dma_wait3A_341 = arith.constant 0 : i32
    %dma_wait3A_342 = tpu.memref_slice %arg2[%add3A_310, %dma_wait3A_341] : memref<8192x1024xf32, #tpu.memory_space<hbm>> -> memref<32x1024xf32, #tpu.memory_space<hbm>>
    %dma_wait3A_343 = arith.constant 0 : i32
    %dma_wait3A_344 = arith.constant 0 : i32
    %dma_wait3A_345 = tpu.memref_slice %arg6[%dma_wait3A_336, %dma_wait3A_343, %dma_wait3A_344] : memref<2x32x1024xf32, #tpu.memory_space<vmem>> -> memref<1x32x1024xf32, #tpu.memory_space<vmem>>
    %dma_wait3A_346 = tpu.memref_squeeze %dma_wait3A_345 : memref<1x32x1024xf32, #tpu.memory_space<vmem>> -> memref<32x1024xf32, #tpu.memory_space<vmem>>
    %dma_wait3A_347 = arith.constant 0 : i32
    %dma_wait3A_348 = tpu.memref_slice %arg2[%add3A_310, %dma_wait3A_347] : memref<8192x1024xf32, #tpu.memory_space<hbm>> -> memref<32x1024xf32, #tpu.memory_space<hbm>>
    tpu.wait_dma2 semaphore(%arg9 : memref<!tpu.dma_semaphore, #tpu.memory_space<semaphore_mem>>) src(%dma_wait3A_348 : memref<32x1024xf32, #tpu.memory_space<hbm>>) dst(%dma_wait3A_346 : memref<32x1024xf32, #tpu.memory_space<vmem>>)
    %dma_wait3A_349 = arith.constant 1 : i32
    %dma_wait3A_350 = arith.constant 1 : i32
    %dma_wait3A_351 = arith.constant 0 : i32
    %dma_wait3A_352 = arith.constant 0 : i32
    %dma_wait3A_353 = tpu.memref_slice %arg6[%dma_wait3A_349, %dma_wait3A_351, %dma_wait3A_352] : memref<2x32x1024xf32, #tpu.memory_space<vmem>> -> memref<1x32x1024xf32, #tpu.memory_space<vmem>>
    %dma_wait3A_354 = tpu.memref_squeeze %dma_wait3A_353 : memref<1x32x1024xf32, #tpu.memory_space<vmem>> -> memref<32x1024xf32, #tpu.memory_space<vmem>>
    %dma_wait3A_355 = arith.constant 0 : i32
    %dma_wait3A_356 = tpu.memref_slice %arg5[%dma_wait3A_350, %dma_wait3A_355] : memref<2x32xi32, #tpu.memory_space<vmem>> -> memref<1x32xi32, #tpu.memory_space<vmem>>
    %dma_wait3A_357 = tpu.memref_squeeze %dma_wait3A_356 : memref<1x32xi32, #tpu.memory_space<vmem>> -> memref<32xi32, #tpu.memory_space<vmem>>
    %dma_wait3A_358 = arith.constant 0 : i32
    %dma_wait3A_359 = arith.constant 0 : i32
    %dma_wait3A_360 = tpu.memref_slice %arg4[%dma_wait3A_358, %dma_wait3A_359] : memref<10240x1024xf32, #tpu.memory_space<hbm>> -> memref<10240x1024xf32, #tpu.memory_space<hbm>>
    tpu.wait_indirect_dma semaphore(%arg8 : memref<!tpu.dma_semaphore, #tpu.memory_space<semaphore_mem>>) src(%dma_wait3A_354 : memref<32x1024xf32, #tpu.memory_space<vmem>>) dst(%dma_wait3A_360 : memref<10240x1024xf32, #tpu.memory_space<hbm>>)
    %add3A_361 = arith.constant 224 : i32
    %add3A_362 = arith.addi %mul3A_2, %add3A_361 : i32
    %run_scoped3A_363 = arith.constant 1 : i32
    "tpu.region"() ({
      %run_scoped3A_440 = tpu.sem_alloc : memref<!tpu.dma_semaphore, #tpu.memory_space<semaphore_mem>>
      %dma_start3A_441 = arith.constant 0 : i32
      %dma_start3A_442 = tpu.memref_slice %arg5[%run_scoped3A_363, %dma_start3A_441] : memref<2x32xi32, #tpu.memory_space<vmem>> -> memref<1x32xi32, #tpu.memory_space<vmem>>
      %dma_start3A_443 = tpu.memref_squeeze %dma_start3A_442 : memref<1x32xi32, #tpu.memory_space<vmem>> -> memref<32xi32, #tpu.memory_space<vmem>>
      %dma_start3A_444 = tpu.memref_slice %arg3[%add3A_362] : memref<8192xi32, #tpu.memory_space<hbm>> -> memref<32xi32, #tpu.memory_space<hbm>>
      %dma_start3A_445 = arith.constant 0 : i32
      %dma_start3A_446 = tpu.memref_slice %arg5[%run_scoped3A_363, %dma_start3A_445] : memref<2x32xi32, #tpu.memory_space<vmem>> -> memref<1x32xi32, #tpu.memory_space<vmem>>
      %dma_start3A_447 = tpu.memref_squeeze %dma_start3A_446 : memref<1x32xi32, #tpu.memory_space<vmem>> -> memref<32xi32, #tpu.memory_space<vmem>>
      %dma_start3A_448 = tpu.memref_slice %arg3[%add3A_362] : memref<8192xi32, #tpu.memory_space<hbm>> -> memref<32xi32, #tpu.memory_space<hbm>>
      tpu.enqueue_dma source(%dma_start3A_448 : memref<32xi32, #tpu.memory_space<hbm>>) target(%dma_start3A_447 : memref<32xi32, #tpu.memory_space<vmem>>) target_semaphore(%run_scoped3A_440 : memref<!tpu.dma_semaphore, #tpu.memory_space<semaphore_mem>>)
      %dma_wait3A_449 = arith.constant 0 : i32
      %dma_wait3A_450 = tpu.memref_slice %arg5[%run_scoped3A_363, %dma_wait3A_449] : memref<2x32xi32, #tpu.memory_space<vmem>> -> memref<1x32xi32, #tpu.memory_space<vmem>>
      %dma_wait3A_451 = tpu.memref_squeeze %dma_wait3A_450 : memref<1x32xi32, #tpu.memory_space<vmem>> -> memref<32xi32, #tpu.memory_space<vmem>>
      %dma_wait3A_452 = tpu.memref_slice %arg3[%add3A_362] : memref<8192xi32, #tpu.memory_space<hbm>> -> memref<32xi32, #tpu.memory_space<hbm>>
      %dma_wait3A_453 = arith.constant 0 : i32
      %dma_wait3A_454 = tpu.memref_slice %arg5[%run_scoped3A_363, %dma_wait3A_453] : memref<2x32xi32, #tpu.memory_space<vmem>> -> memref<1x32xi32, #tpu.memory_space<vmem>>
      %dma_wait3A_455 = tpu.memref_squeeze %dma_wait3A_454 : memref<1x32xi32, #tpu.memory_space<vmem>> -> memref<32xi32, #tpu.memory_space<vmem>>
      %dma_wait3A_456 = tpu.memref_slice %arg3[%add3A_362] : memref<8192xi32, #tpu.memory_space<hbm>> -> memref<32xi32, #tpu.memory_space<hbm>>
      tpu.wait_dma2 semaphore(%run_scoped3A_440 : memref<!tpu.dma_semaphore, #tpu.memory_space<semaphore_mem>>) src(%dma_wait3A_456 : memref<32xi32, #tpu.memory_space<hbm>>) dst(%dma_wait3A_455 : memref<32xi32, #tpu.memory_space<vmem>>)
      tpu.yield
    }) : () -> ()
    %add3A_364 = arith.constant 224 : i32
    %add3A_365 = arith.addi %mul3A_2, %add3A_364 : i32
    %dma_start3A_366 = arith.constant 1 : i32
    %dma_start3A_367 = arith.constant 0 : i32
    %dma_start3A_368 = arith.constant 0 : i32
    %dma_start3A_369 = tpu.memref_slice %arg6[%dma_start3A_366, %dma_start3A_367, %dma_start3A_368] : memref<2x32x1024xf32, #tpu.memory_space<vmem>> -> memref<1x32x1024xf32, #tpu.memory_space<vmem>>
    %dma_start3A_370 = tpu.memref_squeeze %dma_start3A_369 : memref<1x32x1024xf32, #tpu.memory_space<vmem>> -> memref<32x1024xf32, #tpu.memory_space<vmem>>
    %dma_start3A_371 = arith.constant 0 : i32
    %dma_start3A_372 = tpu.memref_slice %arg2[%add3A_365, %dma_start3A_371] : memref<8192x1024xf32, #tpu.memory_space<hbm>> -> memref<32x1024xf32, #tpu.memory_space<hbm>>
    %dma_start3A_373 = arith.constant 0 : i32
    %dma_start3A_374 = arith.constant 0 : i32
    %dma_start3A_375 = tpu.memref_slice %arg6[%dma_start3A_366, %dma_start3A_373, %dma_start3A_374] : memref<2x32x1024xf32, #tpu.memory_space<vmem>> -> memref<1x32x1024xf32, #tpu.memory_space<vmem>>
    %dma_start3A_376 = tpu.memref_squeeze %dma_start3A_375 : memref<1x32x1024xf32, #tpu.memory_space<vmem>> -> memref<32x1024xf32, #tpu.memory_space<vmem>>
    %dma_start3A_377 = arith.constant 0 : i32
    %dma_start3A_378 = tpu.memref_slice %arg2[%add3A_365, %dma_start3A_377] : memref<8192x1024xf32, #tpu.memory_space<hbm>> -> memref<32x1024xf32, #tpu.memory_space<hbm>>
    tpu.enqueue_dma source(%dma_start3A_378 : memref<32x1024xf32, #tpu.memory_space<hbm>>) target(%dma_start3A_376 : memref<32x1024xf32, #tpu.memory_space<vmem>>) target_semaphore(%arg9 : memref<!tpu.dma_semaphore, #tpu.memory_space<semaphore_mem>>)
    %dma_start3A_379 = arith.constant 0 : i32
    %dma_start3A_380 = arith.constant 0 : i32
    %dma_start3A_381 = arith.constant 0 : i32
    %dma_start3A_382 = arith.constant 0 : i32
    %dma_start3A_383 = tpu.memref_slice %arg6[%dma_start3A_379, %dma_start3A_381, %dma_start3A_382] : memref<2x32x1024xf32, #tpu.memory_space<vmem>> -> memref<1x32x1024xf32, #tpu.memory_space<vmem>>
    %dma_start3A_384 = tpu.memref_squeeze %dma_start3A_383 : memref<1x32x1024xf32, #tpu.memory_space<vmem>> -> memref<32x1024xf32, #tpu.memory_space<vmem>>
    %dma_start3A_385 = arith.constant 0 : i32
    %dma_start3A_386 = tpu.memref_slice %arg5[%dma_start3A_380, %dma_start3A_385] : memref<2x32xi32, #tpu.memory_space<vmem>> -> memref<1x32xi32, #tpu.memory_space<vmem>>
    %dma_start3A_387 = tpu.memref_squeeze %dma_start3A_386 : memref<1x32xi32, #tpu.memory_space<vmem>> -> memref<32xi32, #tpu.memory_space<vmem>>
    %dma_start3A_388 = arith.constant 0 : i32
    %dma_start3A_389 = arith.constant 0 : i32
    %dma_start3A_390 = tpu.memref_slice %arg4[%dma_start3A_388, %dma_start3A_389] : memref<10240x1024xf32, #tpu.memory_space<hbm>> -> memref<10240x1024xf32, #tpu.memory_space<hbm>>
    tpu.enqueue_indirect_dma source(%dma_start3A_384 : memref<32x1024xf32, #tpu.memory_space<vmem>>) target(%dma_start3A_390 : memref<10240x1024xf32, #tpu.memory_space<hbm>>) offsets(%dma_start3A_387 : memref<32xi32, #tpu.memory_space<vmem>>) semaphore(%arg7 : memref<!tpu.dma_semaphore, #tpu.memory_space<semaphore_mem>>)
    %dma_wait3A_391 = arith.constant 1 : i32
    %dma_wait3A_392 = arith.constant 0 : i32
    %dma_wait3A_393 = arith.constant 0 : i32
    %dma_wait3A_394 = tpu.memref_slice %arg6[%dma_wait3A_391, %dma_wait3A_392, %dma_wait3A_393] : memref<2x32x1024xf32, #tpu.memory_space<vmem>> -> memref<1x32x1024xf32, #tpu.memory_space<vmem>>
    %dma_wait3A_395 = tpu.memref_squeeze %dma_wait3A_394 : memref<1x32x1024xf32, #tpu.memory_space<vmem>> -> memref<32x1024xf32, #tpu.memory_space<vmem>>
    %dma_wait3A_396 = arith.constant 0 : i32
    %dma_wait3A_397 = tpu.memref_slice %arg2[%add3A_365, %dma_wait3A_396] : memref<8192x1024xf32, #tpu.memory_space<hbm>> -> memref<32x1024xf32, #tpu.memory_space<hbm>>
    %dma_wait3A_398 = arith.constant 0 : i32
    %dma_wait3A_399 = arith.constant 0 : i32
    %dma_wait3A_400 = tpu.memref_slice %arg6[%dma_wait3A_391, %dma_wait3A_398, %dma_wait3A_399] : memref<2x32x1024xf32, #tpu.memory_space<vmem>> -> memref<1x32x1024xf32, #tpu.memory_space<vmem>>
    %dma_wait3A_401 = tpu.memref_squeeze %dma_wait3A_400 : memref<1x32x1024xf32, #tpu.memory_space<vmem>> -> memref<32x1024xf32, #tpu.memory_space<vmem>>
    %dma_wait3A_402 = arith.constant 0 : i32
    %dma_wait3A_403 = tpu.memref_slice %arg2[%add3A_365, %dma_wait3A_402] : memref<8192x1024xf32, #tpu.memory_space<hbm>> -> memref<32x1024xf32, #tpu.memory_space<hbm>>
    tpu.wait_dma2 semaphore(%arg9 : memref<!tpu.dma_semaphore, #tpu.memory_space<semaphore_mem>>) src(%dma_wait3A_403 : memref<32x1024xf32, #tpu.memory_space<hbm>>) dst(%dma_wait3A_401 : memref<32x1024xf32, #tpu.memory_space<vmem>>)
    %dma_start3A_404 = arith.constant 1 : i32
    %dma_start3A_405 = arith.constant 1 : i32
    %dma_start3A_406 = arith.constant 0 : i32
    %dma_start3A_407 = arith.constant 0 : i32
    %dma_start3A_408 = tpu.memref_slice %arg6[%dma_start3A_404, %dma_start3A_406, %dma_start3A_407] : memref<2x32x1024xf32, #tpu.memory_space<vmem>> -> memref<1x32x1024xf32, #tpu.memory_space<vmem>>
    %dma_start3A_409 = tpu.memref_squeeze %dma_start3A_408 : memref<1x32x1024xf32, #tpu.memory_space<vmem>> -> memref<32x1024xf32, #tpu.memory_space<vmem>>
    %dma_start3A_410 = arith.constant 0 : i32
    %dma_start3A_411 = tpu.memref_slice %arg5[%dma_start3A_405, %dma_start3A_410] : memref<2x32xi32, #tpu.memory_space<vmem>> -> memref<1x32xi32, #tpu.memory_space<vmem>>
    %dma_start3A_412 = tpu.memref_squeeze %dma_start3A_411 : memref<1x32xi32, #tpu.memory_space<vmem>> -> memref<32xi32, #tpu.memory_space<vmem>>
    %dma_start3A_413 = arith.constant 0 : i32
    %dma_start3A_414 = arith.constant 0 : i32
    %dma_start3A_415 = tpu.memref_slice %arg4[%dma_start3A_413, %dma_start3A_414] : memref<10240x1024xf32, #tpu.memory_space<hbm>> -> memref<10240x1024xf32, #tpu.memory_space<hbm>>
    tpu.enqueue_indirect_dma source(%dma_start3A_409 : memref<32x1024xf32, #tpu.memory_space<vmem>>) target(%dma_start3A_415 : memref<10240x1024xf32, #tpu.memory_space<hbm>>) offsets(%dma_start3A_412 : memref<32xi32, #tpu.memory_space<vmem>>) semaphore(%arg8 : memref<!tpu.dma_semaphore, #tpu.memory_space<semaphore_mem>>)
    %dma_wait3A_416 = arith.constant 0 : i32
    %dma_wait3A_417 = arith.constant 0 : i32
    %dma_wait3A_418 = arith.constant 0 : i32
    %dma_wait3A_419 = arith.constant 0 : i32
    %dma_wait3A_420 = tpu.memref_slice %arg6[%dma_wait3A_416, %dma_wait3A_418, %dma_wait3A_419] : memref<2x32x1024xf32, #tpu.memory_space<vmem>> -> memref<1x32x1024xf32, #tpu.memory_space<vmem>>
    %dma_wait3A_421 = tpu.memref_squeeze %dma_wait3A_420 : memref<1x32x1024xf32, #tpu.memory_space<vmem>> -> memref<32x1024xf32, #tpu.memory_space<vmem>>
    %dma_wait3A_422 = arith.constant 0 : i32
    %dma_wait3A_423 = tpu.memref_slice %arg5[%dma_wait3A_417, %dma_wait3A_422] : memref<2x32xi32, #tpu.memory_space<vmem>> -> memref<1x32xi32, #tpu.memory_space<vmem>>
    %dma_wait3A_424 = tpu.memref_squeeze %dma_wait3A_423 : memref<1x32xi32, #tpu.memory_space<vmem>> -> memref<32xi32, #tpu.memory_space<vmem>>
    %dma_wait3A_425 = arith.constant 0 : i32
    %dma_wait3A_426 = arith.constant 0 : i32
    %dma_wait3A_427 = tpu.memref_slice %arg4[%dma_wait3A_425, %dma_wait3A_426] : memref<10240x1024xf32, #tpu.memory_space<hbm>> -> memref<10240x1024xf32, #tpu.memory_space<hbm>>
    tpu.wait_indirect_dma semaphore(%arg7 : memref<!tpu.dma_semaphore, #tpu.memory_space<semaphore_mem>>) src(%dma_wait3A_421 : memref<32x1024xf32, #tpu.memory_space<vmem>>) dst(%dma_wait3A_427 : memref<10240x1024xf32, #tpu.memory_space<hbm>>)
    %dma_wait3A_428 = arith.constant 1 : i32
    %dma_wait3A_429 = arith.constant 1 : i32
    %dma_wait3A_430 = arith.constant 0 : i32
    %dma_wait3A_431 = arith.constant 0 : i32
    %dma_wait3A_432 = tpu.memref_slice %arg6[%dma_wait3A_428, %dma_wait3A_430, %dma_wait3A_431] : memref<2x32x1024xf32, #tpu.memory_space<vmem>> -> memref<1x32x1024xf32, #tpu.memory_space<vmem>>
    %dma_wait3A_433 = tpu.memref_squeeze %dma_wait3A_432 : memref<1x32x1024xf32, #tpu.memory_space<vmem>> -> memref<32x1024xf32, #tpu.memory_space<vmem>>
    %dma_wait3A_434 = arith.constant 0 : i32
    %dma_wait3A_435 = tpu.memref_slice %arg5[%dma_wait3A_429, %dma_wait3A_434] : memref<2x32xi32, #tpu.memory_space<vmem>> -> memref<1x32xi32, #tpu.memory_space<vmem>>
    %dma_wait3A_436 = tpu.memref_squeeze %dma_wait3A_435 : memref<1x32xi32, #tpu.memory_space<vmem>> -> memref<32xi32, #tpu.memory_space<vmem>>
    %dma_wait3A_437 = arith.constant 0 : i32
    %dma_wait3A_438 = arith.constant 0 : i32
    %dma_wait3A_439 = tpu.memref_slice %arg4[%dma_wait3A_437, %dma_wait3A_438] : memref<10240x1024xf32, #tpu.memory_space<hbm>> -> memref<10240x1024xf32, #tpu.memory_space<hbm>>
    tpu.wait_indirect_dma semaphore(%arg8 : memref<!tpu.dma_semaphore, #tpu.memory_space<semaphore_mem>>) src(%dma_wait3A_433 : memref<32x1024xf32, #tpu.memory_space<vmem>>) dst(%dma_wait3A_439 : memref<10240x1024xf32, #tpu.memory_space<hbm>>)
    return
  }
}

#map = affine_map<(d0, d1) -> (0, 0)>
#map1 = affine_map<(d0, d1) -> (0)>
module attributes {stable_mosaic.version = 14 : i64} {
  func.func @gather_k(%arg0: i32, %arg1: i32, %arg2: memref<10240x1024xf32, #tpu.memory_space<hbm>>, %arg3: memref<8192xi32, #tpu.memory_space<hbm>>, %arg4: memref<8192x1024xf32, #tpu.memory_space<hbm>>, %arg5: memref<2x32xi32, #tpu.memory_space<vmem>>, %arg6: memref<2x32x1024xf32, #tpu.memory_space<vmem>>, %arg7: memref<!tpu.dma_semaphore, #tpu.memory_space<semaphore_mem>>, %arg8: memref<!tpu.dma_semaphore, #tpu.memory_space<semaphore_mem>>) attributes {dimension_semantics = [#tpu.dimension_semantics<core_parallel>, #tpu.dimension_semantics<subcore_parallel>], iteration_bounds = array<i64: 2, 16>, scalar_prefetch = 0 : i64, scratch_operands = 4 : i64, tpu.core_type = #tpu.core_type<sc_vector_subcore>, window_params = [{transform_indices = #map}, {transform_indices = #map1}, {transform_indices = #map}]} {
    %mul3A = arith.constant 2 : i32
    %mul3A_0 = arith.muli %arg1, %mul3A : i32
    %add3A = arith.addi %mul3A_0, %arg0 : i32
    %mul3A_1 = arith.constant 256 : i32
    %mul3A_2 = arith.muli %add3A, %mul3A_1 : i32
    %add3A_3 = arith.constant 0 : i32
    %add3A_4 = arith.addi %mul3A_2, %add3A_3 : i32
    %run_scoped3A = arith.constant 0 : i32
    "tpu.region"() ({
      %run_scoped3A_240 = tpu.sem_alloc : memref<!tpu.dma_semaphore, #tpu.memory_space<semaphore_mem>>
      %dma_start3A_241 = arith.constant 0 : i32
      %dma_start3A_242 = tpu.memref_slice %arg5[%run_scoped3A, %dma_start3A_241] : memref<2x32xi32, #tpu.memory_space<vmem>> -> memref<1x32xi32, #tpu.memory_space<vmem>>
      %dma_start3A_243 = tpu.memref_squeeze %dma_start3A_242 : memref<1x32xi32, #tpu.memory_space<vmem>> -> memref<32xi32, #tpu.memory_space<vmem>>
      %dma_start3A_244 = tpu.memref_slice %arg3[%add3A_4] : memref<8192xi32, #tpu.memory_space<hbm>> -> memref<32xi32, #tpu.memory_space<hbm>>
      %dma_start3A_245 = arith.constant 0 : i32
      %dma_start3A_246 = tpu.memref_slice %arg5[%run_scoped3A, %dma_start3A_245] : memref<2x32xi32, #tpu.memory_space<vmem>> -> memref<1x32xi32, #tpu.memory_space<vmem>>
      %dma_start3A_247 = tpu.memref_squeeze %dma_start3A_246 : memref<1x32xi32, #tpu.memory_space<vmem>> -> memref<32xi32, #tpu.memory_space<vmem>>
      %dma_start3A_248 = tpu.memref_slice %arg3[%add3A_4] : memref<8192xi32, #tpu.memory_space<hbm>> -> memref<32xi32, #tpu.memory_space<hbm>>
      tpu.enqueue_dma source(%dma_start3A_248 : memref<32xi32, #tpu.memory_space<hbm>>) target(%dma_start3A_247 : memref<32xi32, #tpu.memory_space<vmem>>) target_semaphore(%run_scoped3A_240 : memref<!tpu.dma_semaphore, #tpu.memory_space<semaphore_mem>>)
      %dma_wait3A_249 = arith.constant 0 : i32
      %dma_wait3A_250 = tpu.memref_slice %arg5[%run_scoped3A, %dma_wait3A_249] : memref<2x32xi32, #tpu.memory_space<vmem>> -> memref<1x32xi32, #tpu.memory_space<vmem>>
      %dma_wait3A_251 = tpu.memref_squeeze %dma_wait3A_250 : memref<1x32xi32, #tpu.memory_space<vmem>> -> memref<32xi32, #tpu.memory_space<vmem>>
      %dma_wait3A_252 = tpu.memref_slice %arg3[%add3A_4] : memref<8192xi32, #tpu.memory_space<hbm>> -> memref<32xi32, #tpu.memory_space<hbm>>
      %dma_wait3A_253 = arith.constant 0 : i32
      %dma_wait3A_254 = tpu.memref_slice %arg5[%run_scoped3A, %dma_wait3A_253] : memref<2x32xi32, #tpu.memory_space<vmem>> -> memref<1x32xi32, #tpu.memory_space<vmem>>
      %dma_wait3A_255 = tpu.memref_squeeze %dma_wait3A_254 : memref<1x32xi32, #tpu.memory_space<vmem>> -> memref<32xi32, #tpu.memory_space<vmem>>
      %dma_wait3A_256 = tpu.memref_slice %arg3[%add3A_4] : memref<8192xi32, #tpu.memory_space<hbm>> -> memref<32xi32, #tpu.memory_space<hbm>>
      tpu.wait_dma2 semaphore(%run_scoped3A_240 : memref<!tpu.dma_semaphore, #tpu.memory_space<semaphore_mem>>) src(%dma_wait3A_256 : memref<32xi32, #tpu.memory_space<hbm>>) dst(%dma_wait3A_255 : memref<32xi32, #tpu.memory_space<vmem>>)
      tpu.yield
    }) : () -> ()
    %dma_start3A = arith.constant 0 : i32
    %dma_start3A_5 = arith.constant 0 : i32
    %dma_start3A_6 = arith.constant 0 : i32
    %dma_start3A_7 = arith.constant 0 : i32
    %dma_start3A_8 = tpu.memref_slice %arg6[%dma_start3A_5, %dma_start3A_6, %dma_start3A_7] : memref<2x32x1024xf32, #tpu.memory_space<vmem>> -> memref<1x32x1024xf32, #tpu.memory_space<vmem>>
    %dma_start3A_9 = tpu.memref_squeeze %dma_start3A_8 : memref<1x32x1024xf32, #tpu.memory_space<vmem>> -> memref<32x1024xf32, #tpu.memory_space<vmem>>
    %dma_start3A_10 = arith.constant 0 : i32
    %dma_start3A_11 = tpu.memref_slice %arg5[%dma_start3A, %dma_start3A_10] : memref<2x32xi32, #tpu.memory_space<vmem>> -> memref<1x32xi32, #tpu.memory_space<vmem>>
    %dma_start3A_12 = tpu.memref_squeeze %dma_start3A_11 : memref<1x32xi32, #tpu.memory_space<vmem>> -> memref<32xi32, #tpu.memory_space<vmem>>
    %dma_start3A_13 = arith.constant 0 : i32
    %dma_start3A_14 = arith.constant 0 : i32
    %dma_start3A_15 = tpu.memref_slice %arg2[%dma_start3A_13, %dma_start3A_14] : memref<10240x1024xf32, #tpu.memory_space<hbm>> -> memref<10240x1024xf32, #tpu.memory_space<hbm>>
    tpu.enqueue_indirect_dma source(%dma_start3A_15 : memref<10240x1024xf32, #tpu.memory_space<hbm>>) target(%dma_start3A_9 : memref<32x1024xf32, #tpu.memory_space<vmem>>) offsets(%dma_start3A_12 : memref<32xi32, #tpu.memory_space<vmem>>) semaphore(%arg7 : memref<!tpu.dma_semaphore, #tpu.memory_space<semaphore_mem>>)
    %add3A_16 = arith.constant 32 : i32
    %add3A_17 = arith.addi %mul3A_2, %add3A_16 : i32
    %run_scoped3A_18 = arith.constant 1 : i32
    "tpu.region"() ({
      %run_scoped3A_240 = tpu.sem_alloc : memref<!tpu.dma_semaphore, #tpu.memory_space<semaphore_mem>>
      %dma_start3A_241 = arith.constant 0 : i32
      %dma_start3A_242 = tpu.memref_slice %arg5[%run_scoped3A_18, %dma_start3A_241] : memref<2x32xi32, #tpu.memory_space<vmem>> -> memref<1x32xi32, #tpu.memory_space<vmem>>
      %dma_start3A_243 = tpu.memref_squeeze %dma_start3A_242 : memref<1x32xi32, #tpu.memory_space<vmem>> -> memref<32xi32, #tpu.memory_space<vmem>>
      %dma_start3A_244 = tpu.memref_slice %arg3[%add3A_17] : memref<8192xi32, #tpu.memory_space<hbm>> -> memref<32xi32, #tpu.memory_space<hbm>>
      %dma_start3A_245 = arith.constant 0 : i32
      %dma_start3A_246 = tpu.memref_slice %arg5[%run_scoped3A_18, %dma_start3A_245] : memref<2x32xi32, #tpu.memory_space<vmem>> -> memref<1x32xi32, #tpu.memory_space<vmem>>
      %dma_start3A_247 = tpu.memref_squeeze %dma_start3A_246 : memref<1x32xi32, #tpu.memory_space<vmem>> -> memref<32xi32, #tpu.memory_space<vmem>>
      %dma_start3A_248 = tpu.memref_slice %arg3[%add3A_17] : memref<8192xi32, #tpu.memory_space<hbm>> -> memref<32xi32, #tpu.memory_space<hbm>>
      tpu.enqueue_dma source(%dma_start3A_248 : memref<32xi32, #tpu.memory_space<hbm>>) target(%dma_start3A_247 : memref<32xi32, #tpu.memory_space<vmem>>) target_semaphore(%run_scoped3A_240 : memref<!tpu.dma_semaphore, #tpu.memory_space<semaphore_mem>>)
      %dma_wait3A_249 = arith.constant 0 : i32
      %dma_wait3A_250 = tpu.memref_slice %arg5[%run_scoped3A_18, %dma_wait3A_249] : memref<2x32xi32, #tpu.memory_space<vmem>> -> memref<1x32xi32, #tpu.memory_space<vmem>>
      %dma_wait3A_251 = tpu.memref_squeeze %dma_wait3A_250 : memref<1x32xi32, #tpu.memory_space<vmem>> -> memref<32xi32, #tpu.memory_space<vmem>>
      %dma_wait3A_252 = tpu.memref_slice %arg3[%add3A_17] : memref<8192xi32, #tpu.memory_space<hbm>> -> memref<32xi32, #tpu.memory_space<hbm>>
      %dma_wait3A_253 = arith.constant 0 : i32
      %dma_wait3A_254 = tpu.memref_slice %arg5[%run_scoped3A_18, %dma_wait3A_253] : memref<2x32xi32, #tpu.memory_space<vmem>> -> memref<1x32xi32, #tpu.memory_space<vmem>>
      %dma_wait3A_255 = tpu.memref_squeeze %dma_wait3A_254 : memref<1x32xi32, #tpu.memory_space<vmem>> -> memref<32xi32, #tpu.memory_space<vmem>>
      %dma_wait3A_256 = tpu.memref_slice %arg3[%add3A_17] : memref<8192xi32, #tpu.memory_space<hbm>> -> memref<32xi32, #tpu.memory_space<hbm>>
      tpu.wait_dma2 semaphore(%run_scoped3A_240 : memref<!tpu.dma_semaphore, #tpu.memory_space<semaphore_mem>>) src(%dma_wait3A_256 : memref<32xi32, #tpu.memory_space<hbm>>) dst(%dma_wait3A_255 : memref<32xi32, #tpu.memory_space<vmem>>)
      tpu.yield
    }) : () -> ()
    %dma_start3A_19 = arith.constant 1 : i32
    %dma_start3A_20 = arith.constant 1 : i32
    %dma_start3A_21 = arith.constant 0 : i32
    %dma_start3A_22 = arith.constant 0 : i32
    %dma_start3A_23 = tpu.memref_slice %arg6[%dma_start3A_20, %dma_start3A_21, %dma_start3A_22] : memref<2x32x1024xf32, #tpu.memory_space<vmem>> -> memref<1x32x1024xf32, #tpu.memory_space<vmem>>
    %dma_start3A_24 = tpu.memref_squeeze %dma_start3A_23 : memref<1x32x1024xf32, #tpu.memory_space<vmem>> -> memref<32x1024xf32, #tpu.memory_space<vmem>>
    %dma_start3A_25 = arith.constant 0 : i32
    %dma_start3A_26 = tpu.memref_slice %arg5[%dma_start3A_19, %dma_start3A_25] : memref<2x32xi32, #tpu.memory_space<vmem>> -> memref<1x32xi32, #tpu.memory_space<vmem>>
    %dma_start3A_27 = tpu.memref_squeeze %dma_start3A_26 : memref<1x32xi32, #tpu.memory_space<vmem>> -> memref<32xi32, #tpu.memory_space<vmem>>
    %dma_start3A_28 = arith.constant 0 : i32
    %dma_start3A_29 = arith.constant 0 : i32
    %dma_start3A_30 = tpu.memref_slice %arg2[%dma_start3A_28, %dma_start3A_29] : memref<10240x1024xf32, #tpu.memory_space<hbm>> -> memref<10240x1024xf32, #tpu.memory_space<hbm>>
    tpu.enqueue_indirect_dma source(%dma_start3A_30 : memref<10240x1024xf32, #tpu.memory_space<hbm>>) target(%dma_start3A_24 : memref<32x1024xf32, #tpu.memory_space<vmem>>) offsets(%dma_start3A_27 : memref<32xi32, #tpu.memory_space<vmem>>) semaphore(%arg8 : memref<!tpu.dma_semaphore, #tpu.memory_space<semaphore_mem>>)
    %dma_wait3A = arith.constant 0 : i32
    %dma_wait3A_31 = arith.constant 0 : i32
    %dma_wait3A_32 = arith.constant 0 : i32
    %dma_wait3A_33 = arith.constant 0 : i32
    %dma_wait3A_34 = tpu.memref_slice %arg6[%dma_wait3A_31, %dma_wait3A_32, %dma_wait3A_33] : memref<2x32x1024xf32, #tpu.memory_space<vmem>> -> memref<1x32x1024xf32, #tpu.memory_space<vmem>>
    %dma_wait3A_35 = tpu.memref_squeeze %dma_wait3A_34 : memref<1x32x1024xf32, #tpu.memory_space<vmem>> -> memref<32x1024xf32, #tpu.memory_space<vmem>>
    %dma_wait3A_36 = arith.constant 0 : i32
    %dma_wait3A_37 = tpu.memref_slice %arg5[%dma_wait3A, %dma_wait3A_36] : memref<2x32xi32, #tpu.memory_space<vmem>> -> memref<1x32xi32, #tpu.memory_space<vmem>>
    %dma_wait3A_38 = tpu.memref_squeeze %dma_wait3A_37 : memref<1x32xi32, #tpu.memory_space<vmem>> -> memref<32xi32, #tpu.memory_space<vmem>>
    %dma_wait3A_39 = arith.constant 0 : i32
    %dma_wait3A_40 = arith.constant 0 : i32
    %dma_wait3A_41 = tpu.memref_slice %arg2[%dma_wait3A_39, %dma_wait3A_40] : memref<10240x1024xf32, #tpu.memory_space<hbm>> -> memref<10240x1024xf32, #tpu.memory_space<hbm>>
    tpu.wait_indirect_dma semaphore(%arg7 : memref<!tpu.dma_semaphore, #tpu.memory_space<semaphore_mem>>) src(%dma_wait3A_41 : memref<10240x1024xf32, #tpu.memory_space<hbm>>) dst(%dma_wait3A_35 : memref<32x1024xf32, #tpu.memory_space<vmem>>)
    %add3A_42 = arith.constant 0 : i32
    %add3A_43 = arith.addi %mul3A_2, %add3A_42 : i32
    %run_scoped3A_44 = arith.constant 0 : i32
    "tpu.region"() ({
      %run_scoped3A_240 = tpu.sem_alloc : memref<!tpu.dma_semaphore, #tpu.memory_space<semaphore_mem>>
      %dma_start3A_241 = arith.constant 0 : i32
      %dma_start3A_242 = arith.constant 0 : i32
      %dma_start3A_243 = tpu.memref_slice %arg6[%run_scoped3A_44, %dma_start3A_241, %dma_start3A_242] : memref<2x32x1024xf32, #tpu.memory_space<vmem>> -> memref<1x32x1024xf32, #tpu.memory_space<vmem>>
      %dma_start3A_244 = tpu.memref_squeeze %dma_start3A_243 : memref<1x32x1024xf32, #tpu.memory_space<vmem>> -> memref<32x1024xf32, #tpu.memory_space<vmem>>
      %dma_start3A_245 = arith.constant 0 : i32
      %dma_start3A_246 = tpu.memref_slice %arg4[%add3A_43, %dma_start3A_245] : memref<8192x1024xf32, #tpu.memory_space<hbm>> -> memref<32x1024xf32, #tpu.memory_space<hbm>>
      %dma_start3A_247 = arith.constant 0 : i32
      %dma_start3A_248 = tpu.memref_slice %arg4[%add3A_43, %dma_start3A_247] : memref<8192x1024xf32, #tpu.memory_space<hbm>> -> memref<32x1024xf32, #tpu.memory_space<hbm>>
      %dma_start3A_249 = arith.constant 0 : i32
      %dma_start3A_250 = arith.constant 0 : i32
      %dma_start3A_251 = tpu.memref_slice %arg6[%run_scoped3A_44, %dma_start3A_249, %dma_start3A_250] : memref<2x32x1024xf32, #tpu.memory_space<vmem>> -> memref<1x32x1024xf32, #tpu.memory_space<vmem>>
      %dma_start3A_252 = tpu.memref_squeeze %dma_start3A_251 : memref<1x32x1024xf32, #tpu.memory_space<vmem>> -> memref<32x1024xf32, #tpu.memory_space<vmem>>
      tpu.enqueue_dma source(%dma_start3A_252 : memref<32x1024xf32, #tpu.memory_space<vmem>>) target(%dma_start3A_248 : memref<32x1024xf32, #tpu.memory_space<hbm>>) target_semaphore(%run_scoped3A_240 : memref<!tpu.dma_semaphore, #tpu.memory_space<semaphore_mem>>)
      %dma_wait3A_253 = arith.constant 0 : i32
      %dma_wait3A_254 = arith.constant 0 : i32
      %dma_wait3A_255 = tpu.memref_slice %arg6[%run_scoped3A_44, %dma_wait3A_253, %dma_wait3A_254] : memref<2x32x1024xf32, #tpu.memory_space<vmem>> -> memref<1x32x1024xf32, #tpu.memory_space<vmem>>
      %dma_wait3A_256 = tpu.memref_squeeze %dma_wait3A_255 : memref<1x32x1024xf32, #tpu.memory_space<vmem>> -> memref<32x1024xf32, #tpu.memory_space<vmem>>
      %dma_wait3A_257 = arith.constant 0 : i32
      %dma_wait3A_258 = tpu.memref_slice %arg4[%add3A_43, %dma_wait3A_257] : memref<8192x1024xf32, #tpu.memory_space<hbm>> -> memref<32x1024xf32, #tpu.memory_space<hbm>>
      %dma_wait3A_259 = arith.constant 0 : i32
      %dma_wait3A_260 = tpu.memref_slice %arg4[%add3A_43, %dma_wait3A_259] : memref<8192x1024xf32, #tpu.memory_space<hbm>> -> memref<32x1024xf32, #tpu.memory_space<hbm>>
      %dma_wait3A_261 = arith.constant 0 : i32
      %dma_wait3A_262 = arith.constant 0 : i32
      %dma_wait3A_263 = tpu.memref_slice %arg6[%run_scoped3A_44, %dma_wait3A_261, %dma_wait3A_262] : memref<2x32x1024xf32, #tpu.memory_space<vmem>> -> memref<1x32x1024xf32, #tpu.memory_space<vmem>>
      %dma_wait3A_264 = tpu.memref_squeeze %dma_wait3A_263 : memref<1x32x1024xf32, #tpu.memory_space<vmem>> -> memref<32x1024xf32, #tpu.memory_space<vmem>>
      tpu.wait_dma2 semaphore(%run_scoped3A_240 : memref<!tpu.dma_semaphore, #tpu.memory_space<semaphore_mem>>) src(%dma_wait3A_264 : memref<32x1024xf32, #tpu.memory_space<vmem>>) dst(%dma_wait3A_260 : memref<32x1024xf32, #tpu.memory_space<hbm>>)
      tpu.yield
    }) : () -> ()
    %add3A_45 = arith.constant 64 : i32
    %add3A_46 = arith.addi %mul3A_2, %add3A_45 : i32
    %run_scoped3A_47 = arith.constant 0 : i32
    "tpu.region"() ({
      %run_scoped3A_240 = tpu.sem_alloc : memref<!tpu.dma_semaphore, #tpu.memory_space<semaphore_mem>>
      %dma_start3A_241 = arith.constant 0 : i32
      %dma_start3A_242 = tpu.memref_slice %arg5[%run_scoped3A_47, %dma_start3A_241] : memref<2x32xi32, #tpu.memory_space<vmem>> -> memref<1x32xi32, #tpu.memory_space<vmem>>
      %dma_start3A_243 = tpu.memref_squeeze %dma_start3A_242 : memref<1x32xi32, #tpu.memory_space<vmem>> -> memref<32xi32, #tpu.memory_space<vmem>>
      %dma_start3A_244 = tpu.memref_slice %arg3[%add3A_46] : memref<8192xi32, #tpu.memory_space<hbm>> -> memref<32xi32, #tpu.memory_space<hbm>>
      %dma_start3A_245 = arith.constant 0 : i32
      %dma_start3A_246 = tpu.memref_slice %arg5[%run_scoped3A_47, %dma_start3A_245] : memref<2x32xi32, #tpu.memory_space<vmem>> -> memref<1x32xi32, #tpu.memory_space<vmem>>
      %dma_start3A_247 = tpu.memref_squeeze %dma_start3A_246 : memref<1x32xi32, #tpu.memory_space<vmem>> -> memref<32xi32, #tpu.memory_space<vmem>>
      %dma_start3A_248 = tpu.memref_slice %arg3[%add3A_46] : memref<8192xi32, #tpu.memory_space<hbm>> -> memref<32xi32, #tpu.memory_space<hbm>>
      tpu.enqueue_dma source(%dma_start3A_248 : memref<32xi32, #tpu.memory_space<hbm>>) target(%dma_start3A_247 : memref<32xi32, #tpu.memory_space<vmem>>) target_semaphore(%run_scoped3A_240 : memref<!tpu.dma_semaphore, #tpu.memory_space<semaphore_mem>>)
      %dma_wait3A_249 = arith.constant 0 : i32
      %dma_wait3A_250 = tpu.memref_slice %arg5[%run_scoped3A_47, %dma_wait3A_249] : memref<2x32xi32, #tpu.memory_space<vmem>> -> memref<1x32xi32, #tpu.memory_space<vmem>>
      %dma_wait3A_251 = tpu.memref_squeeze %dma_wait3A_250 : memref<1x32xi32, #tpu.memory_space<vmem>> -> memref<32xi32, #tpu.memory_space<vmem>>
      %dma_wait3A_252 = tpu.memref_slice %arg3[%add3A_46] : memref<8192xi32, #tpu.memory_space<hbm>> -> memref<32xi32, #tpu.memory_space<hbm>>
      %dma_wait3A_253 = arith.constant 0 : i32
      %dma_wait3A_254 = tpu.memref_slice %arg5[%run_scoped3A_47, %dma_wait3A_253] : memref<2x32xi32, #tpu.memory_space<vmem>> -> memref<1x32xi32, #tpu.memory_space<vmem>>
      %dma_wait3A_255 = tpu.memref_squeeze %dma_wait3A_254 : memref<1x32xi32, #tpu.memory_space<vmem>> -> memref<32xi32, #tpu.memory_space<vmem>>
      %dma_wait3A_256 = tpu.memref_slice %arg3[%add3A_46] : memref<8192xi32, #tpu.memory_space<hbm>> -> memref<32xi32, #tpu.memory_space<hbm>>
      tpu.wait_dma2 semaphore(%run_scoped3A_240 : memref<!tpu.dma_semaphore, #tpu.memory_space<semaphore_mem>>) src(%dma_wait3A_256 : memref<32xi32, #tpu.memory_space<hbm>>) dst(%dma_wait3A_255 : memref<32xi32, #tpu.memory_space<vmem>>)
      tpu.yield
    }) : () -> ()
    %dma_start3A_48 = arith.constant 0 : i32
    %dma_start3A_49 = arith.constant 0 : i32
    %dma_start3A_50 = arith.constant 0 : i32
    %dma_start3A_51 = arith.constant 0 : i32
    %dma_start3A_52 = tpu.memref_slice %arg6[%dma_start3A_49, %dma_start3A_50, %dma_start3A_51] : memref<2x32x1024xf32, #tpu.memory_space<vmem>> -> memref<1x32x1024xf32, #tpu.memory_space<vmem>>
    %dma_start3A_53 = tpu.memref_squeeze %dma_start3A_52 : memref<1x32x1024xf32, #tpu.memory_space<vmem>> -> memref<32x1024xf32, #tpu.memory_space<vmem>>
    %dma_start3A_54 = arith.constant 0 : i32
    %dma_start3A_55 = tpu.memref_slice %arg5[%dma_start3A_48, %dma_start3A_54] : memref<2x32xi32, #tpu.memory_space<vmem>> -> memref<1x32xi32, #tpu.memory_space<vmem>>
    %dma_start3A_56 = tpu.memref_squeeze %dma_start3A_55 : memref<1x32xi32, #tpu.memory_space<vmem>> -> memref<32xi32, #tpu.memory_space<vmem>>
    %dma_start3A_57 = arith.constant 0 : i32
    %dma_start3A_58 = arith.constant 0 : i32
    %dma_start3A_59 = tpu.memref_slice %arg2[%dma_start3A_57, %dma_start3A_58] : memref<10240x1024xf32, #tpu.memory_space<hbm>> -> memref<10240x1024xf32, #tpu.memory_space<hbm>>
    tpu.enqueue_indirect_dma source(%dma_start3A_59 : memref<10240x1024xf32, #tpu.memory_space<hbm>>) target(%dma_start3A_53 : memref<32x1024xf32, #tpu.memory_space<vmem>>) offsets(%dma_start3A_56 : memref<32xi32, #tpu.memory_space<vmem>>) semaphore(%arg7 : memref<!tpu.dma_semaphore, #tpu.memory_space<semaphore_mem>>)
    %dma_wait3A_60 = arith.constant 1 : i32
    %dma_wait3A_61 = arith.constant 1 : i32
    %dma_wait3A_62 = arith.constant 0 : i32
    %dma_wait3A_63 = arith.constant 0 : i32
    %dma_wait3A_64 = tpu.memref_slice %arg6[%dma_wait3A_61, %dma_wait3A_62, %dma_wait3A_63] : memref<2x32x1024xf32, #tpu.memory_space<vmem>> -> memref<1x32x1024xf32, #tpu.memory_space<vmem>>
    %dma_wait3A_65 = tpu.memref_squeeze %dma_wait3A_64 : memref<1x32x1024xf32, #tpu.memory_space<vmem>> -> memref<32x1024xf32, #tpu.memory_space<vmem>>
    %dma_wait3A_66 = arith.constant 0 : i32
    %dma_wait3A_67 = tpu.memref_slice %arg5[%dma_wait3A_60, %dma_wait3A_66] : memref<2x32xi32, #tpu.memory_space<vmem>> -> memref<1x32xi32, #tpu.memory_space<vmem>>
    %dma_wait3A_68 = tpu.memref_squeeze %dma_wait3A_67 : memref<1x32xi32, #tpu.memory_space<vmem>> -> memref<32xi32, #tpu.memory_space<vmem>>
    %dma_wait3A_69 = arith.constant 0 : i32
    %dma_wait3A_70 = arith.constant 0 : i32
    %dma_wait3A_71 = tpu.memref_slice %arg2[%dma_wait3A_69, %dma_wait3A_70] : memref<10240x1024xf32, #tpu.memory_space<hbm>> -> memref<10240x1024xf32, #tpu.memory_space<hbm>>
    tpu.wait_indirect_dma semaphore(%arg8 : memref<!tpu.dma_semaphore, #tpu.memory_space<semaphore_mem>>) src(%dma_wait3A_71 : memref<10240x1024xf32, #tpu.memory_space<hbm>>) dst(%dma_wait3A_65 : memref<32x1024xf32, #tpu.memory_space<vmem>>)
    %add3A_72 = arith.constant 32 : i32
    %add3A_73 = arith.addi %mul3A_2, %add3A_72 : i32
    %run_scoped3A_74 = arith.constant 1 : i32
    "tpu.region"() ({
      %run_scoped3A_240 = tpu.sem_alloc : memref<!tpu.dma_semaphore, #tpu.memory_space<semaphore_mem>>
      %dma_start3A_241 = arith.constant 0 : i32
      %dma_start3A_242 = arith.constant 0 : i32
      %dma_start3A_243 = tpu.memref_slice %arg6[%run_scoped3A_74, %dma_start3A_241, %dma_start3A_242] : memref<2x32x1024xf32, #tpu.memory_space<vmem>> -> memref<1x32x1024xf32, #tpu.memory_space<vmem>>
      %dma_start3A_244 = tpu.memref_squeeze %dma_start3A_243 : memref<1x32x1024xf32, #tpu.memory_space<vmem>> -> memref<32x1024xf32, #tpu.memory_space<vmem>>
      %dma_start3A_245 = arith.constant 0 : i32
      %dma_start3A_246 = tpu.memref_slice %arg4[%add3A_73, %dma_start3A_245] : memref<8192x1024xf32, #tpu.memory_space<hbm>> -> memref<32x1024xf32, #tpu.memory_space<hbm>>
      %dma_start3A_247 = arith.constant 0 : i32
      %dma_start3A_248 = tpu.memref_slice %arg4[%add3A_73, %dma_start3A_247] : memref<8192x1024xf32, #tpu.memory_space<hbm>> -> memref<32x1024xf32, #tpu.memory_space<hbm>>
      %dma_start3A_249 = arith.constant 0 : i32
      %dma_start3A_250 = arith.constant 0 : i32
      %dma_start3A_251 = tpu.memref_slice %arg6[%run_scoped3A_74, %dma_start3A_249, %dma_start3A_250] : memref<2x32x1024xf32, #tpu.memory_space<vmem>> -> memref<1x32x1024xf32, #tpu.memory_space<vmem>>
      %dma_start3A_252 = tpu.memref_squeeze %dma_start3A_251 : memref<1x32x1024xf32, #tpu.memory_space<vmem>> -> memref<32x1024xf32, #tpu.memory_space<vmem>>
      tpu.enqueue_dma source(%dma_start3A_252 : memref<32x1024xf32, #tpu.memory_space<vmem>>) target(%dma_start3A_248 : memref<32x1024xf32, #tpu.memory_space<hbm>>) target_semaphore(%run_scoped3A_240 : memref<!tpu.dma_semaphore, #tpu.memory_space<semaphore_mem>>)
      %dma_wait3A_253 = arith.constant 0 : i32
      %dma_wait3A_254 = arith.constant 0 : i32
      %dma_wait3A_255 = tpu.memref_slice %arg6[%run_scoped3A_74, %dma_wait3A_253, %dma_wait3A_254] : memref<2x32x1024xf32, #tpu.memory_space<vmem>> -> memref<1x32x1024xf32, #tpu.memory_space<vmem>>
      %dma_wait3A_256 = tpu.memref_squeeze %dma_wait3A_255 : memref<1x32x1024xf32, #tpu.memory_space<vmem>> -> memref<32x1024xf32, #tpu.memory_space<vmem>>
      %dma_wait3A_257 = arith.constant 0 : i32
      %dma_wait3A_258 = tpu.memref_slice %arg4[%add3A_73, %dma_wait3A_257] : memref<8192x1024xf32, #tpu.memory_space<hbm>> -> memref<32x1024xf32, #tpu.memory_space<hbm>>
      %dma_wait3A_259 = arith.constant 0 : i32
      %dma_wait3A_260 = tpu.memref_slice %arg4[%add3A_73, %dma_wait3A_259] : memref<8192x1024xf32, #tpu.memory_space<hbm>> -> memref<32x1024xf32, #tpu.memory_space<hbm>>
      %dma_wait3A_261 = arith.constant 0 : i32
      %dma_wait3A_262 = arith.constant 0 : i32
      %dma_wait3A_263 = tpu.memref_slice %arg6[%run_scoped3A_74, %dma_wait3A_261, %dma_wait3A_262] : memref<2x32x1024xf32, #tpu.memory_space<vmem>> -> memref<1x32x1024xf32, #tpu.memory_space<vmem>>
      %dma_wait3A_264 = tpu.memref_squeeze %dma_wait3A_263 : memref<1x32x1024xf32, #tpu.memory_space<vmem>> -> memref<32x1024xf32, #tpu.memory_space<vmem>>
      tpu.wait_dma2 semaphore(%run_scoped3A_240 : memref<!tpu.dma_semaphore, #tpu.memory_space<semaphore_mem>>) src(%dma_wait3A_264 : memref<32x1024xf32, #tpu.memory_space<vmem>>) dst(%dma_wait3A_260 : memref<32x1024xf32, #tpu.memory_space<hbm>>)
      tpu.yield
    }) : () -> ()
    %add3A_75 = arith.constant 96 : i32
    %add3A_76 = arith.addi %mul3A_2, %add3A_75 : i32
    %run_scoped3A_77 = arith.constant 1 : i32
    "tpu.region"() ({
      %run_scoped3A_240 = tpu.sem_alloc : memref<!tpu.dma_semaphore, #tpu.memory_space<semaphore_mem>>
      %dma_start3A_241 = arith.constant 0 : i32
      %dma_start3A_242 = tpu.memref_slice %arg5[%run_scoped3A_77, %dma_start3A_241] : memref<2x32xi32, #tpu.memory_space<vmem>> -> memref<1x32xi32, #tpu.memory_space<vmem>>
      %dma_start3A_243 = tpu.memref_squeeze %dma_start3A_242 : memref<1x32xi32, #tpu.memory_space<vmem>> -> memref<32xi32, #tpu.memory_space<vmem>>
      %dma_start3A_244 = tpu.memref_slice %arg3[%add3A_76] : memref<8192xi32, #tpu.memory_space<hbm>> -> memref<32xi32, #tpu.memory_space<hbm>>
      %dma_start3A_245 = arith.constant 0 : i32
      %dma_start3A_246 = tpu.memref_slice %arg5[%run_scoped3A_77, %dma_start3A_245] : memref<2x32xi32, #tpu.memory_space<vmem>> -> memref<1x32xi32, #tpu.memory_space<vmem>>
      %dma_start3A_247 = tpu.memref_squeeze %dma_start3A_246 : memref<1x32xi32, #tpu.memory_space<vmem>> -> memref<32xi32, #tpu.memory_space<vmem>>
      %dma_start3A_248 = tpu.memref_slice %arg3[%add3A_76] : memref<8192xi32, #tpu.memory_space<hbm>> -> memref<32xi32, #tpu.memory_space<hbm>>
      tpu.enqueue_dma source(%dma_start3A_248 : memref<32xi32, #tpu.memory_space<hbm>>) target(%dma_start3A_247 : memref<32xi32, #tpu.memory_space<vmem>>) target_semaphore(%run_scoped3A_240 : memref<!tpu.dma_semaphore, #tpu.memory_space<semaphore_mem>>)
      %dma_wait3A_249 = arith.constant 0 : i32
      %dma_wait3A_250 = tpu.memref_slice %arg5[%run_scoped3A_77, %dma_wait3A_249] : memref<2x32xi32, #tpu.memory_space<vmem>> -> memref<1x32xi32, #tpu.memory_space<vmem>>
      %dma_wait3A_251 = tpu.memref_squeeze %dma_wait3A_250 : memref<1x32xi32, #tpu.memory_space<vmem>> -> memref<32xi32, #tpu.memory_space<vmem>>
      %dma_wait3A_252 = tpu.memref_slice %arg3[%add3A_76] : memref<8192xi32, #tpu.memory_space<hbm>> -> memref<32xi32, #tpu.memory_space<hbm>>
      %dma_wait3A_253 = arith.constant 0 : i32
      %dma_wait3A_254 = tpu.memref_slice %arg5[%run_scoped3A_77, %dma_wait3A_253] : memref<2x32xi32, #tpu.memory_space<vmem>> -> memref<1x32xi32, #tpu.memory_space<vmem>>
      %dma_wait3A_255 = tpu.memref_squeeze %dma_wait3A_254 : memref<1x32xi32, #tpu.memory_space<vmem>> -> memref<32xi32, #tpu.memory_space<vmem>>
      %dma_wait3A_256 = tpu.memref_slice %arg3[%add3A_76] : memref<8192xi32, #tpu.memory_space<hbm>> -> memref<32xi32, #tpu.memory_space<hbm>>
      tpu.wait_dma2 semaphore(%run_scoped3A_240 : memref<!tpu.dma_semaphore, #tpu.memory_space<semaphore_mem>>) src(%dma_wait3A_256 : memref<32xi32, #tpu.memory_space<hbm>>) dst(%dma_wait3A_255 : memref<32xi32, #tpu.memory_space<vmem>>)
      tpu.yield
    }) : () -> ()
    %dma_start3A_78 = arith.constant 1 : i32
    %dma_start3A_79 = arith.constant 1 : i32
    %dma_start3A_80 = arith.constant 0 : i32
    %dma_start3A_81 = arith.constant 0 : i32
    %dma_start3A_82 = tpu.memref_slice %arg6[%dma_start3A_79, %dma_start3A_80, %dma_start3A_81] : memref<2x32x1024xf32, #tpu.memory_space<vmem>> -> memref<1x32x1024xf32, #tpu.memory_space<vmem>>
    %dma_start3A_83 = tpu.memref_squeeze %dma_start3A_82 : memref<1x32x1024xf32, #tpu.memory_space<vmem>> -> memref<32x1024xf32, #tpu.memory_space<vmem>>
    %dma_start3A_84 = arith.constant 0 : i32
    %dma_start3A_85 = tpu.memref_slice %arg5[%dma_start3A_78, %dma_start3A_84] : memref<2x32xi32, #tpu.memory_space<vmem>> -> memref<1x32xi32, #tpu.memory_space<vmem>>
    %dma_start3A_86 = tpu.memref_squeeze %dma_start3A_85 : memref<1x32xi32, #tpu.memory_space<vmem>> -> memref<32xi32, #tpu.memory_space<vmem>>
    %dma_start3A_87 = arith.constant 0 : i32
    %dma_start3A_88 = arith.constant 0 : i32
    %dma_start3A_89 = tpu.memref_slice %arg2[%dma_start3A_87, %dma_start3A_88] : memref<10240x1024xf32, #tpu.memory_space<hbm>> -> memref<10240x1024xf32, #tpu.memory_space<hbm>>
    tpu.enqueue_indirect_dma source(%dma_start3A_89 : memref<10240x1024xf32, #tpu.memory_space<hbm>>) target(%dma_start3A_83 : memref<32x1024xf32, #tpu.memory_space<vmem>>) offsets(%dma_start3A_86 : memref<32xi32, #tpu.memory_space<vmem>>) semaphore(%arg8 : memref<!tpu.dma_semaphore, #tpu.memory_space<semaphore_mem>>)
    %dma_wait3A_90 = arith.constant 0 : i32
    %dma_wait3A_91 = arith.constant 0 : i32
    %dma_wait3A_92 = arith.constant 0 : i32
    %dma_wait3A_93 = arith.constant 0 : i32
    %dma_wait3A_94 = tpu.memref_slice %arg6[%dma_wait3A_91, %dma_wait3A_92, %dma_wait3A_93] : memref<2x32x1024xf32, #tpu.memory_space<vmem>> -> memref<1x32x1024xf32, #tpu.memory_space<vmem>>
    %dma_wait3A_95 = tpu.memref_squeeze %dma_wait3A_94 : memref<1x32x1024xf32, #tpu.memory_space<vmem>> -> memref<32x1024xf32, #tpu.memory_space<vmem>>
    %dma_wait3A_96 = arith.constant 0 : i32
    %dma_wait3A_97 = tpu.memref_slice %arg5[%dma_wait3A_90, %dma_wait3A_96] : memref<2x32xi32, #tpu.memory_space<vmem>> -> memref<1x32xi32, #tpu.memory_space<vmem>>
    %dma_wait3A_98 = tpu.memref_squeeze %dma_wait3A_97 : memref<1x32xi32, #tpu.memory_space<vmem>> -> memref<32xi32, #tpu.memory_space<vmem>>
    %dma_wait3A_99 = arith.constant 0 : i32
    %dma_wait3A_100 = arith.constant 0 : i32
    %dma_wait3A_101 = tpu.memref_slice %arg2[%dma_wait3A_99, %dma_wait3A_100] : memref<10240x1024xf32, #tpu.memory_space<hbm>> -> memref<10240x1024xf32, #tpu.memory_space<hbm>>
    tpu.wait_indirect_dma semaphore(%arg7 : memref<!tpu.dma_semaphore, #tpu.memory_space<semaphore_mem>>) src(%dma_wait3A_101 : memref<10240x1024xf32, #tpu.memory_space<hbm>>) dst(%dma_wait3A_95 : memref<32x1024xf32, #tpu.memory_space<vmem>>)
    %add3A_102 = arith.constant 64 : i32
    %add3A_103 = arith.addi %mul3A_2, %add3A_102 : i32
    %run_scoped3A_104 = arith.constant 0 : i32
    "tpu.region"() ({
      %run_scoped3A_240 = tpu.sem_alloc : memref<!tpu.dma_semaphore, #tpu.memory_space<semaphore_mem>>
      %dma_start3A_241 = arith.constant 0 : i32
      %dma_start3A_242 = arith.constant 0 : i32
      %dma_start3A_243 = tpu.memref_slice %arg6[%run_scoped3A_104, %dma_start3A_241, %dma_start3A_242] : memref<2x32x1024xf32, #tpu.memory_space<vmem>> -> memref<1x32x1024xf32, #tpu.memory_space<vmem>>
      %dma_start3A_244 = tpu.memref_squeeze %dma_start3A_243 : memref<1x32x1024xf32, #tpu.memory_space<vmem>> -> memref<32x1024xf32, #tpu.memory_space<vmem>>
      %dma_start3A_245 = arith.constant 0 : i32
      %dma_start3A_246 = tpu.memref_slice %arg4[%add3A_103, %dma_start3A_245] : memref<8192x1024xf32, #tpu.memory_space<hbm>> -> memref<32x1024xf32, #tpu.memory_space<hbm>>
      %dma_start3A_247 = arith.constant 0 : i32
      %dma_start3A_248 = tpu.memref_slice %arg4[%add3A_103, %dma_start3A_247] : memref<8192x1024xf32, #tpu.memory_space<hbm>> -> memref<32x1024xf32, #tpu.memory_space<hbm>>
      %dma_start3A_249 = arith.constant 0 : i32
      %dma_start3A_250 = arith.constant 0 : i32
      %dma_start3A_251 = tpu.memref_slice %arg6[%run_scoped3A_104, %dma_start3A_249, %dma_start3A_250] : memref<2x32x1024xf32, #tpu.memory_space<vmem>> -> memref<1x32x1024xf32, #tpu.memory_space<vmem>>
      %dma_start3A_252 = tpu.memref_squeeze %dma_start3A_251 : memref<1x32x1024xf32, #tpu.memory_space<vmem>> -> memref<32x1024xf32, #tpu.memory_space<vmem>>
      tpu.enqueue_dma source(%dma_start3A_252 : memref<32x1024xf32, #tpu.memory_space<vmem>>) target(%dma_start3A_248 : memref<32x1024xf32, #tpu.memory_space<hbm>>) target_semaphore(%run_scoped3A_240 : memref<!tpu.dma_semaphore, #tpu.memory_space<semaphore_mem>>)
      %dma_wait3A_253 = arith.constant 0 : i32
      %dma_wait3A_254 = arith.constant 0 : i32
      %dma_wait3A_255 = tpu.memref_slice %arg6[%run_scoped3A_104, %dma_wait3A_253, %dma_wait3A_254] : memref<2x32x1024xf32, #tpu.memory_space<vmem>> -> memref<1x32x1024xf32, #tpu.memory_space<vmem>>
      %dma_wait3A_256 = tpu.memref_squeeze %dma_wait3A_255 : memref<1x32x1024xf32, #tpu.memory_space<vmem>> -> memref<32x1024xf32, #tpu.memory_space<vmem>>
      %dma_wait3A_257 = arith.constant 0 : i32
      %dma_wait3A_258 = tpu.memref_slice %arg4[%add3A_103, %dma_wait3A_257] : memref<8192x1024xf32, #tpu.memory_space<hbm>> -> memref<32x1024xf32, #tpu.memory_space<hbm>>
      %dma_wait3A_259 = arith.constant 0 : i32
      %dma_wait3A_260 = tpu.memref_slice %arg4[%add3A_103, %dma_wait3A_259] : memref<8192x1024xf32, #tpu.memory_space<hbm>> -> memref<32x1024xf32, #tpu.memory_space<hbm>>
      %dma_wait3A_261 = arith.constant 0 : i32
      %dma_wait3A_262 = arith.constant 0 : i32
      %dma_wait3A_263 = tpu.memref_slice %arg6[%run_scoped3A_104, %dma_wait3A_261, %dma_wait3A_262] : memref<2x32x1024xf32, #tpu.memory_space<vmem>> -> memref<1x32x1024xf32, #tpu.memory_space<vmem>>
      %dma_wait3A_264 = tpu.memref_squeeze %dma_wait3A_263 : memref<1x32x1024xf32, #tpu.memory_space<vmem>> -> memref<32x1024xf32, #tpu.memory_space<vmem>>
      tpu.wait_dma2 semaphore(%run_scoped3A_240 : memref<!tpu.dma_semaphore, #tpu.memory_space<semaphore_mem>>) src(%dma_wait3A_264 : memref<32x1024xf32, #tpu.memory_space<vmem>>) dst(%dma_wait3A_260 : memref<32x1024xf32, #tpu.memory_space<hbm>>)
      tpu.yield
    }) : () -> ()
    %add3A_105 = arith.constant 128 : i32
    %add3A_106 = arith.addi %mul3A_2, %add3A_105 : i32
    %run_scoped3A_107 = arith.constant 0 : i32
    "tpu.region"() ({
      %run_scoped3A_240 = tpu.sem_alloc : memref<!tpu.dma_semaphore, #tpu.memory_space<semaphore_mem>>
      %dma_start3A_241 = arith.constant 0 : i32
      %dma_start3A_242 = tpu.memref_slice %arg5[%run_scoped3A_107, %dma_start3A_241] : memref<2x32xi32, #tpu.memory_space<vmem>> -> memref<1x32xi32, #tpu.memory_space<vmem>>
      %dma_start3A_243 = tpu.memref_squeeze %dma_start3A_242 : memref<1x32xi32, #tpu.memory_space<vmem>> -> memref<32xi32, #tpu.memory_space<vmem>>
      %dma_start3A_244 = tpu.memref_slice %arg3[%add3A_106] : memref<8192xi32, #tpu.memory_space<hbm>> -> memref<32xi32, #tpu.memory_space<hbm>>
      %dma_start3A_245 = arith.constant 0 : i32
      %dma_start3A_246 = tpu.memref_slice %arg5[%run_scoped3A_107, %dma_start3A_245] : memref<2x32xi32, #tpu.memory_space<vmem>> -> memref<1x32xi32, #tpu.memory_space<vmem>>
      %dma_start3A_247 = tpu.memref_squeeze %dma_start3A_246 : memref<1x32xi32, #tpu.memory_space<vmem>> -> memref<32xi32, #tpu.memory_space<vmem>>
      %dma_start3A_248 = tpu.memref_slice %arg3[%add3A_106] : memref<8192xi32, #tpu.memory_space<hbm>> -> memref<32xi32, #tpu.memory_space<hbm>>
      tpu.enqueue_dma source(%dma_start3A_248 : memref<32xi32, #tpu.memory_space<hbm>>) target(%dma_start3A_247 : memref<32xi32, #tpu.memory_space<vmem>>) target_semaphore(%run_scoped3A_240 : memref<!tpu.dma_semaphore, #tpu.memory_space<semaphore_mem>>)
      %dma_wait3A_249 = arith.constant 0 : i32
      %dma_wait3A_250 = tpu.memref_slice %arg5[%run_scoped3A_107, %dma_wait3A_249] : memref<2x32xi32, #tpu.memory_space<vmem>> -> memref<1x32xi32, #tpu.memory_space<vmem>>
      %dma_wait3A_251 = tpu.memref_squeeze %dma_wait3A_250 : memref<1x32xi32, #tpu.memory_space<vmem>> -> memref<32xi32, #tpu.memory_space<vmem>>
      %dma_wait3A_252 = tpu.memref_slice %arg3[%add3A_106] : memref<8192xi32, #tpu.memory_space<hbm>> -> memref<32xi32, #tpu.memory_space<hbm>>
      %dma_wait3A_253 = arith.constant 0 : i32
      %dma_wait3A_254 = tpu.memref_slice %arg5[%run_scoped3A_107, %dma_wait3A_253] : memref<2x32xi32, #tpu.memory_space<vmem>> -> memref<1x32xi32, #tpu.memory_space<vmem>>
      %dma_wait3A_255 = tpu.memref_squeeze %dma_wait3A_254 : memref<1x32xi32, #tpu.memory_space<vmem>> -> memref<32xi32, #tpu.memory_space<vmem>>
      %dma_wait3A_256 = tpu.memref_slice %arg3[%add3A_106] : memref<8192xi32, #tpu.memory_space<hbm>> -> memref<32xi32, #tpu.memory_space<hbm>>
      tpu.wait_dma2 semaphore(%run_scoped3A_240 : memref<!tpu.dma_semaphore, #tpu.memory_space<semaphore_mem>>) src(%dma_wait3A_256 : memref<32xi32, #tpu.memory_space<hbm>>) dst(%dma_wait3A_255 : memref<32xi32, #tpu.memory_space<vmem>>)
      tpu.yield
    }) : () -> ()
    %dma_start3A_108 = arith.constant 0 : i32
    %dma_start3A_109 = arith.constant 0 : i32
    %dma_start3A_110 = arith.constant 0 : i32
    %dma_start3A_111 = arith.constant 0 : i32
    %dma_start3A_112 = tpu.memref_slice %arg6[%dma_start3A_109, %dma_start3A_110, %dma_start3A_111] : memref<2x32x1024xf32, #tpu.memory_space<vmem>> -> memref<1x32x1024xf32, #tpu.memory_space<vmem>>
    %dma_start3A_113 = tpu.memref_squeeze %dma_start3A_112 : memref<1x32x1024xf32, #tpu.memory_space<vmem>> -> memref<32x1024xf32, #tpu.memory_space<vmem>>
    %dma_start3A_114 = arith.constant 0 : i32
    %dma_start3A_115 = tpu.memref_slice %arg5[%dma_start3A_108, %dma_start3A_114] : memref<2x32xi32, #tpu.memory_space<vmem>> -> memref<1x32xi32, #tpu.memory_space<vmem>>
    %dma_start3A_116 = tpu.memref_squeeze %dma_start3A_115 : memref<1x32xi32, #tpu.memory_space<vmem>> -> memref<32xi32, #tpu.memory_space<vmem>>
    %dma_start3A_117 = arith.constant 0 : i32
    %dma_start3A_118 = arith.constant 0 : i32
    %dma_start3A_119 = tpu.memref_slice %arg2[%dma_start3A_117, %dma_start3A_118] : memref<10240x1024xf32, #tpu.memory_space<hbm>> -> memref<10240x1024xf32, #tpu.memory_space<hbm>>
    tpu.enqueue_indirect_dma source(%dma_start3A_119 : memref<10240x1024xf32, #tpu.memory_space<hbm>>) target(%dma_start3A_113 : memref<32x1024xf32, #tpu.memory_space<vmem>>) offsets(%dma_start3A_116 : memref<32xi32, #tpu.memory_space<vmem>>) semaphore(%arg7 : memref<!tpu.dma_semaphore, #tpu.memory_space<semaphore_mem>>)
    %dma_wait3A_120 = arith.constant 1 : i32
    %dma_wait3A_121 = arith.constant 1 : i32
    %dma_wait3A_122 = arith.constant 0 : i32
    %dma_wait3A_123 = arith.constant 0 : i32
    %dma_wait3A_124 = tpu.memref_slice %arg6[%dma_wait3A_121, %dma_wait3A_122, %dma_wait3A_123] : memref<2x32x1024xf32, #tpu.memory_space<vmem>> -> memref<1x32x1024xf32, #tpu.memory_space<vmem>>
    %dma_wait3A_125 = tpu.memref_squeeze %dma_wait3A_124 : memref<1x32x1024xf32, #tpu.memory_space<vmem>> -> memref<32x1024xf32, #tpu.memory_space<vmem>>
    %dma_wait3A_126 = arith.constant 0 : i32
    %dma_wait3A_127 = tpu.memref_slice %arg5[%dma_wait3A_120, %dma_wait3A_126] : memref<2x32xi32, #tpu.memory_space<vmem>> -> memref<1x32xi32, #tpu.memory_space<vmem>>
    %dma_wait3A_128 = tpu.memref_squeeze %dma_wait3A_127 : memref<1x32xi32, #tpu.memory_space<vmem>> -> memref<32xi32, #tpu.memory_space<vmem>>
    %dma_wait3A_129 = arith.constant 0 : i32
    %dma_wait3A_130 = arith.constant 0 : i32
    %dma_wait3A_131 = tpu.memref_slice %arg2[%dma_wait3A_129, %dma_wait3A_130] : memref<10240x1024xf32, #tpu.memory_space<hbm>> -> memref<10240x1024xf32, #tpu.memory_space<hbm>>
    tpu.wait_indirect_dma semaphore(%arg8 : memref<!tpu.dma_semaphore, #tpu.memory_space<semaphore_mem>>) src(%dma_wait3A_131 : memref<10240x1024xf32, #tpu.memory_space<hbm>>) dst(%dma_wait3A_125 : memref<32x1024xf32, #tpu.memory_space<vmem>>)
    %add3A_132 = arith.constant 96 : i32
    %add3A_133 = arith.addi %mul3A_2, %add3A_132 : i32
    %run_scoped3A_134 = arith.constant 1 : i32
    "tpu.region"() ({
      %run_scoped3A_240 = tpu.sem_alloc : memref<!tpu.dma_semaphore, #tpu.memory_space<semaphore_mem>>
      %dma_start3A_241 = arith.constant 0 : i32
      %dma_start3A_242 = arith.constant 0 : i32
      %dma_start3A_243 = tpu.memref_slice %arg6[%run_scoped3A_134, %dma_start3A_241, %dma_start3A_242] : memref<2x32x1024xf32, #tpu.memory_space<vmem>> -> memref<1x32x1024xf32, #tpu.memory_space<vmem>>
      %dma_start3A_244 = tpu.memref_squeeze %dma_start3A_243 : memref<1x32x1024xf32, #tpu.memory_space<vmem>> -> memref<32x1024xf32, #tpu.memory_space<vmem>>
      %dma_start3A_245 = arith.constant 0 : i32
      %dma_start3A_246 = tpu.memref_slice %arg4[%add3A_133, %dma_start3A_245] : memref<8192x1024xf32, #tpu.memory_space<hbm>> -> memref<32x1024xf32, #tpu.memory_space<hbm>>
      %dma_start3A_247 = arith.constant 0 : i32
      %dma_start3A_248 = tpu.memref_slice %arg4[%add3A_133, %dma_start3A_247] : memref<8192x1024xf32, #tpu.memory_space<hbm>> -> memref<32x1024xf32, #tpu.memory_space<hbm>>
      %dma_start3A_249 = arith.constant 0 : i32
      %dma_start3A_250 = arith.constant 0 : i32
      %dma_start3A_251 = tpu.memref_slice %arg6[%run_scoped3A_134, %dma_start3A_249, %dma_start3A_250] : memref<2x32x1024xf32, #tpu.memory_space<vmem>> -> memref<1x32x1024xf32, #tpu.memory_space<vmem>>
      %dma_start3A_252 = tpu.memref_squeeze %dma_start3A_251 : memref<1x32x1024xf32, #tpu.memory_space<vmem>> -> memref<32x1024xf32, #tpu.memory_space<vmem>>
      tpu.enqueue_dma source(%dma_start3A_252 : memref<32x1024xf32, #tpu.memory_space<vmem>>) target(%dma_start3A_248 : memref<32x1024xf32, #tpu.memory_space<hbm>>) target_semaphore(%run_scoped3A_240 : memref<!tpu.dma_semaphore, #tpu.memory_space<semaphore_mem>>)
      %dma_wait3A_253 = arith.constant 0 : i32
      %dma_wait3A_254 = arith.constant 0 : i32
      %dma_wait3A_255 = tpu.memref_slice %arg6[%run_scoped3A_134, %dma_wait3A_253, %dma_wait3A_254] : memref<2x32x1024xf32, #tpu.memory_space<vmem>> -> memref<1x32x1024xf32, #tpu.memory_space<vmem>>
      %dma_wait3A_256 = tpu.memref_squeeze %dma_wait3A_255 : memref<1x32x1024xf32, #tpu.memory_space<vmem>> -> memref<32x1024xf32, #tpu.memory_space<vmem>>
      %dma_wait3A_257 = arith.constant 0 : i32
      %dma_wait3A_258 = tpu.memref_slice %arg4[%add3A_133, %dma_wait3A_257] : memref<8192x1024xf32, #tpu.memory_space<hbm>> -> memref<32x1024xf32, #tpu.memory_space<hbm>>
      %dma_wait3A_259 = arith.constant 0 : i32
      %dma_wait3A_260 = tpu.memref_slice %arg4[%add3A_133, %dma_wait3A_259] : memref<8192x1024xf32, #tpu.memory_space<hbm>> -> memref<32x1024xf32, #tpu.memory_space<hbm>>
      %dma_wait3A_261 = arith.constant 0 : i32
      %dma_wait3A_262 = arith.constant 0 : i32
      %dma_wait3A_263 = tpu.memref_slice %arg6[%run_scoped3A_134, %dma_wait3A_261, %dma_wait3A_262] : memref<2x32x1024xf32, #tpu.memory_space<vmem>> -> memref<1x32x1024xf32, #tpu.memory_space<vmem>>
      %dma_wait3A_264 = tpu.memref_squeeze %dma_wait3A_263 : memref<1x32x1024xf32, #tpu.memory_space<vmem>> -> memref<32x1024xf32, #tpu.memory_space<vmem>>
      tpu.wait_dma2 semaphore(%run_scoped3A_240 : memref<!tpu.dma_semaphore, #tpu.memory_space<semaphore_mem>>) src(%dma_wait3A_264 : memref<32x1024xf32, #tpu.memory_space<vmem>>) dst(%dma_wait3A_260 : memref<32x1024xf32, #tpu.memory_space<hbm>>)
      tpu.yield
    }) : () -> ()
    %add3A_135 = arith.constant 160 : i32
    %add3A_136 = arith.addi %mul3A_2, %add3A_135 : i32
    %run_scoped3A_137 = arith.constant 1 : i32
    "tpu.region"() ({
      %run_scoped3A_240 = tpu.sem_alloc : memref<!tpu.dma_semaphore, #tpu.memory_space<semaphore_mem>>
      %dma_start3A_241 = arith.constant 0 : i32
      %dma_start3A_242 = tpu.memref_slice %arg5[%run_scoped3A_137, %dma_start3A_241] : memref<2x32xi32, #tpu.memory_space<vmem>> -> memref<1x32xi32, #tpu.memory_space<vmem>>
      %dma_start3A_243 = tpu.memref_squeeze %dma_start3A_242 : memref<1x32xi32, #tpu.memory_space<vmem>> -> memref<32xi32, #tpu.memory_space<vmem>>
      %dma_start3A_244 = tpu.memref_slice %arg3[%add3A_136] : memref<8192xi32, #tpu.memory_space<hbm>> -> memref<32xi32, #tpu.memory_space<hbm>>
      %dma_start3A_245 = arith.constant 0 : i32
      %dma_start3A_246 = tpu.memref_slice %arg5[%run_scoped3A_137, %dma_start3A_245] : memref<2x32xi32, #tpu.memory_space<vmem>> -> memref<1x32xi32, #tpu.memory_space<vmem>>
      %dma_start3A_247 = tpu.memref_squeeze %dma_start3A_246 : memref<1x32xi32, #tpu.memory_space<vmem>> -> memref<32xi32, #tpu.memory_space<vmem>>
      %dma_start3A_248 = tpu.memref_slice %arg3[%add3A_136] : memref<8192xi32, #tpu.memory_space<hbm>> -> memref<32xi32, #tpu.memory_space<hbm>>
      tpu.enqueue_dma source(%dma_start3A_248 : memref<32xi32, #tpu.memory_space<hbm>>) target(%dma_start3A_247 : memref<32xi32, #tpu.memory_space<vmem>>) target_semaphore(%run_scoped3A_240 : memref<!tpu.dma_semaphore, #tpu.memory_space<semaphore_mem>>)
      %dma_wait3A_249 = arith.constant 0 : i32
      %dma_wait3A_250 = tpu.memref_slice %arg5[%run_scoped3A_137, %dma_wait3A_249] : memref<2x32xi32, #tpu.memory_space<vmem>> -> memref<1x32xi32, #tpu.memory_space<vmem>>
      %dma_wait3A_251 = tpu.memref_squeeze %dma_wait3A_250 : memref<1x32xi32, #tpu.memory_space<vmem>> -> memref<32xi32, #tpu.memory_space<vmem>>
      %dma_wait3A_252 = tpu.memref_slice %arg3[%add3A_136] : memref<8192xi32, #tpu.memory_space<hbm>> -> memref<32xi32, #tpu.memory_space<hbm>>
      %dma_wait3A_253 = arith.constant 0 : i32
      %dma_wait3A_254 = tpu.memref_slice %arg5[%run_scoped3A_137, %dma_wait3A_253] : memref<2x32xi32, #tpu.memory_space<vmem>> -> memref<1x32xi32, #tpu.memory_space<vmem>>
      %dma_wait3A_255 = tpu.memref_squeeze %dma_wait3A_254 : memref<1x32xi32, #tpu.memory_space<vmem>> -> memref<32xi32, #tpu.memory_space<vmem>>
      %dma_wait3A_256 = tpu.memref_slice %arg3[%add3A_136] : memref<8192xi32, #tpu.memory_space<hbm>> -> memref<32xi32, #tpu.memory_space<hbm>>
      tpu.wait_dma2 semaphore(%run_scoped3A_240 : memref<!tpu.dma_semaphore, #tpu.memory_space<semaphore_mem>>) src(%dma_wait3A_256 : memref<32xi32, #tpu.memory_space<hbm>>) dst(%dma_wait3A_255 : memref<32xi32, #tpu.memory_space<vmem>>)
      tpu.yield
    }) : () -> ()
    %dma_start3A_138 = arith.constant 1 : i32
    %dma_start3A_139 = arith.constant 1 : i32
    %dma_start3A_140 = arith.constant 0 : i32
    %dma_start3A_141 = arith.constant 0 : i32
    %dma_start3A_142 = tpu.memref_slice %arg6[%dma_start3A_139, %dma_start3A_140, %dma_start3A_141] : memref<2x32x1024xf32, #tpu.memory_space<vmem>> -> memref<1x32x1024xf32, #tpu.memory_space<vmem>>
    %dma_start3A_143 = tpu.memref_squeeze %dma_start3A_142 : memref<1x32x1024xf32, #tpu.memory_space<vmem>> -> memref<32x1024xf32, #tpu.memory_space<vmem>>
    %dma_start3A_144 = arith.constant 0 : i32
    %dma_start3A_145 = tpu.memref_slice %arg5[%dma_start3A_138, %dma_start3A_144] : memref<2x32xi32, #tpu.memory_space<vmem>> -> memref<1x32xi32, #tpu.memory_space<vmem>>
    %dma_start3A_146 = tpu.memref_squeeze %dma_start3A_145 : memref<1x32xi32, #tpu.memory_space<vmem>> -> memref<32xi32, #tpu.memory_space<vmem>>
    %dma_start3A_147 = arith.constant 0 : i32
    %dma_start3A_148 = arith.constant 0 : i32
    %dma_start3A_149 = tpu.memref_slice %arg2[%dma_start3A_147, %dma_start3A_148] : memref<10240x1024xf32, #tpu.memory_space<hbm>> -> memref<10240x1024xf32, #tpu.memory_space<hbm>>
    tpu.enqueue_indirect_dma source(%dma_start3A_149 : memref<10240x1024xf32, #tpu.memory_space<hbm>>) target(%dma_start3A_143 : memref<32x1024xf32, #tpu.memory_space<vmem>>) offsets(%dma_start3A_146 : memref<32xi32, #tpu.memory_space<vmem>>) semaphore(%arg8 : memref<!tpu.dma_semaphore, #tpu.memory_space<semaphore_mem>>)
    %dma_wait3A_150 = arith.constant 0 : i32
    %dma_wait3A_151 = arith.constant 0 : i32
    %dma_wait3A_152 = arith.constant 0 : i32
    %dma_wait3A_153 = arith.constant 0 : i32
    %dma_wait3A_154 = tpu.memref_slice %arg6[%dma_wait3A_151, %dma_wait3A_152, %dma_wait3A_153] : memref<2x32x1024xf32, #tpu.memory_space<vmem>> -> memref<1x32x1024xf32, #tpu.memory_space<vmem>>
    %dma_wait3A_155 = tpu.memref_squeeze %dma_wait3A_154 : memref<1x32x1024xf32, #tpu.memory_space<vmem>> -> memref<32x1024xf32, #tpu.memory_space<vmem>>
    %dma_wait3A_156 = arith.constant 0 : i32
    %dma_wait3A_157 = tpu.memref_slice %arg5[%dma_wait3A_150, %dma_wait3A_156] : memref<2x32xi32, #tpu.memory_space<vmem>> -> memref<1x32xi32, #tpu.memory_space<vmem>>
    %dma_wait3A_158 = tpu.memref_squeeze %dma_wait3A_157 : memref<1x32xi32, #tpu.memory_space<vmem>> -> memref<32xi32, #tpu.memory_space<vmem>>
    %dma_wait3A_159 = arith.constant 0 : i32
    %dma_wait3A_160 = arith.constant 0 : i32
    %dma_wait3A_161 = tpu.memref_slice %arg2[%dma_wait3A_159, %dma_wait3A_160] : memref<10240x1024xf32, #tpu.memory_space<hbm>> -> memref<10240x1024xf32, #tpu.memory_space<hbm>>
    tpu.wait_indirect_dma semaphore(%arg7 : memref<!tpu.dma_semaphore, #tpu.memory_space<semaphore_mem>>) src(%dma_wait3A_161 : memref<10240x1024xf32, #tpu.memory_space<hbm>>) dst(%dma_wait3A_155 : memref<32x1024xf32, #tpu.memory_space<vmem>>)
    %add3A_162 = arith.constant 128 : i32
    %add3A_163 = arith.addi %mul3A_2, %add3A_162 : i32
    %run_scoped3A_164 = arith.constant 0 : i32
    "tpu.region"() ({
      %run_scoped3A_240 = tpu.sem_alloc : memref<!tpu.dma_semaphore, #tpu.memory_space<semaphore_mem>>
      %dma_start3A_241 = arith.constant 0 : i32
      %dma_start3A_242 = arith.constant 0 : i32
      %dma_start3A_243 = tpu.memref_slice %arg6[%run_scoped3A_164, %dma_start3A_241, %dma_start3A_242] : memref<2x32x1024xf32, #tpu.memory_space<vmem>> -> memref<1x32x1024xf32, #tpu.memory_space<vmem>>
      %dma_start3A_244 = tpu.memref_squeeze %dma_start3A_243 : memref<1x32x1024xf32, #tpu.memory_space<vmem>> -> memref<32x1024xf32, #tpu.memory_space<vmem>>
      %dma_start3A_245 = arith.constant 0 : i32
      %dma_start3A_246 = tpu.memref_slice %arg4[%add3A_163, %dma_start3A_245] : memref<8192x1024xf32, #tpu.memory_space<hbm>> -> memref<32x1024xf32, #tpu.memory_space<hbm>>
      %dma_start3A_247 = arith.constant 0 : i32
      %dma_start3A_248 = tpu.memref_slice %arg4[%add3A_163, %dma_start3A_247] : memref<8192x1024xf32, #tpu.memory_space<hbm>> -> memref<32x1024xf32, #tpu.memory_space<hbm>>
      %dma_start3A_249 = arith.constant 0 : i32
      %dma_start3A_250 = arith.constant 0 : i32
      %dma_start3A_251 = tpu.memref_slice %arg6[%run_scoped3A_164, %dma_start3A_249, %dma_start3A_250] : memref<2x32x1024xf32, #tpu.memory_space<vmem>> -> memref<1x32x1024xf32, #tpu.memory_space<vmem>>
      %dma_start3A_252 = tpu.memref_squeeze %dma_start3A_251 : memref<1x32x1024xf32, #tpu.memory_space<vmem>> -> memref<32x1024xf32, #tpu.memory_space<vmem>>
      tpu.enqueue_dma source(%dma_start3A_252 : memref<32x1024xf32, #tpu.memory_space<vmem>>) target(%dma_start3A_248 : memref<32x1024xf32, #tpu.memory_space<hbm>>) target_semaphore(%run_scoped3A_240 : memref<!tpu.dma_semaphore, #tpu.memory_space<semaphore_mem>>)
      %dma_wait3A_253 = arith.constant 0 : i32
      %dma_wait3A_254 = arith.constant 0 : i32
      %dma_wait3A_255 = tpu.memref_slice %arg6[%run_scoped3A_164, %dma_wait3A_253, %dma_wait3A_254] : memref<2x32x1024xf32, #tpu.memory_space<vmem>> -> memref<1x32x1024xf32, #tpu.memory_space<vmem>>
      %dma_wait3A_256 = tpu.memref_squeeze %dma_wait3A_255 : memref<1x32x1024xf32, #tpu.memory_space<vmem>> -> memref<32x1024xf32, #tpu.memory_space<vmem>>
      %dma_wait3A_257 = arith.constant 0 : i32
      %dma_wait3A_258 = tpu.memref_slice %arg4[%add3A_163, %dma_wait3A_257] : memref<8192x1024xf32, #tpu.memory_space<hbm>> -> memref<32x1024xf32, #tpu.memory_space<hbm>>
      %dma_wait3A_259 = arith.constant 0 : i32
      %dma_wait3A_260 = tpu.memref_slice %arg4[%add3A_163, %dma_wait3A_259] : memref<8192x1024xf32, #tpu.memory_space<hbm>> -> memref<32x1024xf32, #tpu.memory_space<hbm>>
      %dma_wait3A_261 = arith.constant 0 : i32
      %dma_wait3A_262 = arith.constant 0 : i32
      %dma_wait3A_263 = tpu.memref_slice %arg6[%run_scoped3A_164, %dma_wait3A_261, %dma_wait3A_262] : memref<2x32x1024xf32, #tpu.memory_space<vmem>> -> memref<1x32x1024xf32, #tpu.memory_space<vmem>>
      %dma_wait3A_264 = tpu.memref_squeeze %dma_wait3A_263 : memref<1x32x1024xf32, #tpu.memory_space<vmem>> -> memref<32x1024xf32, #tpu.memory_space<vmem>>
      tpu.wait_dma2 semaphore(%run_scoped3A_240 : memref<!tpu.dma_semaphore, #tpu.memory_space<semaphore_mem>>) src(%dma_wait3A_264 : memref<32x1024xf32, #tpu.memory_space<vmem>>) dst(%dma_wait3A_260 : memref<32x1024xf32, #tpu.memory_space<hbm>>)
      tpu.yield
    }) : () -> ()
    %add3A_165 = arith.constant 192 : i32
    %add3A_166 = arith.addi %mul3A_2, %add3A_165 : i32
    %run_scoped3A_167 = arith.constant 0 : i32
    "tpu.region"() ({
      %run_scoped3A_240 = tpu.sem_alloc : memref<!tpu.dma_semaphore, #tpu.memory_space<semaphore_mem>>
      %dma_start3A_241 = arith.constant 0 : i32
      %dma_start3A_242 = tpu.memref_slice %arg5[%run_scoped3A_167, %dma_start3A_241] : memref<2x32xi32, #tpu.memory_space<vmem>> -> memref<1x32xi32, #tpu.memory_space<vmem>>
      %dma_start3A_243 = tpu.memref_squeeze %dma_start3A_242 : memref<1x32xi32, #tpu.memory_space<vmem>> -> memref<32xi32, #tpu.memory_space<vmem>>
      %dma_start3A_244 = tpu.memref_slice %arg3[%add3A_166] : memref<8192xi32, #tpu.memory_space<hbm>> -> memref<32xi32, #tpu.memory_space<hbm>>
      %dma_start3A_245 = arith.constant 0 : i32
      %dma_start3A_246 = tpu.memref_slice %arg5[%run_scoped3A_167, %dma_start3A_245] : memref<2x32xi32, #tpu.memory_space<vmem>> -> memref<1x32xi32, #tpu.memory_space<vmem>>
      %dma_start3A_247 = tpu.memref_squeeze %dma_start3A_246 : memref<1x32xi32, #tpu.memory_space<vmem>> -> memref<32xi32, #tpu.memory_space<vmem>>
      %dma_start3A_248 = tpu.memref_slice %arg3[%add3A_166] : memref<8192xi32, #tpu.memory_space<hbm>> -> memref<32xi32, #tpu.memory_space<hbm>>
      tpu.enqueue_dma source(%dma_start3A_248 : memref<32xi32, #tpu.memory_space<hbm>>) target(%dma_start3A_247 : memref<32xi32, #tpu.memory_space<vmem>>) target_semaphore(%run_scoped3A_240 : memref<!tpu.dma_semaphore, #tpu.memory_space<semaphore_mem>>)
      %dma_wait3A_249 = arith.constant 0 : i32
      %dma_wait3A_250 = tpu.memref_slice %arg5[%run_scoped3A_167, %dma_wait3A_249] : memref<2x32xi32, #tpu.memory_space<vmem>> -> memref<1x32xi32, #tpu.memory_space<vmem>>
      %dma_wait3A_251 = tpu.memref_squeeze %dma_wait3A_250 : memref<1x32xi32, #tpu.memory_space<vmem>> -> memref<32xi32, #tpu.memory_space<vmem>>
      %dma_wait3A_252 = tpu.memref_slice %arg3[%add3A_166] : memref<8192xi32, #tpu.memory_space<hbm>> -> memref<32xi32, #tpu.memory_space<hbm>>
      %dma_wait3A_253 = arith.constant 0 : i32
      %dma_wait3A_254 = tpu.memref_slice %arg5[%run_scoped3A_167, %dma_wait3A_253] : memref<2x32xi32, #tpu.memory_space<vmem>> -> memref<1x32xi32, #tpu.memory_space<vmem>>
      %dma_wait3A_255 = tpu.memref_squeeze %dma_wait3A_254 : memref<1x32xi32, #tpu.memory_space<vmem>> -> memref<32xi32, #tpu.memory_space<vmem>>
      %dma_wait3A_256 = tpu.memref_slice %arg3[%add3A_166] : memref<8192xi32, #tpu.memory_space<hbm>> -> memref<32xi32, #tpu.memory_space<hbm>>
      tpu.wait_dma2 semaphore(%run_scoped3A_240 : memref<!tpu.dma_semaphore, #tpu.memory_space<semaphore_mem>>) src(%dma_wait3A_256 : memref<32xi32, #tpu.memory_space<hbm>>) dst(%dma_wait3A_255 : memref<32xi32, #tpu.memory_space<vmem>>)
      tpu.yield
    }) : () -> ()
    %dma_start3A_168 = arith.constant 0 : i32
    %dma_start3A_169 = arith.constant 0 : i32
    %dma_start3A_170 = arith.constant 0 : i32
    %dma_start3A_171 = arith.constant 0 : i32
    %dma_start3A_172 = tpu.memref_slice %arg6[%dma_start3A_169, %dma_start3A_170, %dma_start3A_171] : memref<2x32x1024xf32, #tpu.memory_space<vmem>> -> memref<1x32x1024xf32, #tpu.memory_space<vmem>>
    %dma_start3A_173 = tpu.memref_squeeze %dma_start3A_172 : memref<1x32x1024xf32, #tpu.memory_space<vmem>> -> memref<32x1024xf32, #tpu.memory_space<vmem>>
    %dma_start3A_174 = arith.constant 0 : i32
    %dma_start3A_175 = tpu.memref_slice %arg5[%dma_start3A_168, %dma_start3A_174] : memref<2x32xi32, #tpu.memory_space<vmem>> -> memref<1x32xi32, #tpu.memory_space<vmem>>
    %dma_start3A_176 = tpu.memref_squeeze %dma_start3A_175 : memref<1x32xi32, #tpu.memory_space<vmem>> -> memref<32xi32, #tpu.memory_space<vmem>>
    %dma_start3A_177 = arith.constant 0 : i32
    %dma_start3A_178 = arith.constant 0 : i32
    %dma_start3A_179 = tpu.memref_slice %arg2[%dma_start3A_177, %dma_start3A_178] : memref<10240x1024xf32, #tpu.memory_space<hbm>> -> memref<10240x1024xf32, #tpu.memory_space<hbm>>
    tpu.enqueue_indirect_dma source(%dma_start3A_179 : memref<10240x1024xf32, #tpu.memory_space<hbm>>) target(%dma_start3A_173 : memref<32x1024xf32, #tpu.memory_space<vmem>>) offsets(%dma_start3A_176 : memref<32xi32, #tpu.memory_space<vmem>>) semaphore(%arg7 : memref<!tpu.dma_semaphore, #tpu.memory_space<semaphore_mem>>)
    %dma_wait3A_180 = arith.constant 1 : i32
    %dma_wait3A_181 = arith.constant 1 : i32
    %dma_wait3A_182 = arith.constant 0 : i32
    %dma_wait3A_183 = arith.constant 0 : i32
    %dma_wait3A_184 = tpu.memref_slice %arg6[%dma_wait3A_181, %dma_wait3A_182, %dma_wait3A_183] : memref<2x32x1024xf32, #tpu.memory_space<vmem>> -> memref<1x32x1024xf32, #tpu.memory_space<vmem>>
    %dma_wait3A_185 = tpu.memref_squeeze %dma_wait3A_184 : memref<1x32x1024xf32, #tpu.memory_space<vmem>> -> memref<32x1024xf32, #tpu.memory_space<vmem>>
    %dma_wait3A_186 = arith.constant 0 : i32
    %dma_wait3A_187 = tpu.memref_slice %arg5[%dma_wait3A_180, %dma_wait3A_186] : memref<2x32xi32, #tpu.memory_space<vmem>> -> memref<1x32xi32, #tpu.memory_space<vmem>>
    %dma_wait3A_188 = tpu.memref_squeeze %dma_wait3A_187 : memref<1x32xi32, #tpu.memory_space<vmem>> -> memref<32xi32, #tpu.memory_space<vmem>>
    %dma_wait3A_189 = arith.constant 0 : i32
    %dma_wait3A_190 = arith.constant 0 : i32
    %dma_wait3A_191 = tpu.memref_slice %arg2[%dma_wait3A_189, %dma_wait3A_190] : memref<10240x1024xf32, #tpu.memory_space<hbm>> -> memref<10240x1024xf32, #tpu.memory_space<hbm>>
    tpu.wait_indirect_dma semaphore(%arg8 : memref<!tpu.dma_semaphore, #tpu.memory_space<semaphore_mem>>) src(%dma_wait3A_191 : memref<10240x1024xf32, #tpu.memory_space<hbm>>) dst(%dma_wait3A_185 : memref<32x1024xf32, #tpu.memory_space<vmem>>)
    %add3A_192 = arith.constant 160 : i32
    %add3A_193 = arith.addi %mul3A_2, %add3A_192 : i32
    %run_scoped3A_194 = arith.constant 1 : i32
    "tpu.region"() ({
      %run_scoped3A_240 = tpu.sem_alloc : memref<!tpu.dma_semaphore, #tpu.memory_space<semaphore_mem>>
      %dma_start3A_241 = arith.constant 0 : i32
      %dma_start3A_242 = arith.constant 0 : i32
      %dma_start3A_243 = tpu.memref_slice %arg6[%run_scoped3A_194, %dma_start3A_241, %dma_start3A_242] : memref<2x32x1024xf32, #tpu.memory_space<vmem>> -> memref<1x32x1024xf32, #tpu.memory_space<vmem>>
      %dma_start3A_244 = tpu.memref_squeeze %dma_start3A_243 : memref<1x32x1024xf32, #tpu.memory_space<vmem>> -> memref<32x1024xf32, #tpu.memory_space<vmem>>
      %dma_start3A_245 = arith.constant 0 : i32
      %dma_start3A_246 = tpu.memref_slice %arg4[%add3A_193, %dma_start3A_245] : memref<8192x1024xf32, #tpu.memory_space<hbm>> -> memref<32x1024xf32, #tpu.memory_space<hbm>>
      %dma_start3A_247 = arith.constant 0 : i32
      %dma_start3A_248 = tpu.memref_slice %arg4[%add3A_193, %dma_start3A_247] : memref<8192x1024xf32, #tpu.memory_space<hbm>> -> memref<32x1024xf32, #tpu.memory_space<hbm>>
      %dma_start3A_249 = arith.constant 0 : i32
      %dma_start3A_250 = arith.constant 0 : i32
      %dma_start3A_251 = tpu.memref_slice %arg6[%run_scoped3A_194, %dma_start3A_249, %dma_start3A_250] : memref<2x32x1024xf32, #tpu.memory_space<vmem>> -> memref<1x32x1024xf32, #tpu.memory_space<vmem>>
      %dma_start3A_252 = tpu.memref_squeeze %dma_start3A_251 : memref<1x32x1024xf32, #tpu.memory_space<vmem>> -> memref<32x1024xf32, #tpu.memory_space<vmem>>
      tpu.enqueue_dma source(%dma_start3A_252 : memref<32x1024xf32, #tpu.memory_space<vmem>>) target(%dma_start3A_248 : memref<32x1024xf32, #tpu.memory_space<hbm>>) target_semaphore(%run_scoped3A_240 : memref<!tpu.dma_semaphore, #tpu.memory_space<semaphore_mem>>)
      %dma_wait3A_253 = arith.constant 0 : i32
      %dma_wait3A_254 = arith.constant 0 : i32
      %dma_wait3A_255 = tpu.memref_slice %arg6[%run_scoped3A_194, %dma_wait3A_253, %dma_wait3A_254] : memref<2x32x1024xf32, #tpu.memory_space<vmem>> -> memref<1x32x1024xf32, #tpu.memory_space<vmem>>
      %dma_wait3A_256 = tpu.memref_squeeze %dma_wait3A_255 : memref<1x32x1024xf32, #tpu.memory_space<vmem>> -> memref<32x1024xf32, #tpu.memory_space<vmem>>
      %dma_wait3A_257 = arith.constant 0 : i32
      %dma_wait3A_258 = tpu.memref_slice %arg4[%add3A_193, %dma_wait3A_257] : memref<8192x1024xf32, #tpu.memory_space<hbm>> -> memref<32x1024xf32, #tpu.memory_space<hbm>>
      %dma_wait3A_259 = arith.constant 0 : i32
      %dma_wait3A_260 = tpu.memref_slice %arg4[%add3A_193, %dma_wait3A_259] : memref<8192x1024xf32, #tpu.memory_space<hbm>> -> memref<32x1024xf32, #tpu.memory_space<hbm>>
      %dma_wait3A_261 = arith.constant 0 : i32
      %dma_wait3A_262 = arith.constant 0 : i32
      %dma_wait3A_263 = tpu.memref_slice %arg6[%run_scoped3A_194, %dma_wait3A_261, %dma_wait3A_262] : memref<2x32x1024xf32, #tpu.memory_space<vmem>> -> memref<1x32x1024xf32, #tpu.memory_space<vmem>>
      %dma_wait3A_264 = tpu.memref_squeeze %dma_wait3A_263 : memref<1x32x1024xf32, #tpu.memory_space<vmem>> -> memref<32x1024xf32, #tpu.memory_space<vmem>>
      tpu.wait_dma2 semaphore(%run_scoped3A_240 : memref<!tpu.dma_semaphore, #tpu.memory_space<semaphore_mem>>) src(%dma_wait3A_264 : memref<32x1024xf32, #tpu.memory_space<vmem>>) dst(%dma_wait3A_260 : memref<32x1024xf32, #tpu.memory_space<hbm>>)
      tpu.yield
    }) : () -> ()
    %add3A_195 = arith.constant 224 : i32
    %add3A_196 = arith.addi %mul3A_2, %add3A_195 : i32
    %run_scoped3A_197 = arith.constant 1 : i32
    "tpu.region"() ({
      %run_scoped3A_240 = tpu.sem_alloc : memref<!tpu.dma_semaphore, #tpu.memory_space<semaphore_mem>>
      %dma_start3A_241 = arith.constant 0 : i32
      %dma_start3A_242 = tpu.memref_slice %arg5[%run_scoped3A_197, %dma_start3A_241] : memref<2x32xi32, #tpu.memory_space<vmem>> -> memref<1x32xi32, #tpu.memory_space<vmem>>
      %dma_start3A_243 = tpu.memref_squeeze %dma_start3A_242 : memref<1x32xi32, #tpu.memory_space<vmem>> -> memref<32xi32, #tpu.memory_space<vmem>>
      %dma_start3A_244 = tpu.memref_slice %arg3[%add3A_196] : memref<8192xi32, #tpu.memory_space<hbm>> -> memref<32xi32, #tpu.memory_space<hbm>>
      %dma_start3A_245 = arith.constant 0 : i32
      %dma_start3A_246 = tpu.memref_slice %arg5[%run_scoped3A_197, %dma_start3A_245] : memref<2x32xi32, #tpu.memory_space<vmem>> -> memref<1x32xi32, #tpu.memory_space<vmem>>
      %dma_start3A_247 = tpu.memref_squeeze %dma_start3A_246 : memref<1x32xi32, #tpu.memory_space<vmem>> -> memref<32xi32, #tpu.memory_space<vmem>>
      %dma_start3A_248 = tpu.memref_slice %arg3[%add3A_196] : memref<8192xi32, #tpu.memory_space<hbm>> -> memref<32xi32, #tpu.memory_space<hbm>>
      tpu.enqueue_dma source(%dma_start3A_248 : memref<32xi32, #tpu.memory_space<hbm>>) target(%dma_start3A_247 : memref<32xi32, #tpu.memory_space<vmem>>) target_semaphore(%run_scoped3A_240 : memref<!tpu.dma_semaphore, #tpu.memory_space<semaphore_mem>>)
      %dma_wait3A_249 = arith.constant 0 : i32
      %dma_wait3A_250 = tpu.memref_slice %arg5[%run_scoped3A_197, %dma_wait3A_249] : memref<2x32xi32, #tpu.memory_space<vmem>> -> memref<1x32xi32, #tpu.memory_space<vmem>>
      %dma_wait3A_251 = tpu.memref_squeeze %dma_wait3A_250 : memref<1x32xi32, #tpu.memory_space<vmem>> -> memref<32xi32, #tpu.memory_space<vmem>>
      %dma_wait3A_252 = tpu.memref_slice %arg3[%add3A_196] : memref<8192xi32, #tpu.memory_space<hbm>> -> memref<32xi32, #tpu.memory_space<hbm>>
      %dma_wait3A_253 = arith.constant 0 : i32
      %dma_wait3A_254 = tpu.memref_slice %arg5[%run_scoped3A_197, %dma_wait3A_253] : memref<2x32xi32, #tpu.memory_space<vmem>> -> memref<1x32xi32, #tpu.memory_space<vmem>>
      %dma_wait3A_255 = tpu.memref_squeeze %dma_wait3A_254 : memref<1x32xi32, #tpu.memory_space<vmem>> -> memref<32xi32, #tpu.memory_space<vmem>>
      %dma_wait3A_256 = tpu.memref_slice %arg3[%add3A_196] : memref<8192xi32, #tpu.memory_space<hbm>> -> memref<32xi32, #tpu.memory_space<hbm>>
      tpu.wait_dma2 semaphore(%run_scoped3A_240 : memref<!tpu.dma_semaphore, #tpu.memory_space<semaphore_mem>>) src(%dma_wait3A_256 : memref<32xi32, #tpu.memory_space<hbm>>) dst(%dma_wait3A_255 : memref<32xi32, #tpu.memory_space<vmem>>)
      tpu.yield
    }) : () -> ()
    %dma_start3A_198 = arith.constant 1 : i32
    %dma_start3A_199 = arith.constant 1 : i32
    %dma_start3A_200 = arith.constant 0 : i32
    %dma_start3A_201 = arith.constant 0 : i32
    %dma_start3A_202 = tpu.memref_slice %arg6[%dma_start3A_199, %dma_start3A_200, %dma_start3A_201] : memref<2x32x1024xf32, #tpu.memory_space<vmem>> -> memref<1x32x1024xf32, #tpu.memory_space<vmem>>
    %dma_start3A_203 = tpu.memref_squeeze %dma_start3A_202 : memref<1x32x1024xf32, #tpu.memory_space<vmem>> -> memref<32x1024xf32, #tpu.memory_space<vmem>>
    %dma_start3A_204 = arith.constant 0 : i32
    %dma_start3A_205 = tpu.memref_slice %arg5[%dma_start3A_198, %dma_start3A_204] : memref<2x32xi32, #tpu.memory_space<vmem>> -> memref<1x32xi32, #tpu.memory_space<vmem>>
    %dma_start3A_206 = tpu.memref_squeeze %dma_start3A_205 : memref<1x32xi32, #tpu.memory_space<vmem>> -> memref<32xi32, #tpu.memory_space<vmem>>
    %dma_start3A_207 = arith.constant 0 : i32
    %dma_start3A_208 = arith.constant 0 : i32
    %dma_start3A_209 = tpu.memref_slice %arg2[%dma_start3A_207, %dma_start3A_208] : memref<10240x1024xf32, #tpu.memory_space<hbm>> -> memref<10240x1024xf32, #tpu.memory_space<hbm>>
    tpu.enqueue_indirect_dma source(%dma_start3A_209 : memref<10240x1024xf32, #tpu.memory_space<hbm>>) target(%dma_start3A_203 : memref<32x1024xf32, #tpu.memory_space<vmem>>) offsets(%dma_start3A_206 : memref<32xi32, #tpu.memory_space<vmem>>) semaphore(%arg8 : memref<!tpu.dma_semaphore, #tpu.memory_space<semaphore_mem>>)
    %dma_wait3A_210 = arith.constant 0 : i32
    %dma_wait3A_211 = arith.constant 0 : i32
    %dma_wait3A_212 = arith.constant 0 : i32
    %dma_wait3A_213 = arith.constant 0 : i32
    %dma_wait3A_214 = tpu.memref_slice %arg6[%dma_wait3A_211, %dma_wait3A_212, %dma_wait3A_213] : memref<2x32x1024xf32, #tpu.memory_space<vmem>> -> memref<1x32x1024xf32, #tpu.memory_space<vmem>>
    %dma_wait3A_215 = tpu.memref_squeeze %dma_wait3A_214 : memref<1x32x1024xf32, #tpu.memory_space<vmem>> -> memref<32x1024xf32, #tpu.memory_space<vmem>>
    %dma_wait3A_216 = arith.constant 0 : i32
    %dma_wait3A_217 = tpu.memref_slice %arg5[%dma_wait3A_210, %dma_wait3A_216] : memref<2x32xi32, #tpu.memory_space<vmem>> -> memref<1x32xi32, #tpu.memory_space<vmem>>
    %dma_wait3A_218 = tpu.memref_squeeze %dma_wait3A_217 : memref<1x32xi32, #tpu.memory_space<vmem>> -> memref<32xi32, #tpu.memory_space<vmem>>
    %dma_wait3A_219 = arith.constant 0 : i32
    %dma_wait3A_220 = arith.constant 0 : i32
    %dma_wait3A_221 = tpu.memref_slice %arg2[%dma_wait3A_219, %dma_wait3A_220] : memref<10240x1024xf32, #tpu.memory_space<hbm>> -> memref<10240x1024xf32, #tpu.memory_space<hbm>>
    tpu.wait_indirect_dma semaphore(%arg7 : memref<!tpu.dma_semaphore, #tpu.memory_space<semaphore_mem>>) src(%dma_wait3A_221 : memref<10240x1024xf32, #tpu.memory_space<hbm>>) dst(%dma_wait3A_215 : memref<32x1024xf32, #tpu.memory_space<vmem>>)
    %add3A_222 = arith.constant 192 : i32
    %add3A_223 = arith.addi %mul3A_2, %add3A_222 : i32
    %run_scoped3A_224 = arith.constant 0 : i32
    "tpu.region"() ({
      %run_scoped3A_240 = tpu.sem_alloc : memref<!tpu.dma_semaphore, #tpu.memory_space<semaphore_mem>>
      %dma_start3A_241 = arith.constant 0 : i32
      %dma_start3A_242 = arith.constant 0 : i32
      %dma_start3A_243 = tpu.memref_slice %arg6[%run_scoped3A_224, %dma_start3A_241, %dma_start3A_242] : memref<2x32x1024xf32, #tpu.memory_space<vmem>> -> memref<1x32x1024xf32, #tpu.memory_space<vmem>>
      %dma_start3A_244 = tpu.memref_squeeze %dma_start3A_243 : memref<1x32x1024xf32, #tpu.memory_space<vmem>> -> memref<32x1024xf32, #tpu.memory_space<vmem>>
      %dma_start3A_245 = arith.constant 0 : i32
      %dma_start3A_246 = tpu.memref_slice %arg4[%add3A_223, %dma_start3A_245] : memref<8192x1024xf32, #tpu.memory_space<hbm>> -> memref<32x1024xf32, #tpu.memory_space<hbm>>
      %dma_start3A_247 = arith.constant 0 : i32
      %dma_start3A_248 = tpu.memref_slice %arg4[%add3A_223, %dma_start3A_247] : memref<8192x1024xf32, #tpu.memory_space<hbm>> -> memref<32x1024xf32, #tpu.memory_space<hbm>>
      %dma_start3A_249 = arith.constant 0 : i32
      %dma_start3A_250 = arith.constant 0 : i32
      %dma_start3A_251 = tpu.memref_slice %arg6[%run_scoped3A_224, %dma_start3A_249, %dma_start3A_250] : memref<2x32x1024xf32, #tpu.memory_space<vmem>> -> memref<1x32x1024xf32, #tpu.memory_space<vmem>>
      %dma_start3A_252 = tpu.memref_squeeze %dma_start3A_251 : memref<1x32x1024xf32, #tpu.memory_space<vmem>> -> memref<32x1024xf32, #tpu.memory_space<vmem>>
      tpu.enqueue_dma source(%dma_start3A_252 : memref<32x1024xf32, #tpu.memory_space<vmem>>) target(%dma_start3A_248 : memref<32x1024xf32, #tpu.memory_space<hbm>>) target_semaphore(%run_scoped3A_240 : memref<!tpu.dma_semaphore, #tpu.memory_space<semaphore_mem>>)
      %dma_wait3A_253 = arith.constant 0 : i32
      %dma_wait3A_254 = arith.constant 0 : i32
      %dma_wait3A_255 = tpu.memref_slice %arg6[%run_scoped3A_224, %dma_wait3A_253, %dma_wait3A_254] : memref<2x32x1024xf32, #tpu.memory_space<vmem>> -> memref<1x32x1024xf32, #tpu.memory_space<vmem>>
      %dma_wait3A_256 = tpu.memref_squeeze %dma_wait3A_255 : memref<1x32x1024xf32, #tpu.memory_space<vmem>> -> memref<32x1024xf32, #tpu.memory_space<vmem>>
      %dma_wait3A_257 = arith.constant 0 : i32
      %dma_wait3A_258 = tpu.memref_slice %arg4[%add3A_223, %dma_wait3A_257] : memref<8192x1024xf32, #tpu.memory_space<hbm>> -> memref<32x1024xf32, #tpu.memory_space<hbm>>
      %dma_wait3A_259 = arith.constant 0 : i32
      %dma_wait3A_260 = tpu.memref_slice %arg4[%add3A_223, %dma_wait3A_259] : memref<8192x1024xf32, #tpu.memory_space<hbm>> -> memref<32x1024xf32, #tpu.memory_space<hbm>>
      %dma_wait3A_261 = arith.constant 0 : i32
      %dma_wait3A_262 = arith.constant 0 : i32
      %dma_wait3A_263 = tpu.memref_slice %arg6[%run_scoped3A_224, %dma_wait3A_261, %dma_wait3A_262] : memref<2x32x1024xf32, #tpu.memory_space<vmem>> -> memref<1x32x1024xf32, #tpu.memory_space<vmem>>
      %dma_wait3A_264 = tpu.memref_squeeze %dma_wait3A_263 : memref<1x32x1024xf32, #tpu.memory_space<vmem>> -> memref<32x1024xf32, #tpu.memory_space<vmem>>
      tpu.wait_dma2 semaphore(%run_scoped3A_240 : memref<!tpu.dma_semaphore, #tpu.memory_space<semaphore_mem>>) src(%dma_wait3A_264 : memref<32x1024xf32, #tpu.memory_space<vmem>>) dst(%dma_wait3A_260 : memref<32x1024xf32, #tpu.memory_space<hbm>>)
      tpu.yield
    }) : () -> ()
    %dma_wait3A_225 = arith.constant 1 : i32
    %dma_wait3A_226 = arith.constant 1 : i32
    %dma_wait3A_227 = arith.constant 0 : i32
    %dma_wait3A_228 = arith.constant 0 : i32
    %dma_wait3A_229 = tpu.memref_slice %arg6[%dma_wait3A_226, %dma_wait3A_227, %dma_wait3A_228] : memref<2x32x1024xf32, #tpu.memory_space<vmem>> -> memref<1x32x1024xf32, #tpu.memory_space<vmem>>
    %dma_wait3A_230 = tpu.memref_squeeze %dma_wait3A_229 : memref<1x32x1024xf32, #tpu.memory_space<vmem>> -> memref<32x1024xf32, #tpu.memory_space<vmem>>
    %dma_wait3A_231 = arith.constant 0 : i32
    %dma_wait3A_232 = tpu.memref_slice %arg5[%dma_wait3A_225, %dma_wait3A_231] : memref<2x32xi32, #tpu.memory_space<vmem>> -> memref<1x32xi32, #tpu.memory_space<vmem>>
    %dma_wait3A_233 = tpu.memref_squeeze %dma_wait3A_232 : memref<1x32xi32, #tpu.memory_space<vmem>> -> memref<32xi32, #tpu.memory_space<vmem>>
    %dma_wait3A_234 = arith.constant 0 : i32
    %dma_wait3A_235 = arith.constant 0 : i32
    %dma_wait3A_236 = tpu.memref_slice %arg2[%dma_wait3A_234, %dma_wait3A_235] : memref<10240x1024xf32, #tpu.memory_space<hbm>> -> memref<10240x1024xf32, #tpu.memory_space<hbm>>
    tpu.wait_indirect_dma semaphore(%arg8 : memref<!tpu.dma_semaphore, #tpu.memory_space<semaphore_mem>>) src(%dma_wait3A_236 : memref<10240x1024xf32, #tpu.memory_space<hbm>>) dst(%dma_wait3A_230 : memref<32x1024xf32, #tpu.memory_space<vmem>>)
    %add3A_237 = arith.constant 224 : i32
    %add3A_238 = arith.addi %mul3A_2, %add3A_237 : i32
    %run_scoped3A_239 = arith.constant 1 : i32
    "tpu.region"() ({
      %run_scoped3A_240 = tpu.sem_alloc : memref<!tpu.dma_semaphore, #tpu.memory_space<semaphore_mem>>
      %dma_start3A_241 = arith.constant 0 : i32
      %dma_start3A_242 = arith.constant 0 : i32
      %dma_start3A_243 = tpu.memref_slice %arg6[%run_scoped3A_239, %dma_start3A_241, %dma_start3A_242] : memref<2x32x1024xf32, #tpu.memory_space<vmem>> -> memref<1x32x1024xf32, #tpu.memory_space<vmem>>
      %dma_start3A_244 = tpu.memref_squeeze %dma_start3A_243 : memref<1x32x1024xf32, #tpu.memory_space<vmem>> -> memref<32x1024xf32, #tpu.memory_space<vmem>>
      %dma_start3A_245 = arith.constant 0 : i32
      %dma_start3A_246 = tpu.memref_slice %arg4[%add3A_238, %dma_start3A_245] : memref<8192x1024xf32, #tpu.memory_space<hbm>> -> memref<32x1024xf32, #tpu.memory_space<hbm>>
      %dma_start3A_247 = arith.constant 0 : i32
      %dma_start3A_248 = tpu.memref_slice %arg4[%add3A_238, %dma_start3A_247] : memref<8192x1024xf32, #tpu.memory_space<hbm>> -> memref<32x1024xf32, #tpu.memory_space<hbm>>
      %dma_start3A_249 = arith.constant 0 : i32
      %dma_start3A_250 = arith.constant 0 : i32
      %dma_start3A_251 = tpu.memref_slice %arg6[%run_scoped3A_239, %dma_start3A_249, %dma_start3A_250] : memref<2x32x1024xf32, #tpu.memory_space<vmem>> -> memref<1x32x1024xf32, #tpu.memory_space<vmem>>
      %dma_start3A_252 = tpu.memref_squeeze %dma_start3A_251 : memref<1x32x1024xf32, #tpu.memory_space<vmem>> -> memref<32x1024xf32, #tpu.memory_space<vmem>>
      tpu.enqueue_dma source(%dma_start3A_252 : memref<32x1024xf32, #tpu.memory_space<vmem>>) target(%dma_start3A_248 : memref<32x1024xf32, #tpu.memory_space<hbm>>) target_semaphore(%run_scoped3A_240 : memref<!tpu.dma_semaphore, #tpu.memory_space<semaphore_mem>>)
      %dma_wait3A_253 = arith.constant 0 : i32
      %dma_wait3A_254 = arith.constant 0 : i32
      %dma_wait3A_255 = tpu.memref_slice %arg6[%run_scoped3A_239, %dma_wait3A_253, %dma_wait3A_254] : memref<2x32x1024xf32, #tpu.memory_space<vmem>> -> memref<1x32x1024xf32, #tpu.memory_space<vmem>>
      %dma_wait3A_256 = tpu.memref_squeeze %dma_wait3A_255 : memref<1x32x1024xf32, #tpu.memory_space<vmem>> -> memref<32x1024xf32, #tpu.memory_space<vmem>>
      %dma_wait3A_257 = arith.constant 0 : i32
      %dma_wait3A_258 = tpu.memref_slice %arg4[%add3A_238, %dma_wait3A_257] : memref<8192x1024xf32, #tpu.memory_space<hbm>> -> memref<32x1024xf32, #tpu.memory_space<hbm>>
      %dma_wait3A_259 = arith.constant 0 : i32
      %dma_wait3A_260 = tpu.memref_slice %arg4[%add3A_238, %dma_wait3A_259] : memref<8192x1024xf32, #tpu.memory_space<hbm>> -> memref<32x1024xf32, #tpu.memory_space<hbm>>
      %dma_wait3A_261 = arith.constant 0 : i32
      %dma_wait3A_262 = arith.constant 0 : i32
      %dma_wait3A_263 = tpu.memref_slice %arg6[%run_scoped3A_239, %dma_wait3A_261, %dma_wait3A_262] : memref<2x32x1024xf32, #tpu.memory_space<vmem>> -> memref<1x32x1024xf32, #tpu.memory_space<vmem>>
      %dma_wait3A_264 = tpu.memref_squeeze %dma_wait3A_263 : memref<1x32x1024xf32, #tpu.memory_space<vmem>> -> memref<32x1024xf32, #tpu.memory_space<vmem>>
      tpu.wait_dma2 semaphore(%run_scoped3A_240 : memref<!tpu.dma_semaphore, #tpu.memory_space<semaphore_mem>>) src(%dma_wait3A_264 : memref<32x1024xf32, #tpu.memory_space<vmem>>) dst(%dma_wait3A_260 : memref<32x1024xf32, #tpu.memory_space<hbm>>)
      tpu.yield
    }) : () -> ()
    return
  }
}

module attributes {stable_mosaic.version = 14 : i64} {
  func.func @_ffn_body(%arg0: i32, %arg1: i32, %arg2: memref<20xi32, #tpu.memory_space<smem>>, %arg3: memref<20xi32, #tpu.memory_space<smem>>, %arg4: memref<512x1024xf32, #tpu.memory_space<vmem>>, %arg5: memref<1x1024x2048xbf16, #tpu.memory_space<vmem>>, %arg6: memref<1x1x2048xf32, #tpu.memory_space<vmem>>, %arg7: memref<1x2048x1024xbf16, #tpu.memory_space<vmem>>, %arg8: memref<1x1x1024xf32, #tpu.memory_space<vmem>>, %arg9: memref<512x1024xf32, #tpu.memory_space<vmem>>) attributes {dimension_semantics = [#tpu.dimension_semantics<arbitrary>, #tpu.dimension_semantics<arbitrary>], iteration_bounds = array<i64: 20, 2>, scalar_prefetch = 2 : i64, scratch_operands = 0 : i64, tpu.core_type = #tpu.core_type<tc>, window_params = [{transform_indices = @transform_0, window_bounds = array<i64: 512, 1024>}, {transform_indices = @transform_1, window_bounds = array<i64: 1, 1024, 2048>}, {transform_indices = @transform_2, window_bounds = array<i64: 1, 1, 2048>}, {transform_indices = @transform_3, window_bounds = array<i64: 1, 2048, 1024>}, {transform_indices = @transform_4, window_bounds = array<i64: 1, 1, 1024>}, {transform_indices = @transform_5, window_bounds = array<i64: 512, 1024>}]} {
    %get3A = arith.index_cast %arg0 : i32 to index
    %get3A_0 = memref.load %arg3[%get3A] : memref<20xi32, #tpu.memory_space<smem>>
    %eq3A = arith.constant 1 : i32
    %eq3A_1 = arith.cmpi eq, %get3A_0, %eq3A : i32
    %convert_element_type3A = arith.extui %eq3A_1 : i1 to i32
    %cond3A = arith.constant 0 : i32
    %cond3A_2 = arith.cmpi ne, %convert_element_type3A, %cond3A : i32
    scf.if %cond3A_2 {
      %get3A_3 = arith.constant 0 : index
      %get3A_4 = arith.constant 0 : index
      %get3A_5 = vector.load %arg4[%get3A_3, %get3A_4] : memref<512x1024xf32, #tpu.memory_space<vmem>>, vector<512x1024xf32>
      %convert_element_type3A_6 = arith.truncf %get3A_5 : vector<512x1024xf32> to vector<512x1024xbf16>
      %get3A_7 = arith.constant 0 : index
      %get3A_8 = arith.constant 0 : index
      %get3A_9 = arith.constant 0 : index
      %get3A_10 = vector.load %arg5[%get3A_7, %get3A_8, %get3A_9] : memref<1x1024x2048xbf16, #tpu.memory_space<vmem>>, vector<1x1024x2048xbf16>
      %get3A_11 = vector.shape_cast %get3A_10 : vector<1x1024x2048xbf16> to vector<1024x2048xbf16>
      %dot_general3A = arith.constant dense<0.000000e+00> : vector<512x2048xf32>
      %dot_general3A_12 = tpu.matmul %convert_element_type3A_6, %get3A_11, %dot_general3A {dimension_numbers = #tpu.dot_dimension_numbers<[1], [0], [0], [1], [0, 0, 1, 1], [], []>, transpose_lhs_hint = false} : vector<512x1024xbf16>, vector<1024x2048xbf16>, vector<512x2048xf32> -> vector<512x2048xf32>
      %get3A_13 = arith.constant 0 : index
      %get3A_14 = arith.constant 0 : index
      %get3A_15 = arith.constant 0 : index
      %get3A_16 = vector.load %arg6[%get3A_13, %get3A_14, %get3A_15] : memref<1x1x2048xf32, #tpu.memory_space<vmem>>, vector<1x1x2048xf32>
      %get3A_17 = vector.shape_cast %get3A_16 : vector<1x1x2048xf32> to vector<1x2048xf32>
      %add3A = vector.broadcast %get3A_17 : vector<1x2048xf32> to vector<512x2048xf32>
      %add3A_18 = arith.addf %dot_general3A_12, %add3A : vector<512x2048xf32>
      %mul3A = arith.constant 5.000000e-01 : f32
      %mul3A_19 = vector.broadcast %mul3A : f32 to vector<512x2048xf32>
      %mul3A_20 = arith.mulf %mul3A_19, %add3A_18 : vector<512x2048xf32>
      %mul3A_21 = arith.constant 0.707106769 : f32
      %mul3A_22 = vector.broadcast %mul3A_21 : f32 to vector<512x2048xf32>
      %mul3A_23 = arith.mulf %add3A_18, %mul3A_22 : vector<512x2048xf32>
      %erf3A = math.erf %mul3A_23 : vector<512x2048xf32>
      %add3A_24 = arith.constant 1.000000e+00 : f32
      %add3A_25 = vector.broadcast %add3A_24 : f32 to vector<512x2048xf32>
      %add3A_26 = arith.addf %add3A_25, %erf3A : vector<512x2048xf32>
      %mul3A_27 = arith.mulf %mul3A_20, %add3A_26 : vector<512x2048xf32>
      %convert_element_type3A_28 = arith.truncf %mul3A_27 : vector<512x2048xf32> to vector<512x2048xbf16>
      %get3A_29 = arith.constant 0 : index
      %get3A_30 = arith.constant 0 : index
      %get3A_31 = arith.constant 0 : index
      %get3A_32 = vector.load %arg7[%get3A_29, %get3A_30, %get3A_31] : memref<1x2048x1024xbf16, #tpu.memory_space<vmem>>, vector<1x2048x1024xbf16>
      %get3A_33 = vector.shape_cast %get3A_32 : vector<1x2048x1024xbf16> to vector<2048x1024xbf16>
      %dot_general3A_34 = arith.constant dense<0.000000e+00> : vector<512x1024xf32>
      %dot_general3A_35 = tpu.matmul %convert_element_type3A_28, %get3A_33, %dot_general3A_34 {dimension_numbers = #tpu.dot_dimension_numbers<[1], [0], [0], [1], [0, 0, 1, 1], [], []>, transpose_lhs_hint = false} : vector<512x2048xbf16>, vector<2048x1024xbf16>, vector<512x1024xf32> -> vector<512x1024xf32>
      %eq3A_36 = arith.constant 0 : i32
      %eq3A_37 = arith.cmpi eq, %arg1, %eq3A_36 : i32
      %convert_element_type3A_38 = arith.extui %eq3A_37 : i1 to i32
      %cond3A_39 = arith.constant 0 : i32
      %cond3A_40 = arith.cmpi ne, %convert_element_type3A_38, %cond3A_39 : i32
      scf.if %cond3A_40 {
        %get3A_45 = arith.constant 0 : index
        %get3A_46 = arith.constant 0 : index
        %get3A_47 = arith.constant 0 : index
        %get3A_48 = vector.load %arg8[%get3A_45, %get3A_46, %get3A_47] : memref<1x1x1024xf32, #tpu.memory_space<vmem>>, vector<1x1x1024xf32>
        %get3A_49 = vector.shape_cast %get3A_48 : vector<1x1x1024xf32> to vector<1x1024xf32>
        %add3A_50 = vector.broadcast %get3A_49 : vector<1x1024xf32> to vector<512x1024xf32>
        %add3A_51 = arith.addf %dot_general3A_35, %add3A_50 : vector<512x1024xf32>
        %swap3A = arith.constant 0 : index
        %swap3A_52 = arith.constant 0 : index
        %swap3A_53 = vector.load %arg9[%swap3A, %swap3A_52] : memref<512x1024xf32, #tpu.memory_space<vmem>>, vector<512x1024xf32>
        tpu.vector_store %arg9[%swap3A, %swap3A_52], %add3A_51 {strides = array<i32>} : memref<512x1024xf32, #tpu.memory_space<vmem>>, vector<512x1024xf32>,
      } else {
      }
      %ne3A = arith.constant 0 : i32
      %ne3A_41 = arith.cmpi ne, %arg1, %ne3A : i32
      %convert_element_type3A_42 = arith.extui %ne3A_41 : i1 to i32
      %cond3A_43 = arith.constant 0 : i32
      %cond3A_44 = arith.cmpi ne, %convert_element_type3A_42, %cond3A_43 : i32
      scf.if %cond3A_44 {
        %get3A_45 = arith.constant 0 : index
        %get3A_46 = arith.constant 0 : index
        %get3A_47 = vector.load %arg9[%get3A_45, %get3A_46] : memref<512x1024xf32, #tpu.memory_space<vmem>>, vector<512x1024xf32>
        %add3A_48 = arith.addf %get3A_47, %dot_general3A_35 : vector<512x1024xf32>
        %swap3A = arith.constant 0 : index
        %swap3A_49 = arith.constant 0 : index
        %swap3A_50 = vector.load %arg9[%swap3A, %swap3A_49] : memref<512x1024xf32, #tpu.memory_space<vmem>>, vector<512x1024xf32>
        tpu.vector_store %arg9[%swap3A, %swap3A_49], %add3A_48 {strides = array<i32>} : memref<512x1024xf32, #tpu.memory_space<vmem>>, vector<512x1024xf32>,
      } else {
      }
    } else {
    }
    return
  }
  func.func @transform_0(%arg0: i32, %arg1: i32, %arg2: memref<20xi32, #tpu.memory_space<smem>>, %arg3: memref<20xi32, #tpu.memory_space<smem>>) -> (i32, i32) {
    %c0_i32 = arith.constant 0 : i32
    %c0_i32_0 = arith.constant 0 : i32
    return %arg0, %c0_i32 : i32, i32
  }
  func.func @transform_1(%arg0: i32, %arg1: i32, %arg2: memref<20xi32, #tpu.memory_space<smem>>, %arg3: memref<20xi32, #tpu.memory_space<smem>>) -> (i32, i32, i32) {
    %get3A = arith.index_cast %arg0 : i32 to index
    %get3A_0 = memref.load %arg2[%get3A] : memref<20xi32, #tpu.memory_space<smem>>
    %jit3A = arith.constant 2 : i32
    %eq3A = arith.constant 0 : i32
    %eq3A_1 = arith.cmpi eq, %jit3A, %eq3A : i32
    %jit3A_2 = arith.constant 1 : i32
    %select_n3A = arith.select %eq3A_1, %jit3A_2, %jit3A : i32
    %rem3A = arith.remsi %arg0, %select_n3A : i32
    %ne3A = arith.constant 0 : i32
    %ne3A_3 = arith.cmpi ne, %rem3A, %ne3A : i32
    %lt3A = arith.constant 0 : i32
    %lt3A_4 = arith.cmpi slt, %rem3A, %lt3A : i32
    %lt3A_5 = arith.constant 0 : i32
    %lt3A_6 = arith.cmpi slt, %select_n3A, %lt3A_5 : i32
    %ne3A_7 = arith.xori %lt3A_4, %lt3A_6 : i1
    %and3A = arith.andi %ne3A_7, %ne3A_3 : i1
    %add3A = arith.addi %rem3A, %select_n3A : i32
    %select_n3A_8 = arith.select %and3A, %add3A, %rem3A : i32
    %eq3A_9 = arith.constant 0 : i32
    %eq3A_10 = arith.cmpi eq, %select_n3A_8, %eq3A_9 : i32
    %sub3A = arith.constant 1 : i32
    %sub3A_11 = arith.subi %sub3A, %arg1 : i32
    %select_n3A_12 = arith.select %eq3A_10, %arg1, %sub3A_11 : i32
    %c0_i32 = arith.constant 0 : i32
    %c0_i32_13 = arith.constant 0 : i32
    return %get3A_0, %c0_i32, %select_n3A_12 : i32, i32, i32
  }
  func.func @transform_2(%arg0: i32, %arg1: i32, %arg2: memref<20xi32, #tpu.memory_space<smem>>, %arg3: memref<20xi32, #tpu.memory_space<smem>>) -> (i32, i32, i32) {
    %get3A = arith.index_cast %arg0 : i32 to index
    %get3A_0 = memref.load %arg2[%get3A] : memref<20xi32, #tpu.memory_space<smem>>
    %jit3A = arith.constant 2 : i32
    %eq3A = arith.constant 0 : i32
    %eq3A_1 = arith.cmpi eq, %jit3A, %eq3A : i32
    %jit3A_2 = arith.constant 1 : i32
    %select_n3A = arith.select %eq3A_1, %jit3A_2, %jit3A : i32
    %rem3A = arith.remsi %arg0, %select_n3A : i32
    %ne3A = arith.constant 0 : i32
    %ne3A_3 = arith.cmpi ne, %rem3A, %ne3A : i32
    %lt3A = arith.constant 0 : i32
    %lt3A_4 = arith.cmpi slt, %rem3A, %lt3A : i32
    %lt3A_5 = arith.constant 0 : i32
    %lt3A_6 = arith.cmpi slt, %select_n3A, %lt3A_5 : i32
    %ne3A_7 = arith.xori %lt3A_4, %lt3A_6 : i1
    %and3A = arith.andi %ne3A_7, %ne3A_3 : i1
    %add3A = arith.addi %rem3A, %select_n3A : i32
    %select_n3A_8 = arith.select %and3A, %add3A, %rem3A : i32
    %eq3A_9 = arith.constant 0 : i32
    %eq3A_10 = arith.cmpi eq, %select_n3A_8, %eq3A_9 : i32
    %sub3A = arith.constant 1 : i32
    %sub3A_11 = arith.subi %sub3A, %arg1 : i32
    %select_n3A_12 = arith.select %eq3A_10, %arg1, %sub3A_11 : i32
    %c0_i32 = arith.constant 0 : i32
    %c0_i32_13 = arith.constant 0 : i32
    return %get3A_0, %c0_i32, %select_n3A_12 : i32, i32, i32
  }
  func.func @transform_3(%arg0: i32, %arg1: i32, %arg2: memref<20xi32, #tpu.memory_space<smem>>, %arg3: memref<20xi32, #tpu.memory_space<smem>>) -> (i32, i32, i32) {
    %get3A = arith.index_cast %arg0 : i32 to index
    %get3A_0 = memref.load %arg2[%get3A] : memref<20xi32, #tpu.memory_space<smem>>
    %jit3A = arith.constant 2 : i32
    %eq3A = arith.constant 0 : i32
    %eq3A_1 = arith.cmpi eq, %jit3A, %eq3A : i32
    %jit3A_2 = arith.constant 1 : i32
    %select_n3A = arith.select %eq3A_1, %jit3A_2, %jit3A : i32
    %rem3A = arith.remsi %arg0, %select_n3A : i32
    %ne3A = arith.constant 0 : i32
    %ne3A_3 = arith.cmpi ne, %rem3A, %ne3A : i32
    %lt3A = arith.constant 0 : i32
    %lt3A_4 = arith.cmpi slt, %rem3A, %lt3A : i32
    %lt3A_5 = arith.constant 0 : i32
    %lt3A_6 = arith.cmpi slt, %select_n3A, %lt3A_5 : i32
    %ne3A_7 = arith.xori %lt3A_4, %lt3A_6 : i1
    %and3A = arith.andi %ne3A_7, %ne3A_3 : i1
    %add3A = arith.addi %rem3A, %select_n3A : i32
    %select_n3A_8 = arith.select %and3A, %add3A, %rem3A : i32
    %eq3A_9 = arith.constant 0 : i32
    %eq3A_10 = arith.cmpi eq, %select_n3A_8, %eq3A_9 : i32
    %sub3A = arith.constant 1 : i32
    %sub3A_11 = arith.subi %sub3A, %arg1 : i32
    %select_n3A_12 = arith.select %eq3A_10, %arg1, %sub3A_11 : i32
    %c0_i32 = arith.constant 0 : i32
    %c0_i32_13 = arith.constant 0 : i32
    return %get3A_0, %select_n3A_12, %c0_i32 : i32, i32, i32
  }
  func.func @transform_4(%arg0: i32, %arg1: i32, %arg2: memref<20xi32, #tpu.memory_space<smem>>, %arg3: memref<20xi32, #tpu.memory_space<smem>>) -> (i32, i32, i32) {
    %get3A = arith.index_cast %arg0 : i32 to index
    %get3A_0 = memref.load %arg2[%get3A] : memref<20xi32, #tpu.memory_space<smem>>
    %c0_i32 = arith.constant 0 : i32
    %c0_i32_1 = arith.constant 0 : i32
    %c0_i32_2 = arith.constant 0 : i32
    return %get3A_0, %c0_i32, %c0_i32_1 : i32, i32, i32
  }
  func.func @transform_5(%arg0: i32, %arg1: i32, %arg2: memref<20xi32, #tpu.memory_space<smem>>, %arg3: memref<20xi32, #tpu.memory_space<smem>>) -> (i32, i32) {
    %c0_i32 = arith.constant 0 : i32
    %c0_i32_0 = arith.constant 0 : i32
    return %arg0, %c0_i32 : i32, i32
  }
}

</mosaic_0001>

<sc_bundles>
// kernel: kernel.5.cloned.1.call-start
scs
__scs_entry_jumppad:
0x0: {  	(pc) =	sbr.rel $0x88, $3  }
0x1: {  	(tag) =	ssettag $0x0;
	lr =	simm.s32 $0x1  }
0x2: {  	[smem:$0x3F9B] =	sst lr;
	_ =	strace $0xD0000000  }
0x3: {  	_ = 	snop  }
0x4: {  	_ = 	snop  }
0x5: {  	_ = 	snop  }
0x6: {  	_ = 	snop  }
0x7: {  	_ = 	snop  }
__scs_overlays_trampoline_lowered:
0x8: {  	[smem:$0x3FAA] =	sst s0  }
0x9: {  	[smem:$0x3FAB] =	sst s1  }
0xa: {  	[smem:$0x3FAC] =	sst s2  }
0xb: {  	[smem:$0x3FAD] =	sst s3  }
0xc: {  	[smem:$0x3FAE] =	sst s4  }
0xd: {  	[smem:$0x3FAF] =	sst s5  }
0xe: {  	[smem:$0x3FB0] =	sst s6  }
0xf: {  	[smem:$0x3FB1] =	sst s7  }
0x10: {  	[smem:$0x3FB2] =	sst s8  }
0x11: {  	[smem:$0x3FB3] =	sst s9;
	s0 =	simm.s32 @!p0 $0x0  }
0x12: {  	s1 =	sld [smem:$0x3F99];
	s0 =	simm.s32 @p0 $0x1  }
0x13: {  	[smem:$0x3FB4] =	sst s0;
	s0 =	simm.s32 @!p1 $0x0  }
0x14: {  	s2 =	sld [smem:$0x3F98];
	s0 =	simm.s32 @p1 $0x1  }
0x15: {  	[smem:$0x3FB5] =	sst s0;
	s0 =	simm.s32 @!p2 $0x0  }
0x16: {  	s3 =	sld [smem:$0x3FDB];
	s0 =	simm.s32 @p2 $0x1  }
0x17: {  	s4 =	simm.s32 $0x1BF5;
	[smem:$0x3FB7] =	sst s0  }
0x18: {  	s0 =	sld [smem:$0x3F9A];
	_ =	swait.ge [sflag:s4], $0x0  }
0x19: {  	s7 =	sld [smem:$0x3F9B]  }
0x1a: {  	s8 =	sadd.s32 $0xFFFFE003, lr  }
0x1b: {  	s9 =	sadd.s32 $0xFFFFFEF7, lr;
	s5 =	simm.s32 $0xFFFFFFFF;
	p2 =	slt.u32 s8, $0xFFFFF086  }
0x1c: {  	p1 =	slt.u32 s9, $0xF7A;
	s5 =	simm.s32 @!p2 $0x0  }
0x1d: {  	s5 =	simm.s32 @p1 $0x1;
	p0 =	seq.s32 s7, s2  }
0x1e: {  	s7 =	smul.u32 @!p0 $0xF7A, s2;
	p2 =	seq.s32 @!p0 s5, $0x0  }
0x1f: {  	s9 =	smul.u32 $0xF7A, s1;
	s8 =	simm.s32 @!p0 $0x1BF5;
	p2 =	por !p2, p0  }
0x20: {  	[sflag:s8] =	ssyncset.s32 @!p0 $0xFFFFF086;
	s6 =	sadd.s32 @!p0 s3, s7;
	s7 =	simm.s32 @!p0 $0x108  }
0x21: {  	s3 =	sadd.s32 s3, s9;
	s6 =	sadd.s32 @!p0 $0x88, s6;
	s7 =	simm.s32 @p2 $0x1082  }
0x22: {  	[simem:s7], [sflag:s8] =	dma.local @!p0 [hbm:s6], $0xF7A  }
0x23: {  	s9 =	sor.u32 $0xD0000000, s2;
	s6 =	simm.s32 $0x108;
	_ =	swait.ge @!p0 [sflag:s8], $0x0  }
0x24: {  	s3 =	sadd.s32 $0x88, s3;
	s6 =	simm.s32 @!p1 $0x1082;
	[sflag:s4] =	ssyncset.s32 $0xFFFFF086  }
0x25: {  	[simem:s6], [sflag:s4] =	dma.local [hbm:s3], $0xF7A  }
0x26: {  	[smem:$0x3F9B] =	sst s1;
	(tag) =	ssettag s2;
	_ =	strace s9  }
0x27: {  	s1 =	sld [smem:$0x3FAB]  }
0x28: {  	s2 =	sld [smem:$0x3FAC]  }
0x29: {  	s4 =	sld [smem:$0x3FAE]  }
0x2a: {  	p0 =	seq.s32 s5, $0x0;
	s5 =	sld [smem:$0x3FAF]  }
0x2b: {  	s6 =	sld [smem:$0x3FB0]  }
0x2c: {  	s7 =	sld [smem:$0x3FB1]  }
0x2d: {  	s3 =	simm.s32 $0x108;
	s8 =	sld [smem:$0x3FB2]  }
0x2e: {  	s3 =	simm.s32 @!p0 $0x1082;
	s9 =	sld [smem:$0x3FB3]  }
0x2f: {  	lr =	sadd.s32 s0, s3;
	s0 =	sld [smem:$0x3FAA]  }
0x30: {  	s3 =	sld [smem:$0x3FAD]  }
0x31: {  	[smem:$0x3FB6] =	sst s10  }
0x32: {  	s10 =	sld [smem:$0x3FB4];
	_ =	sdelay $0x3  }
0x33: {  	p0 =	seq.s32 s10, $0x1;
	s10 =	sld [smem:$0x3FB6];
	_ =	sdelay $0x3  }
0x34: {  	[smem:$0x3FB6] =	sst s10  }
0x35: {  	s10 =	sld [smem:$0x3FB5];
	_ =	sdelay $0x3  }
0x36: {  	p1 =	seq.s32 s10, $0x1;
	s10 =	sld [smem:$0x3FB6];
	_ =	sdelay $0x3  }
0x37: {  	[smem:$0x3FB6] =	sst s10  }
0x38: {  	s10 =	sld [smem:$0x3FB7]  }
0x39: {  	_ = 	snop;
	(pc) =	sbr.ind lr, $3  }
0x3a: {  	_ = 	snop  }
0x3b: {  	_ = 	snop  }
0x3c: {  	p2 =	seq.s32 s10, $0x1;
	s10 =	sld [smem:$0x3FB6]  }
0x3d: {  	_ =	shalt  }
0x3e: {  	_ =	shalt  }
0x3f: {  	_ =	shalt  }
0x40: {  	_ =	shalt  }
0x41: {  	_ =	shalt  }
0x42: {  	_ =	shalt  }
0x43: {  	_ =	shalt  }
0x44: {  	_ =	shalt  }
0x45: {  	_ =	shalt  }
0x46: {  	_ =	shalt  }
0x47: {  	_ =	shalt  }
0x48: {  	_ =	shalt  }
0x49: {  	_ =	shalt  }
0x4a: {  	_ =	shalt  }
0x4b: {  	_ =	shalt  }
0x4c: {  	_ =	shalt  }
0x4d: {  	_ =	shalt  }
0x4e: {  	_ =	shalt  }
0x4f: {  	_ =	shalt  }
0x50: {  	_ =	shalt  }
0x51: {  	_ =	shalt  }
0x52: {  	_ =	shalt  }
0x53: {  	_ =	shalt  }
0x54: {  	_ =	shalt  }
0x55: {  	_ =	shalt  }
0x56: {  	_ =	shalt  }
0x57: {  	_ =	shalt  }
0x58: {  	_ =	shalt  }
0x59: {  	_ =	shalt  }
0x5a: {  	_ =	shalt  }
0x5b: {  	_ =	shalt  }
0x5c: {  	_ =	shalt  }
0x5d: {  	_ =	shalt  }
0x5e: {  	_ =	shalt  }
0x5f: {  	_ =	shalt  }
0x60: {  	_ =	shalt  }
0x61: {  	_ =	shalt  }
0x62: {  	_ =	shalt  }
0x63: {  	_ =	shalt  }
0x64: {  	_ =	shalt  }
0x65: {  	_ =	shalt  }
0x66: {  	_ =	shalt  }
0x67: {  	_ =	shalt  }
0x68: {  	_ =	shalt  }
0x69: {  	_ =	shalt  }
0x6a: {  	_ =	shalt  }
0x6b: {  	_ =	shalt  }
0x6c: {  	_ =	shalt  }
0x6d: {  	_ =	shalt  }
0x6e: {  	_ =	shalt  }
0x6f: {  	_ =	shalt  }
0x70: {  	_ =	shalt  }
0x71: {  	_ =	shalt  }
0x72: {  	_ =	shalt  }
0x73: {  	_ =	shalt  }
0x74: {  	_ =	shalt  }
0x75: {  	_ =	shalt  }
0x76: {  	_ =	shalt  }
0x77: {  	_ =	shalt  }
0x78: {  	_ =	shalt  }
0x79: {  	_ =	shalt  }
0x7a: {  	_ =	shalt  }
0x7b: {  	_ =	shalt  }
0x7c: {  	_ =	shalt  }
0x7d: {  	_ =	shalt  }
0x7e: {  	_ =	shalt  }
0x7f: {  	_ =	shalt  }
0x80: {  	_ =	shalt  }
0x81: {  	_ =	shalt  }
0x82: {  	_ =	shalt  }
0x83: {  	_ =	shalt  }
0x84: {  	_ =	shalt  }
0x85: {  	_ =	shalt  }
0x86: {  	_ =	shalt  }
0x87: {  	_ =	shalt  }
.Lfunc_end0:
.L_simem_size_0:
called_computation_lowered:
.L_overlay_start_0:
0x88: {  	s2 =	sld [smem:$0x3FD9]  }
0x89: {  	s3 =	sld [smem:$0x3FFE];
	_ =	sdelay $0x1  }
0x8a: {  	s1 =	srdreg.scid  }
0x8b: {  	s0 =	sand.u32 $0x1, s1  }
0x8c: {  	s17 =	sshll.u32 s0, $0xA;
	s2 =	sadd.s32 s3, s2  }
0x8d: {  	s2 =	sadd.s32 s2, s17  }
0x8e: {  	[smem:$0x3FC2] =	sst s2  }
0x8f: {  	_ = 	snop  }
0x90: {  	s2 =	sld [smem:$0x3FC9];
	(tm) =	ssettm $0x1  }
0x91: {  	s18 =	sld [smem:$0x3FFB];
	_ =	sdelay $0x3  }
0x92: {  	_ =	strace s18  }
0x93: {  	s3 =	sld [smem:$0x3FFC];
	_ =	sdelay $0x3  }
0x94: {  	_ =	strace s3  }
0x95: {  	s3 =	sld [smem:$0x3FFD];
	_ =	sdelay $0x3  }
0x96: {  	_ =	strace s3  }
0x97: {  	_ =	strace $0x8FFFFFFF  }
0x98: {  	s19 =	sld [smem:$0x3FDB];
	_ =	sdelay $0x1  }
0x99: {  	s4 =	simm.s32 $_scs_section_size  }
0x9a: {  	s5 =	simm.s32 $_size__tile_overlayer_lowered;
	s6 =	simm.s32 $_tile_overlayer_lowered  }
0x9b: {  	s22 =	simm.s32 $0x1BFF;
	s21 =	sshll.u32 s6, $0x1;
	s3 =	sadd.s32 s4, s19  }
0x9c: {  	s7 =	simm.s32 $0x0;
	s20 =	sshll.u32 s5, $0x1;
	s5 =	sadd.s32 s21, s3  }
0x9d: {  	[timem:s7], [sflag:s22] =	dma.local [hbm:s5], s20  }
0x9e: {  	_ =	swait.ge [sflag:s22], s20  }
0x9f: {  	s4 =	ssub.s32 $0x0, s20;
	[sflag:s22] =	ssyncset.done $0x0  }
0xa0: {  	[sflag:s22] =	ssyncadd.s32 s4;
	_ =	sdelay $0x1  }
0xa1: {  	s23 =	simm.s32 $0x1B8B  }
0xa2: {  	_ =	swait.ge [sflag:s23], $0x1  }
0xa3: {  	[sflag:s23] =	ssyncset.done $0x0  }
0xa4: {  	s25 =	simm.s32 $0x1B8E;
	s24 =	sld [smem:$0x3FFE];
	[sflag:s23] =	ssyncadd.s32 $0xFFFFFFFF  }
0xa5: {  	s26 =	simm.s32 $execute0_lowered;
	[smem:$0x3FD2] =	sst s25  }
0xa6: {  	s5 =	sshll.u32 s26, $0x1;
	_ =	strace $0x80000046;
	[dreg:$0x1] =	wrdreg $0xFFFFFFFF  }
0xa7: {  	s28 =	simm.s32 $_size_execute0_lowered;
	s3 =	sadd.s32 s3, s5;
	[dreg:$0x0] =	wrdreg $0x0  }
0xa8: {  	s5 =	sshll.u32 s28, $0x1;
	[dreg:$0x2] =	wrdreg s3  }
0xa9: {  	[dreg:$0x3] =	wrdreg s5  }
0xaa: {  	[dreg:$0x4] =	wrdreg $0xC0  }
0xab: {  	_ =	task [dreg:s7], $0x5FFFF  }
0xac: {  	[dreg:$0x1] =	wrdreg $0xFFFFFFFF  }
0xad: {  	[dreg:$0x0] =	wrdreg $0x60  }
0xae: {  	[dreg:$0x2] =	wrdreg s2  }
0xaf: {  	[dreg:$0x3] =	wrdreg s24  }
0xb0: {  	[dreg:$0x4] =	wrdreg $0x9  }
0xb1: {  	_ =	task.clear_ibuf [dreg:s7], $0x5FFFF;
	_ =	strace $0x90000046  }
0xb2: {  	s29 =	simm.s32 $0x9;
	_ =	strace $0x80000048  }
0xb3: {  	_ =	swait.ge [sflag:s29], $0x1  }
0xb4: {  	[sflag:s29] =	ssyncadd.s32 $0xFFFFFFFF  }
0xb5: {  	_ =	strace $0x90000048  }
0xb6: {  	_ =	sfence  }
0xb7: {  	s30 =	sld [smem:$0x0];
	_ =	sdelay $0x2  }
0xb8: {  	s31 =	sshll.u32 s1, $0xD;
	s1 =	sshrl.u32 s1, $0x2  }
0xb9: {  	s3 =	sand.u32 $0x4000, s31;
	s1 =	sadd.s32 s1, s30  }
0xba: {  	s0 =	sor.u32 s3, s0;
	s1 =	sshll.u32 s1, $0x11  }
0xbb: {  	s0 =	sor.u32 s1, s0  }
0xbc: {  	s0 =	sadd.s32 $0x8F2B, s0  }
0xbd: {  	[sflag:s0] =	ssyncadd.remote.s32 $0x1  }
0xbe: {  	_ =	sfence.sel $0xFFFF  }
0xbf: {  	[dreg:$0x0] =	wrdreg $0xFFFFFFFF;
	(pc) =	sbr.abs _section_cstart, $3  }
0xc0: {  	[dreg:$0x1] =	wrdreg $0xFFFFFFFF  }
0xc1: {  	_ =	task.clear_ibuf [dreg:s7], $0x2FFFF;
	_ =	strace $0x9FFFFFFF  }
0xc2: {  	(tm) =	ssettm $0x7FFFFFFF  }
0xc3: {  	_ =	shalt  }
tec
execute0_lowered:
.L_overlay_start_1:
0x0: {  	(tag) =	ssettag $0x1  }
0x1: {  	s0 =	rddreg [dreg:$0x0]  }
0x2: {  	s1 =	rddreg [dreg:$0x1]  }
0x3: {  	s2 =	simm.s32 $0x0;
	s3 =	srdreg.scid;
	s4 =	stileid.u32  }
0x4: {  	s29 =	simm.s32 $0x1;
	[smem:$0x7FF] =	sst s2;
	s3 =	sand.u32 $0x1, s3  }
0x5: {  	s4 =	sshll.u32 s4, $0x9;
	s6 =	sadd.s32 $0x600, s1;
	s5 =	sshll.u32 s3, $0x8  }
0x6: {  	_ =	strace $0x80000047;
	s7 =	ssub.s32 $0x2, s3;
	s8 =	sor.u32 s5, s4  }
0x7: {  	s3 =	sadd.s32 $0xA00, s1;
	s25 =	sshrl.u32 s7, $0x1;
	s5 =	sshrl.u32 s8, $0x3  }
0x8: {  	s9 =	sshll.u32 s8, $0x7;
	s10 =	sor.u32 $0x20, s8;
	s7 =	ssub.s32 s7, s25  }
0x9: {  	s13 =	sor.u32 $0x60, s8;
	s18 =	sor.u32 $0x80, s8;
	s20 =	sor.u32 $0xA0, s8  }
0xa: {  	s25 =	sor.u32 $0xC0, s8;
	s5 =	sadd.s32 s6, s5;
	s26 =	sadd.s32 s0, s9  }
0xb: {  	s28 =	sshrl.u32 s10, $0x3;
	s31 =	sshll.u32 s10, $0x7;
	s10 =	sor.u32 $0x40, s8  }
0xc: {  	s15 =	sshrl.u32 s13, $0x3;
	s17 =	sshll.u32 s13, $0x7;
	s19 =	sshrl.u32 s18, $0x3  }
0xd: {  	s22 =	sshrl.u32 s20, $0x3;
	s24 =	sshll.u32 s20, $0x7;
	[dreg:$0x3] =	wrdreg s5  }
0xe: {  	s8 =	sor.u32 $0xE0, s8;
	[dreg:$0x4] =	wrdreg s26;
	s30 =	sadd.s32 s6, s28  }
0xf: {  	s7 =	smax.u32 s7, $0x1;
	s9 =	sadd.s32 s0, s31;
	[dreg:$0x5] =	wrdreg s30  }
0x10: {  	s11 =	sshrl.u32 s10, $0x3;
	s16 =	sadd.s32 s6, s15;
	[dreg:$0x6] =	wrdreg s9  }
0x11: {  	s12 =	sshll.u32 s10, $0x7;
	s5 =	sadd.s32 s0, s17;
	[dreg:$0x9] =	wrdreg s16  }
0x12: {  	s23 =	sadd.s32 s6, s22;
	s26 =	sshrl.u32 s25, $0x3;
	[dreg:$0xa] =	wrdreg s5  }
0x13: {  	s10 =	sshll.u32 s25, $0x7;
	s4 =	sadd.s32 s6, s11;
	[dreg:$0xd] =	wrdreg s23  }
0x14: {  	s14 =	sadd.s32 s0, s12;
	s5 =	sadd.s32 s6, s19;
	[dreg:$0x7] =	wrdreg s4  }
0x15: {  	s9 =	sshll.u32 s18, $0x7;
	s28 =	sadd.s32 s0, s10;
	[dreg:$0x8] =	wrdreg s14  }
0x16: {  	s30 =	sshrl.u32 s8, $0x3;
	s8 =	sshll.u32 s8, $0x7;
	[dreg:$0xb] =	wrdreg s5  }
0x17: {  	s10 =	simm.s32 $0x3;
	s21 =	sadd.s32 s0, s9;
	[dreg:$0x10] =	wrdreg s28  }
0x18: {  	s23 =	simm.s32 $0x2;
	s9 =	sadd.s32 s0, s24;
	[dreg:$0xc] =	wrdreg s21  }
0x19: {  	s4 =	sadd.s32 $0xB00, s1;
	s31 =	sadd.s32 s6, s30;
	[dreg:$0xe] =	wrdreg s9  }
0x1a: {  	v2 =	vlaneseq.u32;
	s5 =	sadd.s32 $0xC00, s1;
	s0 =	sadd.s32 s0, s8;
	[dreg:$0x11] =	wrdreg s31  }
0x1b: {  	vm0 =	vmmov $0xffff;
	v1 =	vshrl.u32 v2, $0x3;
	s8 =	simm.s32 $0x4;
	s9 =	sadd.s32 s6, s26;
	[dreg:$0x12] =	wrdreg s0  }
0x1c: {  	v0 =	vand.u32 $0x7, v2;
	v2 =	vor.u32 $0x8, v2;
	v1 =	vmul.u32 $0x8, v1;
	s14 =	simm.s32 $0x8100;
	s6 =	sadd.s32 $0xD00, s1;
	[dreg:$0xf] =	wrdreg s9  }
.LBB2_1:
0x1d: {  	s24 =	rddreg [dreg:$0x3]  }
0x1e: {  	[tilespmem:s2], [sflag:$0x4] =	stream.linear.gather [hbm4b:s24+s2], $0x20, $0x38;
	[tilespmem:$0x10100] =	vst v63  }
0x1f: {  	_ =	swait.ge [sflag:s8], $0x20  }
0x20: {  	[sflag:s8] =	ssyncset.done $0x0  }
0x21: {  	s12 =	simm.s32 $0x100;
	s15 =	rddreg [dreg:$0x4];
	[sflag:s8] =	ssyncadd.s32 $0xFFFFFFE0  }
0x22: {  	[tilespmem:s12], [sflag:$0x3] =	stream.linear.gather [hbm4b:s15+s2], $0x8000, $0x38;
	[tilespmem:$0x10100] =	vst v63  }
0x23: {  	_ =	swait.ge [sflag:s10], $0x8000  }
0x24: {  	[sflag:s10] =	ssyncset.done $0x0  }
0x25: {  	s0 =	simm.s32 $0x80;
	s16 =	rddreg [dreg:$0x5];
	[sflag:s10] =	ssyncadd.s32 $0xFFFF8000  }
0x26: {  	[tilespmem:s0], [sflag:$0x4] =	stream.linear.gather [hbm4b:s16+s2], $0x20, $0x38;
	[tilespmem:$0x10100] =	vst v63  }
0x27: {  	_ =	swait.ge [sflag:s8], $0x20  }
0x28: {  	[sflag:s8] =	ssyncset.done $0x0  }
0x29: {  	s17 =	rddreg [dreg:$0x6];
	[sflag:s8] =	ssyncadd.s32 $0xFFFFFFE0  }
0x2a: {  	[tilespmem:s14], [sflag:$0x3] =	stream.linear.gather [hbm4b:s17+s2], $0x8000, $0x38;
	[tilespmem:$0x10100] =	vst v63  }
0x2b: {  	v3 =	vld [tilespmem:$0x0];
	_ =	sdelay $0x4  }
0x2c: {  	v4 =	vshll.u32 v3, $0x3  }
0x2d: {  	v3 =	vand.u32 $0x7, v3;
	v4 =	vand.u32 $0xFFFFFFC0, v4  }
0x2e: {  	v3 =	vor.u32 v3, v4  }
0x2f: {  	v4 =	vperm.xlane v3, v0;
	_ =	sdelay $0x1  }
0x30: {  	v4 =	vadd.s32 v1, v4;
	_ =	sdelay $0x4  }
0x31: {  	[hbm4b:s3+s2] =	stream.indirect_vreg.scatter [tilespmem:s12], [sflag:$0x1], $0x80, v4, vm0, $0xb8;
	[tilespmem:$0x10100] =	vst v63  }
0x32: {  	s18 =	simm.s32 $0x900;
	v3 =	vperm.xlane v3, v2  }
0x33: {  	[hbm4b:s4+s2] =	stream.indirect_vreg.scatter [tilespmem:s18], [sflag:$0x1], $0x80, v4, vm0, $0xb8;
	[tilespmem:$0x10100] =	vst v63  }
0x34: {  	s19 =	simm.s32 $0x1100;
	v3 =	vadd.s32 v1, v3  }
0x35: {  	[hbm4b:s5+s2] =	stream.indirect_vreg.scatter [tilespmem:s19], [sflag:$0x1], $0x80, v4, vm0, $0xb8;
	[tilespmem:$0x10100] =	vst v63  }
0x36: {  	s20 =	simm.s32 $0x1900  }
0x37: {  	[hbm4b:s6+s2] =	stream.indirect_vreg.scatter [tilespmem:s20], [sflag:$0x1], $0x80, v4, vm0, $0xb8;
	[tilespmem:$0x10100] =	vst v63  }
0x38: {  	s21 =	simm.s32 $0x2100  }
0x39: {  	[hbm4b:s3+s2] =	stream.indirect_vreg.scatter [tilespmem:s21], [sflag:$0x1], $0x80, v3, vm0, $0xb8;
	[tilespmem:$0x10100] =	vst v63  }
0x3a: {  	s22 =	simm.s32 $0x2900  }
0x3b: {  	[hbm4b:s4+s2] =	stream.indirect_vreg.scatter [tilespmem:s22], [sflag:$0x1], $0x80, v3, vm0, $0xb8;
	[tilespmem:$0x10100] =	vst v63  }
0x3c: {  	s24 =	simm.s32 $0x3100  }
0x3d: {  	[hbm4b:s5+s2] =	stream.indirect_vreg.scatter [tilespmem:s24], [sflag:$0x1], $0x80, v3, vm0, $0xb8;
	[tilespmem:$0x10100] =	vst v63  }
0x3e: {  	s25 =	simm.s32 $0x3900  }
0x3f: {  	[hbm4b:s6+s2] =	stream.indirect_vreg.scatter [tilespmem:s25], [sflag:$0x1], $0x80, v3, vm0, $0xb8;
	[tilespmem:$0x10100] =	vst v63  }
0x40: {  	v3 =	vld [tilespmem:$0x10];
	_ =	sdelay $0x4  }
0x41: {  	v49 =	vshll.u32 v3, $0x3  }
0x42: {  	v3 =	vand.u32 $0x7, v3;
	v4 =	vand.u32 $0xFFFFFFC0, v49  }
0x43: {  	v3 =	vor.u32 v3, v4  }
0x44: {  	v4 =	vperm.xlane v3, v0;
	_ =	sdelay $0x1  }
0x45: {  	v4 =	vadd.s32 v1, v4;
	_ =	sdelay $0x3  }
0x46: {  	s26 =	simm.s32 $0x4100  }
0x47: {  	[hbm4b:s3+s2] =	stream.indirect_vreg.scatter [tilespmem:s26], [sflag:$0x1], $0x80, v4, vm0, $0xb8;
	[tilespmem:$0x10100] =	vst v63  }
0x48: {  	s28 =	simm.s32 $0x4900;
	v3 =	vperm.xlane v3, v2  }
0x49: {  	[hbm4b:s4+s2] =	stream.indirect_vreg.scatter [tilespmem:s28], [sflag:$0x1], $0x80, v4, vm0, $0xb8;
	[tilespmem:$0x10100] =	vst v63  }
0x4a: {  	s30 =	simm.s32 $0x5100;
	v3 =	vadd.s32 v1, v3  }
0x4b: {  	[hbm4b:s5+s2] =	stream.indirect_vreg.scatter [tilespmem:s30], [sflag:$0x1], $0x80, v4, vm0, $0xb8;
	[tilespmem:$0x10100] =	vst v63  }
0x4c: {  	s16 =	simm.s32 $0x5900  }
0x4d: {  	[hbm4b:s6+s2] =	stream.indirect_vreg.scatter [tilespmem:s16], [sflag:$0x1], $0x80, v4, vm0, $0xb8;
	[tilespmem:$0x10100] =	vst v63  }
0x4e: {  	s17 =	simm.s32 $0x6100  }
0x4f: {  	[hbm4b:s3+s2] =	stream.indirect_vreg.scatter [tilespmem:s17], [sflag:$0x1], $0x80, v3, vm0, $0xb8;
	[tilespmem:$0x10100] =	vst v63  }
0x50: {  	s18 =	simm.s32 $0x6900  }
0x51: {  	[hbm4b:s4+s2] =	stream.indirect_vreg.scatter [tilespmem:s18], [sflag:$0x1], $0x80, v3, vm0, $0xb8;
	[tilespmem:$0x10100] =	vst v63  }
0x52: {  	s19 =	simm.s32 $0x7100  }
0x53: {  	[hbm4b:s5+s2] =	stream.indirect_vreg.scatter [tilespmem:s19], [sflag:$0x1], $0x80, v3, vm0, $0xb8;
	[tilespmem:$0x10100] =	vst v63  }
0x54: {  	s20 =	simm.s32 $0x7900  }
0x55: {  	[hbm4b:s6+s2] =	stream.indirect_vreg.scatter [tilespmem:s20], [sflag:$0x1], $0x80, v3, vm0, $0xb8;
	[tilespmem:$0x10100] =	vst v63  }
0x56: {  	_ =	swait.ge [sflag:s10], $0x8000  }
0x57: {  	[sflag:s10] =	ssyncset.done $0x0  }
0x58: {  	[sflag:s10] =	ssyncadd.s32 $0xFFFF8000  }
0x59: {  	_ =	swait.ge [sflag:s29], $0x8000  }
0x5a: {  	[sflag:s29] =	ssyncset.done $0x0  }
0x5b: {  	s21 =	rddreg [dreg:$0x7];
	[sflag:s29] =	ssyncadd.s32 $0xFFFF8000  }
0x5c: {  	[tilespmem:s2], [sflag:$0x4] =	stream.linear.gather [hbm4b:s21+s2], $0x20, $0x38;
	[tilespmem:$0x10100] =	vst v63  }
0x5d: {  	_ =	swait.ge [sflag:s8], $0x20  }
0x5e: {  	[sflag:s8] =	ssyncset.done $0x0  }
0x5f: {  	s22 =	rddreg [dreg:$0x8];
	[sflag:s8] =	ssyncadd.s32 $0xFFFFFFE0  }
0x60: {  	[tilespmem:s12], [sflag:$0x3] =	stream.linear.gather [hbm4b:s22+s2], $0x8000, $0x38;
	[tilespmem:$0x10100] =	vst v63  }
0x61: {  	v3 =	vld [tilespmem:$0x80];
	_ =	sdelay $0x4  }
0x62: {  	v50 =	vshll.u32 v3, $0x3  }
0x63: {  	v3 =	vand.u32 $0x7, v3;
	v4 =	vand.u32 $0xFFFFFFC0, v50  }
0x64: {  	v3 =	vor.u32 v3, v4  }
0x65: {  	v4 =	vperm.xlane v3, v0;
	_ =	sdelay $0x1  }
0x66: {  	v4 =	vadd.s32 v1, v4;
	_ =	sdelay $0x4  }
0x67: {  	[hbm4b:s3+s2] =	stream.indirect_vreg.scatter [tilespmem:s14], [sflag:$0x2], $0x80, v4, vm0, $0xb8;
	[tilespmem:$0x10100] =	vst v63  }
0x68: {  	s24 =	simm.s32 $0x8900;
	v3 =	vperm.xlane v3, v2  }
0x69: {  	[hbm4b:s4+s2] =	stream.indirect_vreg.scatter [tilespmem:s24], [sflag:$0x2], $0x80, v4, vm0, $0xb8;
	[tilespmem:$0x10100] =	vst v63  }
0x6a: {  	s25 =	simm.s32 $0x9100;
	v3 =	vadd.s32 v1, v3  }
0x6b: {  	[hbm4b:s5+s2] =	stream.indirect_vreg.scatter [tilespmem:s25], [sflag:$0x2], $0x80, v4, vm0, $0xb8;
	[tilespmem:$0x10100] =	vst v63  }
0x6c: {  	s26 =	simm.s32 $0x9900  }
0x6d: {  	[hbm4b:s6+s2] =	stream.indirect_vreg.scatter [tilespmem:s26], [sflag:$0x2], $0x80, v4, vm0, $0xb8;
	[tilespmem:$0x10100] =	vst v63  }
0x6e: {  	s28 =	simm.s32 $0xA100  }
0x6f: {  	[hbm4b:s3+s2] =	stream.indirect_vreg.scatter [tilespmem:s28], [sflag:$0x2], $0x80, v3, vm0, $0xb8;
	[tilespmem:$0x10100] =	vst v63  }
0x70: {  	s30 =	simm.s32 $0xA900  }
0x71: {  	[hbm4b:s4+s2] =	stream.indirect_vreg.scatter [tilespmem:s30], [sflag:$0x2], $0x80, v3, vm0, $0xb8;
	[tilespmem:$0x10100] =	vst v63  }
0x72: {  	s16 =	simm.s32 $0xB100  }
0x73: {  	[hbm4b:s5+s2] =	stream.indirect_vreg.scatter [tilespmem:s16], [sflag:$0x2], $0x80, v3, vm0, $0xb8;
	[tilespmem:$0x10100] =	vst v63  }
0x74: {  	s19 =	simm.s32 $0xB900  }
0x75: {  	[hbm4b:s6+s2] =	stream.indirect_vreg.scatter [tilespmem:s19], [sflag:$0x2], $0x80, v3, vm0, $0xb8;
	[tilespmem:$0x10100] =	vst v63  }
0x76: {  	v3 =	vld [tilespmem:$0x90];
	_ =	sdelay $0x4  }
0x77: {  	v51 =	vshll.u32 v3, $0x3  }
0x78: {  	v3 =	vand.u32 $0x7, v3;
	v4 =	vand.u32 $0xFFFFFFC0, v51  }
0x79: {  	v3 =	vor.u32 v3, v4  }
0x7a: {  	v4 =	vperm.xlane v3, v0;
	_ =	sdelay $0x1  }
0x7b: {  	v4 =	vadd.s32 v1, v4;
	_ =	sdelay $0x3  }
0x7c: {  	s20 =	simm.s32 $0xC100  }
0x7d: {  	[hbm4b:s3+s2] =	stream.indirect_vreg.scatter [tilespmem:s20], [sflag:$0x2], $0x80, v4, vm0, $0xb8;
	[tilespmem:$0x10100] =	vst v63  }
0x7e: {  	s21 =	simm.s32 $0xC900;
	v3 =	vperm.xlane v3, v2  }
0x7f: {  	[hbm4b:s4+s2] =	stream.indirect_vreg.scatter [tilespmem:s21], [sflag:$0x2], $0x80, v4, vm0, $0xb8;
	[tilespmem:$0x10100] =	vst v63  }
0x80: {  	s22 =	simm.s32 $0xD100;
	v3 =	vadd.s32 v1, v3  }
0x81: {  	[hbm4b:s5+s2] =	stream.indirect_vreg.scatter [tilespmem:s22], [sflag:$0x2], $0x80, v4, vm0, $0xb8;
	[tilespmem:$0x10100] =	vst v63  }
0x82: {  	s24 =	simm.s32 $0xD900  }
0x83: {  	[hbm4b:s6+s2] =	stream.indirect_vreg.scatter [tilespmem:s24], [sflag:$0x2], $0x80, v4, vm0, $0xb8;
	[tilespmem:$0x10100] =	vst v63  }
0x84: {  	s25 =	simm.s32 $0xE100  }
0x85: {  	[hbm4b:s3+s2] =	stream.indirect_vreg.scatter [tilespmem:s25], [sflag:$0x2], $0x80, v3, vm0, $0xb8;
	[tilespmem:$0x10100] =	vst v63  }
0x86: {  	s26 =	simm.s32 $0xE900  }
0x87: {  	[hbm4b:s4+s2] =	stream.indirect_vreg.scatter [tilespmem:s26], [sflag:$0x2], $0x80, v3, vm0, $0xb8;
	[tilespmem:$0x10100] =	vst v63  }
0x88: {  	s28 =	simm.s32 $0xF100  }
0x89: {  	[hbm4b:s5+s2] =	stream.indirect_vreg.scatter [tilespmem:s28], [sflag:$0x2], $0x80, v3, vm0, $0xb8;
	[tilespmem:$0x10100] =	vst v63  }
0x8a: {  	s30 =	simm.s32 $0xF900  }
0x8b: {  	[hbm4b:s6+s2] =	stream.indirect_vreg.scatter [tilespmem:s30], [sflag:$0x2], $0x80, v3, vm0, $0xb8;
	[tilespmem:$0x10100] =	vst v63  }
0x8c: {  	_ =	swait.ge [sflag:s10], $0x8000  }
0x8d: {  	[sflag:s10] =	ssyncset.done $0x0  }
0x8e: {  	[sflag:s10] =	ssyncadd.s32 $0xFFFF8000  }
0x8f: {  	_ =	swait.ge [sflag:s23], $0x8000  }
0x90: {  	[sflag:s23] =	ssyncset.done $0x0  }
0x91: {  	s11 =	simm.s32 $0x80;
	s0 =	rddreg [dreg:$0x9];
	[sflag:s23] =	ssyncadd.s32 $0xFFFF8000  }
0x92: {  	[tilespmem:s11], [sflag:$0x4] =	stream.linear.gather [hbm4b:s0+s2], $0x20, $0x38;
	[tilespmem:$0x10100] =	vst v63  }
0x93: {  	_ =	swait.ge [sflag:s8], $0x20  }
0x94: {  	[sflag:s8] =	ssyncset.done $0x0  }
0x95: {  	s16 =	rddreg [dreg:$0xa];
	[sflag:s8] =	ssyncadd.s32 $0xFFFFFFE0  }
0x96: {  	[tilespmem:s14], [sflag:$0x3] =	stream.linear.gather [hbm4b:s16+s2], $0x8000, $0x38;
	[tilespmem:$0x10100] =	vst v63  }
0x97: {  	v3 =	vld [tilespmem:$0x0];
	_ =	sdelay $0x4  }
0x98: {  	v52 =	vshll.u32 v3, $0x3  }
0x99: {  	v3 =	vand.u32 $0x7, v3;
	v4 =	vand.u32 $0xFFFFFFC0, v52  }
0x9a: {  	v3 =	vor.u32 v3, v4  }
0x9b: {  	v4 =	vperm.xlane v3, v0;
	_ =	sdelay $0x1  }
0x9c: {  	v4 =	vadd.s32 v1, v4;
	_ =	sdelay $0x4  }
0x9d: {  	[hbm4b:s3+s2] =	stream.indirect_vreg.scatter [tilespmem:s12], [sflag:$0x1], $0x80, v4, vm0, $0xb8;
	[tilespmem:$0x10100] =	vst v63  }
0x9e: {  	s13 =	simm.s32 $0x900;
	v3 =	vperm.xlane v3, v2  }
0x9f: {  	[hbm4b:s4+s2] =	stream.indirect_vreg.scatter [tilespmem:s13], [sflag:$0x1], $0x80, v4, vm0, $0xb8;
	[tilespmem:$0x10100] =	vst v63  }
0xa0: {  	s1 =	simm.s32 $0x1100;
	v3 =	vadd.s32 v1, v3  }
0xa1: {  	[hbm4b:s5+s2] =	stream.indirect_vreg.scatter [tilespmem:s1], [sflag:$0x1], $0x80, v4, vm0, $0xb8;
	[tilespmem:$0x10100] =	vst v63  }
0xa2: {  	s15 =	simm.s32 $0x1900  }
0xa3: {  	[hbm4b:s6+s2] =	stream.indirect_vreg.scatter [tilespmem:s15], [sflag:$0x1], $0x80, v4, vm0, $0xb8;
	[tilespmem:$0x10100] =	vst v63  }
0xa4: {  	s9 =	simm.s32 $0x2100  }
0xa5: {  	[hbm4b:s3+s2] =	stream.indirect_vreg.scatter [tilespmem:s9], [sflag:$0x1], $0x80, v3, vm0, $0xb8;
	[tilespmem:$0x10100] =	vst v63  }
0xa6: {  	s0 =	simm.s32 $0x2900  }
0xa7: {  	[hbm4b:s4+s2] =	stream.indirect_vreg.scatter [tilespmem:s0], [sflag:$0x1], $0x80, v3, vm0, $0xb8;
	[tilespmem:$0x10100] =	vst v63  }
0xa8: {  	s1 =	simm.s32 $0x3100  }
0xa9: {  	[hbm4b:s5+s2] =	stream.indirect_vreg.scatter [tilespmem:s1], [sflag:$0x1], $0x80, v3, vm0, $0xb8;
	[tilespmem:$0x10100] =	vst v63  }
0xaa: {  	s31 =	simm.s32 $0x3900  }
0xab: {  	[hbm4b:s6+s2] =	stream.indirect_vreg.scatter [tilespmem:s31], [sflag:$0x1], $0x80, v3, vm0, $0xb8;
	[tilespmem:$0x10100] =	vst v63  }
0xac: {  	v3 =	vld [tilespmem:$0x10];
	_ =	sdelay $0x4  }
0xad: {  	v53 =	vshll.u32 v3, $0x3  }
0xae: {  	v3 =	vand.u32 $0x7, v3;
	v4 =	vand.u32 $0xFFFFFFC0, v53  }
0xaf: {  	v3 =	vor.u32 v3, v4  }
0xb0: {  	v4 =	vperm.xlane v3, v0;
	_ =	sdelay $0x1  }
0xb1: {  	v4 =	vadd.s32 v1, v4;
	_ =	sdelay $0x3  }
0xb2: {  	s15 =	simm.s32 $0x4100  }
0xb3: {  	[hbm4b:s3+s2] =	stream.indirect_vreg.scatter [tilespmem:s15], [sflag:$0x1], $0x80, v4, vm0, $0xb8;
	[tilespmem:$0x10100] =	vst v63  }
0xb4: {  	s16 =	simm.s32 $0x4900;
	v3 =	vperm.xlane v3, v2  }
0xb5: {  	[hbm4b:s4+s2] =	stream.indirect_vreg.scatter [tilespmem:s16], [sflag:$0x1], $0x80, v4, vm0, $0xb8;
	[tilespmem:$0x10100] =	vst v63  }
0xb6: {  	s25 =	simm.s32 $0x5100;
	v3 =	vadd.s32 v1, v3  }
0xb7: {  	[hbm4b:s5+s2] =	stream.indirect_vreg.scatter [tilespmem:s25], [sflag:$0x1], $0x80, v4, vm0, $0xb8;
	[tilespmem:$0x10100] =	vst v63  }
0xb8: {  	s9 =	simm.s32 $0x5900  }
0xb9: {  	[hbm4b:s6+s2] =	stream.indirect_vreg.scatter [tilespmem:s9], [sflag:$0x1], $0x80, v4, vm0, $0xb8;
	[tilespmem:$0x10100] =	vst v63  }
0xba: {  	s31 =	simm.s32 $0x6100  }
0xbb: {  	[hbm4b:s3+s2] =	stream.indirect_vreg.scatter [tilespmem:s31], [sflag:$0x1], $0x80, v3, vm0, $0xb8;
	[tilespmem:$0x10100] =	vst v63  }
0xbc: {  	s11 =	simm.s32 $0x6900  }
0xbd: {  	[hbm4b:s4+s2] =	stream.indirect_vreg.scatter [tilespmem:s11], [sflag:$0x1], $0x80, v3, vm0, $0xb8;
	[tilespmem:$0x10100] =	vst v63  }
0xbe: {  	s13 =	simm.s32 $0x7100  }
0xbf: {  	[hbm4b:s5+s2] =	stream.indirect_vreg.scatter [tilespmem:s13], [sflag:$0x1], $0x80, v3, vm0, $0xb8;
	[tilespmem:$0x10100] =	vst v63  }
0xc0: {  	s18 =	simm.s32 $0x7900  }
0xc1: {  	[hbm4b:s6+s2] =	stream.indirect_vreg.scatter [tilespmem:s18], [sflag:$0x1], $0x80, v3, vm0, $0xb8;
	[tilespmem:$0x10100] =	vst v63  }
0xc2: {  	_ =	swait.ge [sflag:s10], $0x8000  }
0xc3: {  	[sflag:s10] =	ssyncset.done $0x0  }
0xc4: {  	[sflag:s10] =	ssyncadd.s32 $0xFFFF8000  }
0xc5: {  	_ =	swait.ge [sflag:s29], $0x8000  }
0xc6: {  	[sflag:s29] =	ssyncset.done $0x0  }
0xc7: {  	s18 =	rddreg [dreg:$0xb];
	[sflag:s29] =	ssyncadd.s32 $0xFFFF8000  }
0xc8: {  	[tilespmem:s2], [sflag:$0x4] =	stream.linear.gather [hbm4b:s18+s2], $0x20, $0x38;
	[tilespmem:$0x10100] =	vst v63  }
0xc9: {  	_ =	swait.ge [sflag:s8], $0x20  }
0xca: {  	[sflag:s8] =	ssyncset.done $0x0  }
0xcb: {  	s22 =	rddreg [dreg:$0xc];
	[sflag:s8] =	ssyncadd.s32 $0xFFFFFFE0  }
0xcc: {  	[tilespmem:s12], [sflag:$0x3] =	stream.linear.gather [hbm4b:s22+s2], $0x8000, $0x38;
	[tilespmem:$0x10100] =	vst v63  }
0xcd: {  	v3 =	vld [tilespmem:$0x80];
	_ =	sdelay $0x4  }
0xce: {  	v54 =	vshll.u32 v3, $0x3  }
0xcf: {  	v3 =	vand.u32 $0x7, v3;
	v4 =	vand.u32 $0xFFFFFFC0, v54  }
0xd0: {  	v3 =	vor.u32 v3, v4  }
0xd1: {  	v4 =	vperm.xlane v3, v0;
	_ =	sdelay $0x1  }
0xd2: {  	v4 =	vadd.s32 v1, v4;
	_ =	sdelay $0x4  }
0xd3: {  	[hbm4b:s3+s2] =	stream.indirect_vreg.scatter [tilespmem:s14], [sflag:$0x2], $0x80, v4, vm0, $0xb8;
	[tilespmem:$0x10100] =	vst v63  }
0xd4: {  	s22 =	simm.s32 $0x8900;
	v3 =	vperm.xlane v3, v2  }
0xd5: {  	[hbm4b:s4+s2] =	stream.indirect_vreg.scatter [tilespmem:s22], [sflag:$0x2], $0x80, v4, vm0, $0xb8;
	[tilespmem:$0x10100] =	vst v63  }
0xd6: {  	s17 =	simm.s32 $0x9100;
	v3 =	vadd.s32 v1, v3  }
0xd7: {  	[hbm4b:s5+s2] =	stream.indirect_vreg.scatter [tilespmem:s17], [sflag:$0x2], $0x80, v4, vm0, $0xb8;
	[tilespmem:$0x10100] =	vst v63  }
0xd8: {  	s28 =	simm.s32 $0x9900  }
0xd9: {  	[hbm4b:s6+s2] =	stream.indirect_vreg.scatter [tilespmem:s28], [sflag:$0x2], $0x80, v4, vm0, $0xb8;
	[tilespmem:$0x10100] =	vst v63  }
0xda: {  	s30 =	simm.s32 $0xA100  }
0xdb: {  	[hbm4b:s3+s2] =	stream.indirect_vreg.scatter [tilespmem:s30], [sflag:$0x2], $0x80, v3, vm0, $0xb8;
	[tilespmem:$0x10100] =	vst v63  }
0xdc: {  	s18 =	simm.s32 $0xA900  }
0xdd: {  	[hbm4b:s4+s2] =	stream.indirect_vreg.scatter [tilespmem:s18], [sflag:$0x2], $0x80, v3, vm0, $0xb8;
	[tilespmem:$0x10100] =	vst v63  }
0xde: {  	s17 =	simm.s32 $0xB100  }
0xdf: {  	[hbm4b:s5+s2] =	stream.indirect_vreg.scatter [tilespmem:s17], [sflag:$0x2], $0x80, v3, vm0, $0xb8;
	[tilespmem:$0x10100] =	vst v63  }
0xe0: {  	s19 =	simm.s32 $0xB900  }
0xe1: {  	[hbm4b:s6+s2] =	stream.indirect_vreg.scatter [tilespmem:s19], [sflag:$0x2], $0x80, v3, vm0, $0xb8;
	[tilespmem:$0x10100] =	vst v63  }
0xe2: {  	v3 =	vld [tilespmem:$0x90];
	_ =	sdelay $0x4  }
0xe3: {  	v55 =	vshll.u32 v3, $0x3  }
0xe4: {  	v3 =	vand.u32 $0x7, v3;
	v4 =	vand.u32 $0xFFFFFFC0, v55  }
0xe5: {  	v3 =	vor.u32 v3, v4  }
0xe6: {  	v4 =	vperm.xlane v3, v0;
	_ =	sdelay $0x1  }
0xe7: {  	v4 =	vadd.s32 v1, v4;
	_ =	sdelay $0x3  }
0xe8: {  	s20 =	simm.s32 $0xC100  }
0xe9: {  	[hbm4b:s3+s2] =	stream.indirect_vreg.scatter [tilespmem:s20], [sflag:$0x2], $0x80, v4, vm0, $0xb8;
	[tilespmem:$0x10100] =	vst v63  }
0xea: {  	s21 =	simm.s32 $0xC900;
	v3 =	vperm.xlane v3, v2  }
0xeb: {  	[hbm4b:s4+s2] =	stream.indirect_vreg.scatter [tilespmem:s21], [sflag:$0x2], $0x80, v4, vm0, $0xb8;
	[tilespmem:$0x10100] =	vst v63  }
0xec: {  	s19 =	simm.s32 $0xD100;
	v3 =	vadd.s32 v1, v3  }
0xed: {  	[hbm4b:s5+s2] =	stream.indirect_vreg.scatter [tilespmem:s19], [sflag:$0x2], $0x80, v4, vm0, $0xb8;
	[tilespmem:$0x10100] =	vst v63  }
0xee: {  	s20 =	simm.s32 $0xD900  }
0xef: {  	[hbm4b:s6+s2] =	stream.indirect_vreg.scatter [tilespmem:s20], [sflag:$0x2], $0x80, v4, vm0, $0xb8;
	[tilespmem:$0x10100] =	vst v63  }
0xf0: {  	s21 =	simm.s32 $0xE100  }
0xf1: {  	[hbm4b:s3+s2] =	stream.indirect_vreg.scatter [tilespmem:s21], [sflag:$0x2], $0x80, v3, vm0, $0xb8;
	[tilespmem:$0x10100] =	vst v63  }
0xf2: {  	s24 =	simm.s32 $0xE900  }
0xf3: {  	[hbm4b:s4+s2] =	stream.indirect_vreg.scatter [tilespmem:s24], [sflag:$0x2], $0x80, v3, vm0, $0xb8;
	[tilespmem:$0x10100] =	vst v63  }
0xf4: {  	s24 =	simm.s32 $0xF100  }
0xf5: {  	[hbm4b:s5+s2] =	stream.indirect_vreg.scatter [tilespmem:s24], [sflag:$0x2], $0x80, v3, vm0, $0xb8;
	[tilespmem:$0x10100] =	vst v63  }
0xf6: {  	s26 =	simm.s32 $0xF900  }
0xf7: {  	[hbm4b:s6+s2] =	stream.indirect_vreg.scatter [tilespmem:s26], [sflag:$0x2], $0x80, v3, vm0, $0xb8;
	[tilespmem:$0x10100] =	vst v63  }
0xf8: {  	_ =	swait.ge [sflag:s10], $0x8000  }
0xf9: {  	[sflag:s10] =	ssyncset.done $0x0  }
0xfa: {  	[sflag:s10] =	ssyncadd.s32 $0xFFFF8000  }
0xfb: {  	_ =	swait.ge [sflag:s23], $0x8000  }
0xfc: {  	[sflag:s23] =	ssyncset.done $0x0  }
0xfd: {  	s26 =	simm.s32 $0x80;
	s24 =	rddreg [dreg:$0xd];
	[sflag:s23] =	ssyncadd.s32 $0xFFFF8000  }
0xfe: {  	[tilespmem:s26], [sflag:$0x4] =	stream.linear.gather [hbm4b:s24+s2], $0x20, $0x38;
	[tilespmem:$0x10100] =	vst v63  }
0xff: {  	_ =	swait.ge [sflag:s8], $0x20  }
0x100: {  	[sflag:s8] =	ssyncset.done $0x0  }
0x101: {  	s26 =	rddreg [dreg:$0xe];
	[sflag:s8] =	ssyncadd.s32 $0xFFFFFFE0  }
0x102: {  	[tilespmem:s14], [sflag:$0x3] =	stream.linear.gather [hbm4b:s26+s2], $0x8000, $0x38;
	[tilespmem:$0x10100] =	vst v63  }
0x103: {  	v3 =	vld [tilespmem:$0x0];
	_ =	sdelay $0x4  }
0x104: {  	v56 =	vshll.u32 v3, $0x3  }
0x105: {  	v3 =	vand.u32 $0x7, v3;
	v4 =	vand.u32 $0xFFFFFFC0, v56  }
0x106: {  	v3 =	vor.u32 v3, v4  }
0x107: {  	v4 =	vperm.xlane v3, v0;
	_ =	sdelay $0x1  }
0x108: {  	v4 =	vadd.s32 v1, v4;
	_ =	sdelay $0x4  }
0x109: {  	[hbm4b:s3+s2] =	stream.indirect_vreg.scatter [tilespmem:s12], [sflag:$0x1], $0x80, v4, vm0, $0xb8;
	[tilespmem:$0x10100] =	vst v63  }
0x10a: {  	s26 =	simm.s32 $0x900;
	v3 =	vperm.xlane v3, v2  }
0x10b: {  	[hbm4b:s4+s2] =	stream.indirect_vreg.scatter [tilespmem:s26], [sflag:$0x1], $0x80, v4, vm0, $0xb8;
	[tilespmem:$0x10100] =	vst v63  }
0x10c: {  	v3 =	vadd.s32 v1, v3;
	s26 =	simm.s32 $0x1100  }
0x10d: {  	[hbm4b:s5+s2] =	stream.indirect_vreg.scatter [tilespmem:s26], [sflag:$0x1], $0x80, v4, vm0, $0xb8;
	[tilespmem:$0x10100] =	vst v63  }
0x10e: {  	s26 =	simm.s32 $0x1900  }
0x10f: {  	[hbm4b:s6+s2] =	stream.indirect_vreg.scatter [tilespmem:s26], [sflag:$0x1], $0x80, v4, vm0, $0xb8;
	[tilespmem:$0x10100] =	vst v63  }
0x110: {  	s26 =	simm.s32 $0x2100  }
0x111: {  	[hbm4b:s3+s2] =	stream.indirect_vreg.scatter [tilespmem:s26], [sflag:$0x1], $0x80, v3, vm0, $0xb8;
	[tilespmem:$0x10100] =	vst v63  }
0x112: {  	_ = 	snop  }
0x113: {  	[hbm4b:s4+s2] =	stream.indirect_vreg.scatter [tilespmem:s0], [sflag:$0x1], $0x80, v3, vm0, $0xb8;
	[tilespmem:$0x10100] =	vst v63  }
0x114: {  	_ = 	snop  }
0x115: {  	[hbm4b:s5+s2] =	stream.indirect_vreg.scatter [tilespmem:s1], [sflag:$0x1], $0x80, v3, vm0, $0xb8;
	[tilespmem:$0x10100] =	vst v63  }
0x116: {  	s1 =	simm.s32 $0x3900  }
0x117: {  	[hbm4b:s6+s2] =	stream.indirect_vreg.scatter [tilespmem:s1], [sflag:$0x1], $0x80, v3, vm0, $0xb8;
	[tilespmem:$0x10100] =	vst v63  }
0x118: {  	v3 =	vld [tilespmem:$0x10];
	_ =	sdelay $0x4  }
0x119: {  	v57 =	vshll.u32 v3, $0x3  }
0x11a: {  	v3 =	vand.u32 $0x7, v3;
	v4 =	vand.u32 $0xFFFFFFC0, v57  }
0x11b: {  	v3 =	vor.u32 v3, v4  }
0x11c: {  	v4 =	vperm.xlane v3, v0;
	_ =	sdelay $0x1  }
0x11d: {  	v4 =	vadd.s32 v1, v4;
	_ =	sdelay $0x4  }
0x11e: {  	[hbm4b:s3+s2] =	stream.indirect_vreg.scatter [tilespmem:s15], [sflag:$0x1], $0x80, v4, vm0, $0xb8;
	[tilespmem:$0x10100] =	vst v63  }
0x11f: {  	v3 =	vperm.xlane v3, v2  }
0x120: {  	[hbm4b:s4+s2] =	stream.indirect_vreg.scatter [tilespmem:s16], [sflag:$0x1], $0x80, v4, vm0, $0xb8;
	[tilespmem:$0x10100] =	vst v63  }
0x121: {  	v3 =	vadd.s32 v1, v3  }
0x122: {  	[hbm4b:s5+s2] =	stream.indirect_vreg.scatter [tilespmem:s25], [sflag:$0x1], $0x80, v4, vm0, $0xb8;
	[tilespmem:$0x10100] =	vst v63  }
0x123: {  	_ = 	snop  }
0x124: {  	[hbm4b:s6+s2] =	stream.indirect_vreg.scatter [tilespmem:s9], [sflag:$0x1], $0x80, v4, vm0, $0xb8;
	[tilespmem:$0x10100] =	vst v63  }
0x125: {  	_ = 	snop  }
0x126: {  	[hbm4b:s3+s2] =	stream.indirect_vreg.scatter [tilespmem:s31], [sflag:$0x1], $0x80, v3, vm0, $0xb8;
	[tilespmem:$0x10100] =	vst v63  }
0x127: {  	_ = 	snop  }
0x128: {  	[hbm4b:s4+s2] =	stream.indirect_vreg.scatter [tilespmem:s11], [sflag:$0x1], $0x80, v3, vm0, $0xb8;
	[tilespmem:$0x10100] =	vst v63  }
0x129: {  	_ = 	snop  }
0x12a: {  	[hbm4b:s5+s2] =	stream.indirect_vreg.scatter [tilespmem:s13], [sflag:$0x1], $0x80, v3, vm0, $0xb8;
	[tilespmem:$0x10100] =	vst v63  }
0x12b: {  	s9 =	simm.s32 $0x7900  }
0x12c: {  	[hbm4b:s6+s2] =	stream.indirect_vreg.scatter [tilespmem:s9], [sflag:$0x1], $0x80, v3, vm0, $0xb8;
	[tilespmem:$0x10100] =	vst v63  }
0x12d: {  	_ =	swait.ge [sflag:s10], $0x8000  }
0x12e: {  	[sflag:s10] =	ssyncset.done $0x0  }
0x12f: {  	[sflag:s10] =	ssyncadd.s32 $0xFFFF8000  }
0x130: {  	_ =	swait.ge [sflag:s29], $0x8000  }
0x131: {  	[sflag:s29] =	ssyncset.done $0x0  }
0x132: {  	s11 =	rddreg [dreg:$0xf];
	[sflag:s29] =	ssyncadd.s32 $0xFFFF8000  }
0x133: {  	[tilespmem:s2], [sflag:$0x4] =	stream.linear.gather [hbm4b:s11+s2], $0x20, $0x38;
	[tilespmem:$0x10100] =	vst v63  }
0x134: {  	_ =	swait.ge [sflag:s8], $0x20  }
0x135: {  	[sflag:s8] =	ssyncset.done $0x0  }
0x136: {  	s13 =	rddreg [dreg:$0x10];
	[sflag:s8] =	ssyncadd.s32 $0xFFFFFFE0  }
0x137: {  	[tilespmem:s12], [sflag:$0x3] =	stream.linear.gather [hbm4b:s13+s2], $0x8000, $0x38;
	[tilespmem:$0x10100] =	vst v63  }
0x138: {  	v3 =	vld [tilespmem:$0x80];
	_ =	sdelay $0x4  }
0x139: {  	v58 =	vshll.u32 v3, $0x3  }
0x13a: {  	v3 =	vand.u32 $0x7, v3;
	v4 =	vand.u32 $0xFFFFFFC0, v58  }
0x13b: {  	v3 =	vor.u32 v3, v4  }
0x13c: {  	v4 =	vperm.xlane v3, v0;
	_ =	sdelay $0x1  }
0x13d: {  	v4 =	vadd.s32 v1, v4;
	_ =	sdelay $0x4  }
0x13e: {  	[hbm4b:s3+s2] =	stream.indirect_vreg.scatter [tilespmem:s14], [sflag:$0x2], $0x80, v4, vm0, $0xb8;
	[tilespmem:$0x10100] =	vst v63  }
0x13f: {  	v3 =	vperm.xlane v3, v2  }
0x140: {  	[hbm4b:s4+s2] =	stream.indirect_vreg.scatter [tilespmem:s22], [sflag:$0x2], $0x80, v4, vm0, $0xb8;
	[tilespmem:$0x10100] =	vst v63  }
0x141: {  	s0 =	simm.s32 $0x9100;
	v3 =	vadd.s32 v1, v3  }
0x142: {  	[hbm4b:s5+s2] =	stream.indirect_vreg.scatter [tilespmem:s0], [sflag:$0x2], $0x80, v4, vm0, $0xb8;
	[tilespmem:$0x10100] =	vst v63  }
0x143: {  	_ = 	snop  }
0x144: {  	[hbm4b:s6+s2] =	stream.indirect_vreg.scatter [tilespmem:s28], [sflag:$0x2], $0x80, v4, vm0, $0xb8;
	[tilespmem:$0x10100] =	vst v63  }
0x145: {  	_ = 	snop  }
0x146: {  	[hbm4b:s3+s2] =	stream.indirect_vreg.scatter [tilespmem:s30], [sflag:$0x2], $0x80, v3, vm0, $0xb8;
	[tilespmem:$0x10100] =	vst v63  }
0x147: {  	_ = 	snop  }
0x148: {  	[hbm4b:s4+s2] =	stream.indirect_vreg.scatter [tilespmem:s18], [sflag:$0x2], $0x80, v3, vm0, $0xb8;
	[tilespmem:$0x10100] =	vst v63  }
0x149: {  	_ = 	snop  }
0x14a: {  	[hbm4b:s5+s2] =	stream.indirect_vreg.scatter [tilespmem:s17], [sflag:$0x2], $0x80, v3, vm0, $0xb8;
	[tilespmem:$0x10100] =	vst v63  }
0x14b: {  	s25 =	simm.s32 $0xB900  }
0x14c: {  	[hbm4b:s6+s2] =	stream.indirect_vreg.scatter [tilespmem:s25], [sflag:$0x2], $0x80, v3, vm0, $0xb8;
	[tilespmem:$0x10100] =	vst v63  }
0x14d: {  	v3 =	vld [tilespmem:$0x90];
	_ =	sdelay $0x4  }
0x14e: {  	v59 =	vshll.u32 v3, $0x3  }
0x14f: {  	v3 =	vand.u32 $0x7, v3;
	v4 =	vand.u32 $0xFFFFFFC0, v59  }
0x150: {  	v3 =	vor.u32 v3, v4  }
0x151: {  	v4 =	vperm.xlane v3, v0;
	_ =	sdelay $0x1  }
0x152: {  	v4 =	vadd.s32 v1, v4;
	_ =	sdelay $0x3  }
0x153: {  	s9 =	simm.s32 $0xC100  }
0x154: {  	[hbm4b:s3+s2] =	stream.indirect_vreg.scatter [tilespmem:s9], [sflag:$0x2], $0x80, v4, vm0, $0xb8;
	[tilespmem:$0x10100] =	vst v63  }
0x155: {  	s11 =	simm.s32 $0xC900;
	v3 =	vperm.xlane v3, v2  }
0x156: {  	[hbm4b:s4+s2] =	stream.indirect_vreg.scatter [tilespmem:s11], [sflag:$0x2], $0x80, v4, vm0, $0xb8;
	[tilespmem:$0x10100] =	vst v63  }
0x157: {  	v3 =	vadd.s32 v1, v3  }
0x158: {  	[hbm4b:s5+s2] =	stream.indirect_vreg.scatter [tilespmem:s19], [sflag:$0x2], $0x80, v4, vm0, $0xb8;
	[tilespmem:$0x10100] =	vst v63  }
0x159: {  	_ = 	snop  }
0x15a: {  	[hbm4b:s6+s2] =	stream.indirect_vreg.scatter [tilespmem:s20], [sflag:$0x2], $0x80, v4, vm0, $0xb8;
	[tilespmem:$0x10100] =	vst v63  }
0x15b: {  	_ = 	snop  }
0x15c: {  	[hbm4b:s3+s2] =	stream.indirect_vreg.scatter [tilespmem:s21], [sflag:$0x2], $0x80, v3, vm0, $0xb8;
	[tilespmem:$0x10100] =	vst v63  }
0x15d: {  	s30 =	simm.s32 $0xE900  }
0x15e: {  	[hbm4b:s4+s2] =	stream.indirect_vreg.scatter [tilespmem:s30], [sflag:$0x2], $0x80, v3, vm0, $0xb8;
	[tilespmem:$0x10100] =	vst v63  }
0x15f: {  	s1 =	simm.s32 $0xF100  }
0x160: {  	[hbm4b:s5+s2] =	stream.indirect_vreg.scatter [tilespmem:s1], [sflag:$0x2], $0x80, v3, vm0, $0xb8;
	[tilespmem:$0x10100] =	vst v63  }
0x161: {  	s13 =	simm.s32 $0xF900  }
0x162: {  	[hbm4b:s6+s2] =	stream.indirect_vreg.scatter [tilespmem:s13], [sflag:$0x2], $0x80, v3, vm0, $0xb8;
	[tilespmem:$0x10100] =	vst v63  }
0x163: {  	_ =	swait.ge [sflag:s10], $0x8000  }
0x164: {  	[sflag:s10] =	ssyncset.done $0x0  }
0x165: {  	[sflag:s10] =	ssyncadd.s32 $0xFFFF8000  }
0x166: {  	_ =	swait.ge [sflag:s23], $0x8000  }
0x167: {  	[sflag:s23] =	ssyncset.done $0x0  }
0x168: {  	s15 =	simm.s32 $0x80;
	s24 =	rddreg [dreg:$0x11];
	[sflag:s23] =	ssyncadd.s32 $0xFFFF8000  }
0x169: {  	[tilespmem:s15], [sflag:$0x4] =	stream.linear.gather [hbm4b:s24+s2], $0x20, $0x38;
	[tilespmem:$0x10100] =	vst v63  }
0x16a: {  	_ =	swait.ge [sflag:s8], $0x20  }
0x16b: {  	[sflag:s8] =	ssyncset.done $0x0  }
0x16c: {  	s15 =	rddreg [dreg:$0x12];
	[sflag:s8] =	ssyncadd.s32 $0xFFFFFFE0  }
0x16d: {  	[tilespmem:s14], [sflag:$0x3] =	stream.linear.gather [hbm4b:s15+s2], $0x8000, $0x38;
	[tilespmem:$0x10100] =	vst v63  }
0x16e: {  	v3 =	vld [tilespmem:$0x0];
	_ =	sdelay $0x4  }
0x16f: {  	v60 =	vshll.u32 v3, $0x3  }
0x170: {  	v3 =	vand.u32 $0x7, v3;
	v4 =	vand.u32 $0xFFFFFFC0, v60  }
0x171: {  	v3 =	vor.u32 v3, v4  }
0x172: {  	v4 =	vperm.xlane v3, v0;
	_ =	sdelay $0x1  }
0x173: {  	v4 =	vadd.s32 v1, v4;
	_ =	sdelay $0x4  }
0x174: {  	[hbm4b:s3+s2] =	stream.indirect_vreg.scatter [tilespmem:s12], [sflag:$0x1], $0x80, v4, vm0, $0xb8;
	[tilespmem:$0x10100] =	vst v63  }
0x175: {  	s24 =	simm.s32 $0x900;
	v3 =	vperm.xlane v3, v2  }
0x176: {  	[hbm4b:s4+s2] =	stream.indirect_vreg.scatter [tilespmem:s24], [sflag:$0x1], $0x80, v4, vm0, $0xb8;
	[tilespmem:$0x10100] =	vst v63  }
0x177: {  	s15 =	simm.s32 $0x1100;
	v3 =	vadd.s32 v1, v3  }
0x178: {  	[hbm4b:s5+s2] =	stream.indirect_vreg.scatter [tilespmem:s15], [sflag:$0x1], $0x80, v4, vm0, $0xb8;
	[tilespmem:$0x10100] =	vst v63  }
0x179: {  	s24 =	simm.s32 $0x1900  }
0x17a: {  	[hbm4b:s6+s2] =	stream.indirect_vreg.scatter [tilespmem:s24], [sflag:$0x1], $0x80, v4, vm0, $0xb8;
	[tilespmem:$0x10100] =	vst v63  }
0x17b: {  	s15 =	simm.s32 $0x2100  }
0x17c: {  	[hbm4b:s3+s2] =	stream.indirect_vreg.scatter [tilespmem:s15], [sflag:$0x1], $0x80, v3, vm0, $0xb8;
	[tilespmem:$0x10100] =	vst v63  }
0x17d: {  	s24 =	simm.s32 $0x2900  }
0x17e: {  	[hbm4b:s4+s2] =	stream.indirect_vreg.scatter [tilespmem:s24], [sflag:$0x1], $0x80, v3, vm0, $0xb8;
	[tilespmem:$0x10100] =	vst v63  }
0x17f: {  	s15 =	simm.s32 $0x3100  }
0x180: {  	[hbm4b:s5+s2] =	stream.indirect_vreg.scatter [tilespmem:s15], [sflag:$0x1], $0x80, v3, vm0, $0xb8;
	[tilespmem:$0x10100] =	vst v63  }
0x181: {  	s24 =	simm.s32 $0x3900  }
0x182: {  	[hbm4b:s6+s2] =	stream.indirect_vreg.scatter [tilespmem:s24], [sflag:$0x1], $0x80, v3, vm0, $0xb8;
	[tilespmem:$0x10100] =	vst v63  }
0x183: {  	v3 =	vld [tilespmem:$0x10];
	_ =	sdelay $0x4  }
0x184: {  	v61 =	vshll.u32 v3, $0x3  }
0x185: {  	v3 =	vand.u32 $0x7, v3;
	v4 =	vand.u32 $0xFFFFFFC0, v61  }
0x186: {  	v3 =	vor.u32 v3, v4  }
0x187: {  	v4 =	vperm.xlane v3, v0;
	_ =	sdelay $0x1  }
0x188: {  	v4 =	vadd.s32 v1, v4;
	_ =	sdelay $0x3  }
0x189: {  	s15 =	simm.s32 $0x4100  }
0x18a: {  	[hbm4b:s3+s2] =	stream.indirect_vreg.scatter [tilespmem:s15], [sflag:$0x1], $0x80, v4, vm0, $0xb8;
	[tilespmem:$0x10100] =	vst v63  }
0x18b: {  	s16 =	simm.s32 $0x4900;
	v3 =	vperm.xlane v3, v2  }
0x18c: {  	[hbm4b:s4+s2] =	stream.indirect_vreg.scatter [tilespmem:s16], [sflag:$0x1], $0x80, v4, vm0, $0xb8;
	[tilespmem:$0x10100] =	vst v63  }
0x18d: {  	s24 =	simm.s32 $0x5100;
	v3 =	vadd.s32 v1, v3  }
0x18e: {  	[hbm4b:s5+s2] =	stream.indirect_vreg.scatter [tilespmem:s24], [sflag:$0x1], $0x80, v4, vm0, $0xb8;
	[tilespmem:$0x10100] =	vst v63  }
0x18f: {  	s15 =	simm.s32 $0x5900  }
0x190: {  	[hbm4b:s6+s2] =	stream.indirect_vreg.scatter [tilespmem:s15], [sflag:$0x1], $0x80, v4, vm0, $0xb8;
	[tilespmem:$0x10100] =	vst v63  }
0x191: {  	s31 =	simm.s32 $0x6100  }
0x192: {  	[hbm4b:s3+s2] =	stream.indirect_vreg.scatter [tilespmem:s31], [sflag:$0x1], $0x80, v3, vm0, $0xb8;
	[tilespmem:$0x10100] =	vst v63  }
0x193: {  	s16 =	simm.s32 $0x6900  }
0x194: {  	[hbm4b:s4+s2] =	stream.indirect_vreg.scatter [tilespmem:s16], [sflag:$0x1], $0x80, v3, vm0, $0xb8;
	[tilespmem:$0x10100] =	vst v63  }
0x195: {  	s24 =	simm.s32 $0x7100  }
0x196: {  	[hbm4b:s5+s2] =	stream.indirect_vreg.scatter [tilespmem:s24], [sflag:$0x1], $0x80, v3, vm0, $0xb8;
	[tilespmem:$0x10100] =	vst v63  }
0x197: {  	s31 =	simm.s32 $0x7900  }
0x198: {  	[hbm4b:s6+s2] =	stream.indirect_vreg.scatter [tilespmem:s31], [sflag:$0x1], $0x80, v3, vm0, $0xb8;
	[tilespmem:$0x10100] =	vst v63  }
0x199: {  	_ =	swait.ge [sflag:s10], $0x8000  }
0x19a: {  	[sflag:s10] =	ssyncset.done $0x0  }
0x19b: {  	[sflag:s10] =	ssyncadd.s32 $0xFFFF8000  }
0x19c: {  	v3 =	vld [tilespmem:$0x80];
	_ =	sdelay $0x4  }
0x19d: {  	v62 =	vshll.u32 v3, $0x3  }
0x19e: {  	v3 =	vand.u32 $0x7, v3;
	v4 =	vand.u32 $0xFFFFFFC0, v62  }
0x19f: {  	v3 =	vor.u32 v3, v4  }
0x1a0: {  	v4 =	vperm.xlane v3, v0;
	_ =	sdelay $0x1  }
0x1a1: {  	v4 =	vadd.s32 v1, v4;
	_ =	sdelay $0x4  }
0x1a2: {  	[hbm4b:s3+s2] =	stream.indirect_vreg.scatter [tilespmem:s14], [sflag:$0x2], $0x80, v4, vm0, $0xb8;
	[tilespmem:$0x10100] =	vst v63  }
0x1a3: {  	s22 =	simm.s32 $0x8900;
	v3 =	vperm.xlane v3, v2  }
0x1a4: {  	[hbm4b:s4+s2] =	stream.indirect_vreg.scatter [tilespmem:s22], [sflag:$0x2], $0x80, v4, vm0, $0xb8;
	[tilespmem:$0x10100] =	vst v63  }
0x1a5: {  	v3 =	vadd.s32 v1, v3  }
0x1a6: {  	[hbm4b:s5+s2] =	stream.indirect_vreg.scatter [tilespmem:s0], [sflag:$0x2], $0x80, v4, vm0, $0xb8;
	[tilespmem:$0x10100] =	vst v63  }
0x1a7: {  	s26 =	simm.s32 $0x9900  }
0x1a8: {  	[hbm4b:s6+s2] =	stream.indirect_vreg.scatter [tilespmem:s26], [sflag:$0x2], $0x80, v4, vm0, $0xb8;
	[tilespmem:$0x10100] =	vst v63  }
0x1a9: {  	s28 =	simm.s32 $0xA100  }
0x1aa: {  	[hbm4b:s3+s2] =	stream.indirect_vreg.scatter [tilespmem:s28], [sflag:$0x2], $0x80, v3, vm0, $0xb8;
	[tilespmem:$0x10100] =	vst v63  }
0x1ab: {  	s18 =	simm.s32 $0xA900  }
0x1ac: {  	[hbm4b:s4+s2] =	stream.indirect_vreg.scatter [tilespmem:s18], [sflag:$0x2], $0x80, v3, vm0, $0xb8;
	[tilespmem:$0x10100] =	vst v63  }
0x1ad: {  	s17 =	simm.s32 $0xB100  }
0x1ae: {  	[hbm4b:s5+s2] =	stream.indirect_vreg.scatter [tilespmem:s17], [sflag:$0x2], $0x80, v3, vm0, $0xb8;
	[tilespmem:$0x10100] =	vst v63  }
0x1af: {  	_ = 	snop  }
0x1b0: {  	[hbm4b:s6+s2] =	stream.indirect_vreg.scatter [tilespmem:s25], [sflag:$0x2], $0x80, v3, vm0, $0xb8;
	[tilespmem:$0x10100] =	vst v63  }
0x1b1: {  	v3 =	vld [tilespmem:$0x90];
	_ =	sdelay $0x4  }
0x1b2: {  	v63 =	vshll.u32 v3, $0x3  }
0x1b3: {  	v3 =	vand.u32 $0x7, v3;
	v4 =	vand.u32 $0xFFFFFFC0, v63  }
0x1b4: {  	v3 =	vor.u32 v3, v4  }
0x1b5: {  	v4 =	vperm.xlane v3, v0;
	_ =	sdelay $0x1  }
0x1b6: {  	v4 =	vadd.s32 v1, v4;
	_ =	sdelay $0x4  }
0x1b7: {  	[hbm4b:s3+s2] =	stream.indirect_vreg.scatter [tilespmem:s9], [sflag:$0x2], $0x80, v4, vm0, $0xb8;
	[tilespmem:$0x10100] =	vst v63  }
0x1b8: {  	v3 =	vperm.xlane v3, v2  }
0x1b9: {  	[hbm4b:s4+s2] =	stream.indirect_vreg.scatter [tilespmem:s11], [sflag:$0x2], $0x80, v4, vm0, $0xb8;
	[tilespmem:$0x10100] =	vst v63  }
0x1ba: {  	s19 =	simm.s32 $0xD100;
	v3 =	vadd.s32 v1, v3  }
0x1bb: {  	[hbm4b:s5+s2] =	stream.indirect_vreg.scatter [tilespmem:s19], [sflag:$0x2], $0x80, v4, vm0, $0xb8;
	[tilespmem:$0x10100] =	vst v63  }
0x1bc: {  	s20 =	simm.s32 $0xD900  }
0x1bd: {  	[hbm4b:s6+s2] =	stream.indirect_vreg.scatter [tilespmem:s20], [sflag:$0x2], $0x80, v4, vm0, $0xb8;
	[tilespmem:$0x10100] =	vst v63  }
0x1be: {  	s21 =	simm.s32 $0xE100  }
0x1bf: {  	[hbm4b:s3+s2] =	stream.indirect_vreg.scatter [tilespmem:s21], [sflag:$0x2], $0x80, v3, vm0, $0xb8;
	[tilespmem:$0x10100] =	vst v63  }
0x1c0: {  	_ = 	snop  }
0x1c1: {  	[hbm4b:s4+s2] =	stream.indirect_vreg.scatter [tilespmem:s30], [sflag:$0x2], $0x80, v3, vm0, $0xb8;
	[tilespmem:$0x10100] =	vst v63  }
0x1c2: {  	_ = 	snop  }
0x1c3: {  	[hbm4b:s5+s2] =	stream.indirect_vreg.scatter [tilespmem:s1], [sflag:$0x2], $0x80, v3, vm0, $0xb8;
	[tilespmem:$0x10100] =	vst v63  }
0x1c4: {  	_ = 	snop  }
0x1c5: {  	[hbm4b:s6+s2] =	stream.indirect_vreg.scatter [tilespmem:s13], [sflag:$0x2], $0x80, v3, vm0, $0xb8;
	[tilespmem:$0x10100] =	vst v63  }
0x1c6: {  	p0 =	sne.s32 s7, $0x1;
	_ =	swait.ge [sflag:s29], $0x8000  }
.Ltmp0:
0x1c7: {  	[sflag:s29] =	ssyncset.done $0x0;
	(pc) =	sbr.rel @p0 .LBB2_1-.Ltmp0, $4  }
0x1c8: {  	[sflag:s29] =	ssyncadd.s32 $0xFFFF8000  }
0x1c9: {  	_ =	swait.ge [sflag:s23], $0x8000  }
0x1ca: {  	[sflag:s23] =	ssyncset.done $0x0  }
0x1cb: {  	s7 =	sadd.s32 $0xFFFFFFFF, s7;
	[sflag:s23] =	ssyncadd.s32 $0xFFFF8000  }
0x1cc: {  	_ =	sfence.sel $0x180000  }
0x1cd: {  	[bflag:$0x0] =	sbarrier.arrive $0xFFFF  }
0x1ce: {  	_ =	strace $0x90000047  }
0x1cf: {  	s0 =	stileid.u32;
	[bflag:$0x2] =	sbarrier.arrive $0xFFFF  }
0x1d0: {  	p0 =	sne.s32 s0, $0x0;
	s0 =	rddreg [dreg:$0x2]  }
0x1d1: {  	s0 =	sadd.s32 @!p0 $0x100000, s0  }
0x1d2: {  	[sflag:s0] =	ssyncadd.tile.s32 @!p0 $0x1;
	_ =	shalt  }
.Lfunc_end2:
_tile_overlayer_lowered:
.L_overlay_start_2:
0x1d3: {  	(tag) =	ssettag $0x2  }
0x1d4: {  	s0 =	rddreg [dreg:$0x0];
	s2 =	stileid.u32  }
0x1d5: {  	s1 =	rddreg [dreg:$0x1];
	p0 =	sne.s32 s2, $0x0  }
0x1d6: {  	s3 =	rddreg [dreg:$0x2];
	[bflag:$0x3] =	sbarrier.arrive $0xFFFF;
	s2 =	simm.s32 @!p0 $0x1C04  }
0x1d7: {  	[timem:s3], [sflag:s2] =	dma.local @!p0 [hbm:s0], s1  }
0x1d8: {  	s0 =	simm.s32 @!p0 $0x4  }
0x1d9: {  	_ =	swait.ge @!p0 [sflag:s0], s1  }
0x1da: {  	s1 =	ssub.s32 @!p0 $0x0, s1;
	[sflag:s0] =	ssyncset.done @!p0 $0x0  }
0x1db: {  	[sflag:s0] =	ssyncadd.s32 @!p0 s1  }
0x1dc: {  	[bflag:$0x3] =	sbarrier.arrive $0xFFFF  }
0x1dd: {  	_ =	shalt  }

// kernel: kernel.8.cloned.1.call-start
scs
__scs_entry_jumppad:
0x0: {  	(pc) =	sbr.rel $0x88, $3  }
0x1: {  	(tag) =	ssettag $0x0;
	lr =	simm.s32 $0x1  }
0x2: {  	[smem:$0x3F9B] =	sst lr;
	_ =	strace $0xD0000000  }
0x3: {  	_ = 	snop  }
0x4: {  	_ = 	snop  }
0x5: {  	_ = 	snop  }
0x6: {  	_ = 	snop  }
0x7: {  	_ = 	snop  }
__scs_overlays_trampoline_lowered:
0x8: {  	[smem:$0x3FAA] =	sst s0  }
0x9: {  	[smem:$0x3FAB] =	sst s1  }
0xa: {  	[smem:$0x3FAC] =	sst s2  }
0xb: {  	[smem:$0x3FAD] =	sst s3  }
0xc: {  	[smem:$0x3FAE] =	sst s4  }
0xd: {  	[smem:$0x3FAF] =	sst s5  }
0xe: {  	[smem:$0x3FB0] =	sst s6  }
0xf: {  	[smem:$0x3FB1] =	sst s7  }
0x10: {  	[smem:$0x3FB2] =	sst s8  }
0x11: {  	[smem:$0x3FB3] =	sst s9;
	s0 =	simm.s32 @!p0 $0x0  }
0x12: {  	s1 =	sld [smem:$0x3F99];
	s0 =	simm.s32 @p0 $0x1  }
0x13: {  	[smem:$0x3FB4] =	sst s0;
	s0 =	simm.s32 @!p1 $0x0  }
0x14: {  	s2 =	sld [smem:$0x3F98];
	s0 =	simm.s32 @p1 $0x1  }
0x15: {  	[smem:$0x3FB5] =	sst s0;
	s0 =	simm.s32 @!p2 $0x0  }
0x16: {  	s3 =	sld [smem:$0x3FDB];
	s0 =	simm.s32 @p2 $0x1  }
0x17: {  	s4 =	simm.s32 $0x1BF5;
	[smem:$0x3FB7] =	sst s0  }
0x18: {  	s0 =	sld [smem:$0x3F9A];
	_ =	swait.ge [sflag:s4], $0x0  }
0x19: {  	s7 =	sld [smem:$0x3F9B]  }
0x1a: {  	s8 =	sadd.s32 $0xFFFFE003, lr  }
0x1b: {  	s9 =	sadd.s32 $0xFFFFFEF7, lr;
	s5 =	simm.s32 $0xFFFFFFFF;
	p2 =	slt.u32 s8, $0xFFFFF086  }
0x1c: {  	p1 =	slt.u32 s9, $0xF7A;
	s5 =	simm.s32 @!p2 $0x0  }
0x1d: {  	s5 =	simm.s32 @p1 $0x1;
	p0 =	seq.s32 s7, s2  }
0x1e: {  	s7 =	smul.u32 @!p0 $0xF7A, s2;
	p2 =	seq.s32 @!p0 s5, $0x0  }
0x1f: {  	s9 =	smul.u32 $0xF7A, s1;
	s8 =	simm.s32 @!p0 $0x1BF5;
	p2 =	por !p2, p0  }
0x20: {  	[sflag:s8] =	ssyncset.s32 @!p0 $0xFFFFF086;
	s6 =	sadd.s32 @!p0 s3, s7;
	s7 =	simm.s32 @!p0 $0x108  }
0x21: {  	s3 =	sadd.s32 s3, s9;
	s6 =	sadd.s32 @!p0 $0x88, s6;
	s7 =	simm.s32 @p2 $0x1082  }
0x22: {  	[simem:s7], [sflag:s8] =	dma.local @!p0 [hbm:s6], $0xF7A  }
0x23: {  	s9 =	sor.u32 $0xD0000000, s2;
	s6 =	simm.s32 $0x108;
	_ =	swait.ge @!p0 [sflag:s8], $0x0  }
0x24: {  	s3 =	sadd.s32 $0x88, s3;
	s6 =	simm.s32 @!p1 $0x1082;
	[sflag:s4] =	ssyncset.s32 $0xFFFFF086  }
0x25: {  	[simem:s6], [sflag:s4] =	dma.local [hbm:s3], $0xF7A  }
0x26: {  	[smem:$0x3F9B] =	sst s1;
	(tag) =	ssettag s2;
	_ =	strace s9  }
0x27: {  	s1 =	sld [smem:$0x3FAB]  }
0x28: {  	s2 =	sld [smem:$0x3FAC]  }
0x29: {  	s4 =	sld [smem:$0x3FAE]  }
0x2a: {  	p0 =	seq.s32 s5, $0x0;
	s5 =	sld [smem:$0x3FAF]  }
0x2b: {  	s6 =	sld [smem:$0x3FB0]  }
0x2c: {  	s7 =	sld [smem:$0x3FB1]  }
0x2d: {  	s3 =	simm.s32 $0x108;
	s8 =	sld [smem:$0x3FB2]  }
0x2e: {  	s3 =	simm.s32 @!p0 $0x1082;
	s9 =	sld [smem:$0x3FB3]  }
0x2f: {  	lr =	sadd.s32 s0, s3;
	s0 =	sld [smem:$0x3FAA]  }
0x30: {  	s3 =	sld [smem:$0x3FAD]  }
0x31: {  	[smem:$0x3FB6] =	sst s10  }
0x32: {  	s10 =	sld [smem:$0x3FB4];
	_ =	sdelay $0x3  }
0x33: {  	p0 =	seq.s32 s10, $0x1;
	s10 =	sld [smem:$0x3FB6];
	_ =	sdelay $0x3  }
0x34: {  	[smem:$0x3FB6] =	sst s10  }
0x35: {  	s10 =	sld [smem:$0x3FB5];
	_ =	sdelay $0x3  }
0x36: {  	p1 =	seq.s32 s10, $0x1;
	s10 =	sld [smem:$0x3FB6];
	_ =	sdelay $0x3  }
0x37: {  	[smem:$0x3FB6] =	sst s10  }
0x38: {  	s10 =	sld [smem:$0x3FB7]  }
0x39: {  	_ = 	snop;
	(pc) =	sbr.ind lr, $3  }
0x3a: {  	_ = 	snop  }
0x3b: {  	_ = 	snop  }
0x3c: {  	p2 =	seq.s32 s10, $0x1;
	s10 =	sld [smem:$0x3FB6]  }
0x3d: {  	_ =	shalt  }
0x3e: {  	_ =	shalt  }
0x3f: {  	_ =	shalt  }
0x40: {  	_ =	shalt  }
0x41: {  	_ =	shalt  }
0x42: {  	_ =	shalt  }
0x43: {  	_ =	shalt  }
0x44: {  	_ =	shalt  }
0x45: {  	_ =	shalt  }
0x46: {  	_ =	shalt  }
0x47: {  	_ =	shalt  }
0x48: {  	_ =	shalt  }
0x49: {  	_ =	shalt  }
0x4a: {  	_ =	shalt  }
0x4b: {  	_ =	shalt  }
0x4c: {  	_ =	shalt  }
0x4d: {  	_ =	shalt  }
0x4e: {  	_ =	shalt  }
0x4f: {  	_ =	shalt  }
0x50: {  	_ =	shalt  }
0x51: {  	_ =	shalt  }
0x52: {  	_ =	shalt  }
0x53: {  	_ =	shalt  }
0x54: {  	_ =	shalt  }
0x55: {  	_ =	shalt  }
0x56: {  	_ =	shalt  }
0x57: {  	_ =	shalt  }
0x58: {  	_ =	shalt  }
0x59: {  	_ =	shalt  }
0x5a: {  	_ =	shalt  }
0x5b: {  	_ =	shalt  }
0x5c: {  	_ =	shalt  }
0x5d: {  	_ =	shalt  }
0x5e: {  	_ =	shalt  }
0x5f: {  	_ =	shalt  }
0x60: {  	_ =	shalt  }
0x61: {  	_ =	shalt  }
0x62: {  	_ =	shalt  }
0x63: {  	_ =	shalt  }
0x64: {  	_ =	shalt  }
0x65: {  	_ =	shalt  }
0x66: {  	_ =	shalt  }
0x67: {  	_ =	shalt  }
0x68: {  	_ =	shalt  }
0x69: {  	_ =	shalt  }
0x6a: {  	_ =	shalt  }
0x6b: {  	_ =	shalt  }
0x6c: {  	_ =	shalt  }
0x6d: {  	_ =	shalt  }
0x6e: {  	_ =	shalt  }
0x6f: {  	_ =	shalt  }
0x70: {  	_ =	shalt  }
0x71: {  	_ =	shalt  }
0x72: {  	_ =	shalt  }
0x73: {  	_ =	shalt  }
0x74: {  	_ =	shalt  }
0x75: {  	_ =	shalt  }
0x76: {  	_ =	shalt  }
0x77: {  	_ =	shalt  }
0x78: {  	_ =	shalt  }
0x79: {  	_ =	shalt  }
0x7a: {  	_ =	shalt  }
0x7b: {  	_ =	shalt  }
0x7c: {  	_ =	shalt  }
0x7d: {  	_ =	shalt  }
0x7e: {  	_ =	shalt  }
0x7f: {  	_ =	shalt  }
0x80: {  	_ =	shalt  }
0x81: {  	_ =	shalt  }
0x82: {  	_ =	shalt  }
0x83: {  	_ =	shalt  }
0x84: {  	_ =	shalt  }
0x85: {  	_ =	shalt  }
0x86: {  	_ =	shalt  }
0x87: {  	_ =	shalt  }
.Lfunc_end0:
.L_simem_size_0:
called_computation.1_lowered:
.L_overlay_start_0:
0x88: {  	s2 =	sld [smem:$0x3FD9]  }
0x89: {  	s3 =	sld [smem:$0x3FFE];
	_ =	sdelay $0x1  }
0x8a: {  	s1 =	srdreg.scid  }
0x8b: {  	s0 =	sand.u32 $0x1, s1  }
0x8c: {  	s17 =	sshll.u32 s0, $0xA;
	s2 =	sadd.s32 s3, s2  }
0x8d: {  	s2 =	sadd.s32 s2, s17  }
0x8e: {  	[smem:$0x3FC2] =	sst s2  }
0x8f: {  	_ = 	snop  }
0x90: {  	s2 =	sld [smem:$0x3FD0];
	(tm) =	ssettm $0x1  }
0x91: {  	s18 =	sld [smem:$0x3FFB];
	_ =	sdelay $0x3  }
0x92: {  	_ =	strace s18  }
0x93: {  	s3 =	sld [smem:$0x3FFC];
	_ =	sdelay $0x3  }
0x94: {  	_ =	strace s3  }
0x95: {  	s3 =	sld [smem:$0x3FFD];
	_ =	sdelay $0x3  }
0x96: {  	_ =	strace s3  }
0x97: {  	_ =	strace $0x8FFFFFFF  }
0x98: {  	s19 =	sld [smem:$0x3FDB];
	_ =	sdelay $0x1  }
0x99: {  	s4 =	simm.s32 $_scs_section_size  }
0x9a: {  	s5 =	simm.s32 $_size__tile_overlayer_lowered;
	s6 =	simm.s32 $_tile_overlayer_lowered  }
0x9b: {  	s22 =	simm.s32 $0x1BFF;
	s21 =	sshll.u32 s6, $0x1;
	s3 =	sadd.s32 s4, s19  }
0x9c: {  	s7 =	simm.s32 $0x0;
	s20 =	sshll.u32 s5, $0x1;
	s5 =	sadd.s32 s21, s3  }
0x9d: {  	[timem:s7], [sflag:s22] =	dma.local [hbm:s5], s20  }
0x9e: {  	_ =	swait.ge [sflag:s22], s20  }
0x9f: {  	s4 =	ssub.s32 $0x0, s20;
	[sflag:s22] =	ssyncset.done $0x0  }
0xa0: {  	[sflag:s22] =	ssyncadd.s32 s4;
	_ =	sdelay $0x1  }
0xa1: {  	s23 =	simm.s32 $0x1B8B  }
0xa2: {  	_ =	swait.ge [sflag:s23], $0x1  }
0xa3: {  	[sflag:s23] =	ssyncset.done $0x0  }
0xa4: {  	s25 =	simm.s32 $0x1B8E;
	s24 =	sld [smem:$0x3FFE];
	[sflag:s23] =	ssyncadd.s32 $0xFFFFFFFF  }
0xa5: {  	s26 =	simm.s32 $execute0_lowered;
	[smem:$0x3FD2] =	sst s25  }
0xa6: {  	s5 =	sshll.u32 s26, $0x1;
	_ =	strace $0x80000049;
	[dreg:$0x1] =	wrdreg $0xFFFFFFFF  }
0xa7: {  	s28 =	simm.s32 $_size_execute0_lowered;
	s3 =	sadd.s32 s3, s5;
	[dreg:$0x0] =	wrdreg $0x0  }
0xa8: {  	s5 =	sshll.u32 s28, $0x1;
	[dreg:$0x2] =	wrdreg s3  }
0xa9: {  	[dreg:$0x3] =	wrdreg s5  }
0xaa: {  	[dreg:$0x4] =	wrdreg $0xC0  }
0xab: {  	_ =	task [dreg:s7], $0x5FFFF  }
0xac: {  	[dreg:$0x1] =	wrdreg $0xFFFFFFFF  }
0xad: {  	[dreg:$0x0] =	wrdreg $0x60  }
0xae: {  	[dreg:$0x2] =	wrdreg s24  }
0xaf: {  	[dreg:$0x3] =	wrdreg s2  }
0xb0: {  	[dreg:$0x4] =	wrdreg $0x9  }
0xb1: {  	_ =	task.clear_ibuf [dreg:s7], $0x5FFFF;
	_ =	strace $0x90000049  }
0xb2: {  	s29 =	simm.s32 $0x9;
	_ =	strace $0x8000004B  }
0xb3: {  	_ =	swait.ge [sflag:s29], $0x1  }
0xb4: {  	[sflag:s29] =	ssyncadd.s32 $0xFFFFFFFF  }
0xb5: {  	_ =	strace $0x9000004B  }
0xb6: {  	_ =	sfence  }
0xb7: {  	s30 =	sld [smem:$0x0];
	_ =	sdelay $0x2  }
0xb8: {  	s31 =	sshll.u32 s1, $0xD;
	s1 =	sshrl.u32 s1, $0x2  }
0xb9: {  	s3 =	sand.u32 $0x4000, s31;
	s1 =	sadd.s32 s1, s30  }
0xba: {  	s0 =	sor.u32 s3, s0;
	s1 =	sshll.u32 s1, $0x11  }
0xbb: {  	s0 =	sor.u32 s1, s0  }
0xbc: {  	s0 =	sadd.s32 $0x8F2B, s0  }
0xbd: {  	[sflag:s0] =	ssyncadd.remote.s32 $0x1  }
0xbe: {  	_ =	sfence.sel $0xFFFF  }
0xbf: {  	[dreg:$0x0] =	wrdreg $0xFFFFFFFF;
	(pc) =	sbr.abs _section_cstart, $3  }
0xc0: {  	[dreg:$0x1] =	wrdreg $0xFFFFFFFF  }
0xc1: {  	_ =	task.clear_ibuf [dreg:s7], $0x2FFFF;
	_ =	strace $0x9FFFFFFF  }
0xc2: {  	(tm) =	ssettm $0x7FFFFFFF  }
0xc3: {  	_ =	shalt  }
tec
execute0_lowered:
.L_overlay_start_1:
0x0: {  	(tag) =	ssettag $0x1  }
0x1: {  	s0 =	rddreg [dreg:$0x0]  }
0x2: {  	s1 =	rddreg [dreg:$0x1]  }
0x3: {  	s3 =	srdreg.scid;
	s2 =	simm.s32 $0x0;
	s5 =	stileid.u32  }
0x4: {  	s30 =	simm.s32 $0x100;
	s4 =	sand.u32 $0x1, s3;
	[smem:$0x7FF] =	sst s2  }
0x5: {  	s5 =	sshll.u32 s5, $0x9;
	s3 =	sadd.s32 $0x240A00, s0;
	s6 =	sshll.u32 s4, $0x8  }
0x6: {  	_ =	strace $0x8000004A;
	s4 =	ssub.s32 $0x2, s4;
	s5 =	sor.u32 s6, s5  }
0x7: {  	s6 =	sadd.s32 $0x600, s0;
	s10 =	sshrl.u32 s4, $0x1;
	s7 =	sshrl.u32 s5, $0x3  }
0x8: {  	s8 =	sor.u32 $0x20, s5;
	s24 =	sshll.u32 s5, $0x7;
	s26 =	sor.u32 $0x40, s5  }
0x9: {  	s11 =	sor.u32 $0x60, s5;
	s14 =	sor.u32 $0x80, s5;
	s15 =	ssub.s32 s4, s10  }
0xa: {  	s18 =	sor.u32 $0xA0, s5;
	s7 =	sadd.s32 s6, s7;
	s9 =	sshrl.u32 s8, $0x3  }
0xb: {  	s25 =	sadd.s32 s1, s24;
	s28 =	sshrl.u32 s26, $0x3;
	[dreg:$0x3] =	wrdreg s7  }
0xc: {  	s8 =	sshll.u32 s8, $0x7;
	s23 =	sadd.s32 s6, s9;
	[dreg:$0x5] =	wrdreg s25  }
0xd: {  	s31 =	sshrl.u32 s11, $0x3;
	s7 =	sadd.s32 s6, s28;
	[dreg:$0x4] =	wrdreg s23  }
0xe: {  	s12 =	sshll.u32 s26, $0x7;
	s29 =	sadd.s32 s1, s8;
	[dreg:$0x6] =	wrdreg s7  }
0xf: {  	s16 =	sshrl.u32 s14, $0x3;
	s8 =	sadd.s32 s6, s31;
	[dreg:$0x7] =	wrdreg s29  }
0x10: {  	s17 =	sshll.u32 s11, $0x7;
	s13 =	sadd.s32 s1, s12;
	[dreg:$0x8] =	wrdreg s8  }
0x11: {  	s20 =	sshrl.u32 s18, $0x3;
	s4 =	sadd.s32 s6, s16;
	[dreg:$0x9] =	wrdreg s13  }
0x12: {  	s22 =	sshll.u32 s14, $0x7;
	s19 =	sadd.s32 s1, s17;
	[dreg:$0xa] =	wrdreg s4  }
0x13: {  	s10 =	sshll.u32 s18, $0x7;
	s21 =	sadd.s32 s6, s20;
	[dreg:$0xb] =	wrdreg s19  }
0x14: {  	s25 =	sadd.s32 s1, s10;
	s20 =	simm.s32 $0x2;
	[dreg:$0xc] =	wrdreg s21  }
0x15: {  	s7 =	sadd.s32 s1, s22;
	s23 =	sor.u32 $0xC0, s5;
	s4 =	sadd.s32 $0x240B00, s0  }
0x16: {  	s5 =	sor.u32 $0xE0, s5;
	[dreg:$0xf] =	wrdreg s25;
	s8 =	simm.s32 $0x3  }
0x17: {  	s19 =	simm.s32 $0x1;
	[dreg:$0xd] =	wrdreg s7;
	s24 =	sshrl.u32 s23, $0x3  }
0x18: {  	s26 =	sshrl.u32 s5, $0x3;
	s28 =	sshll.u32 s23, $0x7;
	s7 =	sadd.s32 s6, s24  }
0x19: {  	s31 =	sshll.u32 s5, $0x7;
	s6 =	sadd.s32 s6, s26;
	[dreg:$0xe] =	wrdreg s7  }
0x1a: {  	v2 =	vlaneseq.u32;
	s5 =	sadd.s32 $0x240C00, s0;
	s29 =	sadd.s32 s1, s28;
	[dreg:$0x10] =	wrdreg s6  }
0x1b: {  	vm0 =	vmmov $0xffff;
	v1 =	vshrl.u32 v2, $0x3;
	s1 =	sadd.s32 s1, s31;
	s26 =	simm.s32 $0x8100;
	[dreg:$0x11] =	wrdreg s29  }
0x1c: {  	v0 =	vand.u32 $0x7, v2;
	v2 =	vor.u32 $0x8, v2;
	v1 =	vmul.u32 $0x8, v1;
	s6 =	sadd.s32 $0x240D00, s0;
	[dreg:$0x12] =	wrdreg s1;
	s7 =	smax.u32 s15, $0x1  }
.LBB2_1:
0x1d: {  	s21 =	rddreg [dreg:$0x3]  }
0x1e: {  	[tilespmem:s2], [sflag:$0x3] =	stream.linear.gather [hbm4b:s21+s2], $0x20, $0x38;
	[tilespmem:$0x10100] =	vst v63  }
0x1f: {  	_ =	swait.ge [sflag:s8], $0x20  }
0x20: {  	[sflag:s8] =	ssyncset.done $0x0  }
0x21: {  	[sflag:s8] =	ssyncadd.s32 $0xFFFFFFE0  }
0x22: {  	v3 =	vld [tilespmem:$0x0];
	_ =	sdelay $0x4  }
0x23: {  	v4 =	vshll.u32 v3, $0x3  }
0x24: {  	v3 =	vand.u32 $0x7, v3;
	v4 =	vand.u32 $0xFFFFFFC0, v4  }
0x25: {  	v3 =	vor.u32 v3, v4  }
0x26: {  	v4 =	vperm.xlane v3, v0;
	_ =	sdelay $0x1  }
0x27: {  	v4 =	vadd.s32 v1, v4;
	_ =	sdelay $0x4  }
0x28: {  	[tilespmem:s30], [sflag:$0x1] =	stream.indirect_vreg.gather [hbm4b:s3+s2], $0x80, v4, vm0, $0xb8;
	[tilespmem:$0x10100] =	vst v63  }
0x29: {  	s0 =	simm.s32 $0x900;
	v3 =	vperm.xlane v3, v2  }
0x2a: {  	[tilespmem:s0], [sflag:$0x1] =	stream.indirect_vreg.gather [hbm4b:s4+s2], $0x80, v4, vm0, $0xb8;
	[tilespmem:$0x10100] =	vst v63  }
0x2b: {  	s9 =	simm.s32 $0x1100;
	v3 =	vadd.s32 v1, v3  }
0x2c: {  	[tilespmem:s9], [sflag:$0x1] =	stream.indirect_vreg.gather [hbm4b:s5+s2], $0x80, v4, vm0, $0xb8;
	[tilespmem:$0x10100] =	vst v63  }
0x2d: {  	s11 =	simm.s32 $0x1900  }
0x2e: {  	[tilespmem:s11], [sflag:$0x1] =	stream.indirect_vreg.gather [hbm4b:s6+s2], $0x80, v4, vm0, $0xb8;
	[tilespmem:$0x10100] =	vst v63  }
0x2f: {  	s12 =	simm.s32 $0x2100  }
0x30: {  	[tilespmem:s12], [sflag:$0x1] =	stream.indirect_vreg.gather [hbm4b:s3+s2], $0x80, v3, vm0, $0xb8;
	[tilespmem:$0x10100] =	vst v63  }
0x31: {  	s13 =	simm.s32 $0x2900  }
0x32: {  	[tilespmem:s13], [sflag:$0x1] =	stream.indirect_vreg.gather [hbm4b:s4+s2], $0x80, v3, vm0, $0xb8;
	[tilespmem:$0x10100] =	vst v63  }
0x33: {  	s14 =	simm.s32 $0x3100  }
0x34: {  	[tilespmem:s14], [sflag:$0x1] =	stream.indirect_vreg.gather [hbm4b:s5+s2], $0x80, v3, vm0, $0xb8;
	[tilespmem:$0x10100] =	vst v63  }
0x35: {  	s15 =	simm.s32 $0x3900  }
0x36: {  	[tilespmem:s15], [sflag:$0x1] =	stream.indirect_vreg.gather [hbm4b:s6+s2], $0x80, v3, vm0, $0xb8;
	[tilespmem:$0x10100] =	vst v63  }
0x37: {  	v3 =	vld [tilespmem:$0x10];
	_ =	sdelay $0x4  }
0x38: {  	v49 =	vshll.u32 v3, $0x3  }
0x39: {  	v3 =	vand.u32 $0x7, v3;
	v4 =	vand.u32 $0xFFFFFFC0, v49  }
0x3a: {  	v3 =	vor.u32 v3, v4  }
0x3b: {  	v4 =	vperm.xlane v3, v0;
	_ =	sdelay $0x1  }
0x3c: {  	v4 =	vadd.s32 v1, v4;
	_ =	sdelay $0x3  }
0x3d: {  	s16 =	simm.s32 $0x4100  }
0x3e: {  	[tilespmem:s16], [sflag:$0x1] =	stream.indirect_vreg.gather [hbm4b:s3+s2], $0x80, v4, vm0, $0xb8;
	[tilespmem:$0x10100] =	vst v63  }
0x3f: {  	s17 =	simm.s32 $0x4900;
	v3 =	vperm.xlane v3, v2  }
0x40: {  	[tilespmem:s17], [sflag:$0x1] =	stream.indirect_vreg.gather [hbm4b:s4+s2], $0x80, v4, vm0, $0xb8;
	[tilespmem:$0x10100] =	vst v63  }
0x41: {  	s18 =	simm.s32 $0x5100;
	v3 =	vadd.s32 v1, v3  }
0x42: {  	[tilespmem:s18], [sflag:$0x1] =	stream.indirect_vreg.gather [hbm4b:s5+s2], $0x80, v4, vm0, $0xb8;
	[tilespmem:$0x10100] =	vst v63  }
0x43: {  	s21 =	simm.s32 $0x5900  }
0x44: {  	[tilespmem:s21], [sflag:$0x1] =	stream.indirect_vreg.gather [hbm4b:s6+s2], $0x80, v4, vm0, $0xb8;
	[tilespmem:$0x10100] =	vst v63  }
0x45: {  	s22 =	simm.s32 $0x6100  }
0x46: {  	[tilespmem:s22], [sflag:$0x1] =	stream.indirect_vreg.gather [hbm4b:s3+s2], $0x80, v3, vm0, $0xb8;
	[tilespmem:$0x10100] =	vst v63  }
0x47: {  	s23 =	simm.s32 $0x6900  }
0x48: {  	[tilespmem:s23], [sflag:$0x1] =	stream.indirect_vreg.gather [hbm4b:s4+s2], $0x80, v3, vm0, $0xb8;
	[tilespmem:$0x10100] =	vst v63  }
0x49: {  	s24 =	simm.s32 $0x7100  }
0x4a: {  	[tilespmem:s24], [sflag:$0x1] =	stream.indirect_vreg.gather [hbm4b:s5+s2], $0x80, v3, vm0, $0xb8;
	[tilespmem:$0x10100] =	vst v63  }
0x4b: {  	s28 =	simm.s32 $0x7900  }
0x4c: {  	[tilespmem:s28], [sflag:$0x1] =	stream.indirect_vreg.gather [hbm4b:s6+s2], $0x80, v3, vm0, $0xb8;
	[tilespmem:$0x10100] =	vst v63  }
0x4d: {  	s29 =	simm.s32 $0x80;
	s25 =	rddreg [dreg:$0x4]  }
0x4e: {  	[tilespmem:s29], [sflag:$0x3] =	stream.linear.gather [hbm4b:s25+s2], $0x20, $0x38;
	[tilespmem:$0x10100] =	vst v63  }
0x4f: {  	_ =	swait.ge [sflag:s8], $0x20  }
0x50: {  	[sflag:s8] =	ssyncset.done $0x0  }
0x51: {  	[sflag:s8] =	ssyncadd.s32 $0xFFFFFFE0  }
0x52: {  	v3 =	vld [tilespmem:$0x80];
	_ =	sdelay $0x4  }
0x53: {  	v50 =	vshll.u32 v3, $0x3  }
0x54: {  	v3 =	vand.u32 $0x7, v3;
	v4 =	vand.u32 $0xFFFFFFC0, v50  }
0x55: {  	v3 =	vor.u32 v3, v4  }
0x56: {  	v4 =	vperm.xlane v3, v0;
	_ =	sdelay $0x1  }
0x57: {  	v4 =	vadd.s32 v1, v4;
	_ =	sdelay $0x4  }
0x58: {  	[tilespmem:s26], [sflag:$0x2] =	stream.indirect_vreg.gather [hbm4b:s3+s2], $0x80, v4, vm0, $0xb8;
	[tilespmem:$0x10100] =	vst v63  }
0x59: {  	s31 =	simm.s32 $0x8900;
	v3 =	vperm.xlane v3, v2  }
0x5a: {  	[tilespmem:s31], [sflag:$0x2] =	stream.indirect_vreg.gather [hbm4b:s4+s2], $0x80, v4, vm0, $0xb8;
	[tilespmem:$0x10100] =	vst v63  }
0x5b: {  	s11 =	simm.s32 $0x9100;
	v3 =	vadd.s32 v1, v3  }
0x5c: {  	[tilespmem:s11], [sflag:$0x2] =	stream.indirect_vreg.gather [hbm4b:s5+s2], $0x80, v4, vm0, $0xb8;
	[tilespmem:$0x10100] =	vst v63  }
0x5d: {  	s15 =	simm.s32 $0x9900  }
0x5e: {  	[tilespmem:s15], [sflag:$0x2] =	stream.indirect_vreg.gather [hbm4b:s6+s2], $0x80, v4, vm0, $0xb8;
	[tilespmem:$0x10100] =	vst v63  }
0x5f: {  	s16 =	simm.s32 $0xA100  }
0x60: {  	[tilespmem:s16], [sflag:$0x2] =	stream.indirect_vreg.gather [hbm4b:s3+s2], $0x80, v3, vm0, $0xb8;
	[tilespmem:$0x10100] =	vst v63  }
0x61: {  	s17 =	simm.s32 $0xA900  }
0x62: {  	[tilespmem:s17], [sflag:$0x2] =	stream.indirect_vreg.gather [hbm4b:s4+s2], $0x80, v3, vm0, $0xb8;
	[tilespmem:$0x10100] =	vst v63  }
0x63: {  	s18 =	simm.s32 $0xB100  }
0x64: {  	[tilespmem:s18], [sflag:$0x2] =	stream.indirect_vreg.gather [hbm4b:s5+s2], $0x80, v3, vm0, $0xb8;
	[tilespmem:$0x10100] =	vst v63  }
0x65: {  	s22 =	simm.s32 $0xB900  }
0x66: {  	[tilespmem:s22], [sflag:$0x2] =	stream.indirect_vreg.gather [hbm4b:s6+s2], $0x80, v3, vm0, $0xb8;
	[tilespmem:$0x10100] =	vst v63  }
0x67: {  	v3 =	vld [tilespmem:$0x90];
	_ =	sdelay $0x4  }
0x68: {  	v51 =	vshll.u32 v3, $0x3  }
0x69: {  	v3 =	vand.u32 $0x7, v3;
	v4 =	vand.u32 $0xFFFFFFC0, v51  }
0x6a: {  	v3 =	vor.u32 v3, v4  }
0x6b: {  	v4 =	vperm.xlane v3, v0;
	_ =	sdelay $0x1  }
0x6c: {  	v4 =	vadd.s32 v1, v4;
	_ =	sdelay $0x3  }
0x6d: {  	s23 =	simm.s32 $0xC100  }
0x6e: {  	[tilespmem:s23], [sflag:$0x2] =	stream.indirect_vreg.gather [hbm4b:s3+s2], $0x80, v4, vm0, $0xb8;
	[tilespmem:$0x10100] =	vst v63  }
0x6f: {  	s29 =	simm.s32 $0xC900;
	v3 =	vperm.xlane v3, v2  }
0x70: {  	[tilespmem:s29], [sflag:$0x2] =	stream.indirect_vreg.gather [hbm4b:s4+s2], $0x80, v4, vm0, $0xb8;
	[tilespmem:$0x10100] =	vst v63  }
0x71: {  	s0 =	simm.s32 $0xD100;
	v3 =	vadd.s32 v1, v3  }
0x72: {  	[tilespmem:s0], [sflag:$0x2] =	stream.indirect_vreg.gather [hbm4b:s5+s2], $0x80, v4, vm0, $0xb8;
	[tilespmem:$0x10100] =	vst v63  }
0x73: {  	s11 =	simm.s32 $0xD900  }
0x74: {  	[tilespmem:s11], [sflag:$0x2] =	stream.indirect_vreg.gather [hbm4b:s6+s2], $0x80, v4, vm0, $0xb8;
	[tilespmem:$0x10100] =	vst v63  }
0x75: {  	s15 =	simm.s32 $0xE100  }
0x76: {  	[tilespmem:s15], [sflag:$0x2] =	stream.indirect_vreg.gather [hbm4b:s3+s2], $0x80, v3, vm0, $0xb8;
	[tilespmem:$0x10100] =	vst v63  }
0x77: {  	s16 =	simm.s32 $0xE900  }
0x78: {  	[tilespmem:s16], [sflag:$0x2] =	stream.indirect_vreg.gather [hbm4b:s4+s2], $0x80, v3, vm0, $0xb8;
	[tilespmem:$0x10100] =	vst v63  }
0x79: {  	s17 =	simm.s32 $0xF100  }
0x7a: {  	[tilespmem:s17], [sflag:$0x2] =	stream.indirect_vreg.gather [hbm4b:s5+s2], $0x80, v3, vm0, $0xb8;
	[tilespmem:$0x10100] =	vst v63  }
0x7b: {  	s23 =	simm.s32 $0xF900  }
0x7c: {  	[tilespmem:s23], [sflag:$0x2] =	stream.indirect_vreg.gather [hbm4b:s6+s2], $0x80, v3, vm0, $0xb8;
	[tilespmem:$0x10100] =	vst v63  }
0x7d: {  	_ =	swait.ge [sflag:s19], $0x8000  }
0x7e: {  	[sflag:s19] =	ssyncset.done $0x0  }
0x7f: {  	s29 =	rddreg [dreg:$0x5];
	[sflag:s19] =	ssyncadd.s32 $0xFFFF8000  }
0x80: {  	[hbm4b:s29+s2] =	stream.linear.scatter [tilespmem:s30], [sflag:$0x3], $0x8000, $0x38;
	[tilespmem:$0x10100] =	vst v63  }
0x81: {  	_ =	swait.ge [sflag:s8], $0x8000  }
0x82: {  	[sflag:s8] =	ssyncset.done $0x0  }
0x83: {  	s0 =	rddreg [dreg:$0x6];
	[sflag:s8] =	ssyncadd.s32 $0xFFFF8000  }
0x84: {  	[tilespmem:s2], [sflag:$0x3] =	stream.linear.gather [hbm4b:s0+s2], $0x20, $0x38;
	[tilespmem:$0x10100] =	vst v63  }
0x85: {  	_ =	swait.ge [sflag:s8], $0x20  }
0x86: {  	[sflag:s8] =	ssyncset.done $0x0  }
0x87: {  	[sflag:s8] =	ssyncadd.s32 $0xFFFFFFE0  }
0x88: {  	v3 =	vld [tilespmem:$0x0];
	_ =	sdelay $0x4  }
0x89: {  	v52 =	vshll.u32 v3, $0x3  }
0x8a: {  	v3 =	vand.u32 $0x7, v3;
	v4 =	vand.u32 $0xFFFFFFC0, v52  }
0x8b: {  	v3 =	vor.u32 v3, v4  }
0x8c: {  	v4 =	vperm.xlane v3, v0;
	_ =	sdelay $0x1  }
0x8d: {  	v4 =	vadd.s32 v1, v4;
	_ =	sdelay $0x4  }
0x8e: {  	[tilespmem:s30], [sflag:$0x1] =	stream.indirect_vreg.gather [hbm4b:s3+s2], $0x80, v4, vm0, $0xb8;
	[tilespmem:$0x10100] =	vst v63  }
0x8f: {  	s10 =	simm.s32 $0x900;
	v3 =	vperm.xlane v3, v2  }
0x90: {  	[tilespmem:s10], [sflag:$0x1] =	stream.indirect_vreg.gather [hbm4b:s4+s2], $0x80, v4, vm0, $0xb8;
	[tilespmem:$0x10100] =	vst v63  }
0x91: {  	s1 =	simm.s32 $0x1100;
	v3 =	vadd.s32 v1, v3  }
0x92: {  	[tilespmem:s1], [sflag:$0x1] =	stream.indirect_vreg.gather [hbm4b:s5+s2], $0x80, v4, vm0, $0xb8;
	[tilespmem:$0x10100] =	vst v63  }
0x93: {  	s9 =	simm.s32 $0x1900  }
0x94: {  	[tilespmem:s9], [sflag:$0x1] =	stream.indirect_vreg.gather [hbm4b:s6+s2], $0x80, v4, vm0, $0xb8;
	[tilespmem:$0x10100] =	vst v63  }
0x95: {  	s29 =	simm.s32 $0x2100  }
0x96: {  	[tilespmem:s29], [sflag:$0x1] =	stream.indirect_vreg.gather [hbm4b:s3+s2], $0x80, v3, vm0, $0xb8;
	[tilespmem:$0x10100] =	vst v63  }
0x97: {  	s10 =	simm.s32 $0x2900  }
0x98: {  	[tilespmem:s10], [sflag:$0x1] =	stream.indirect_vreg.gather [hbm4b:s4+s2], $0x80, v3, vm0, $0xb8;
	[tilespmem:$0x10100] =	vst v63  }
0x99: {  	s11 =	simm.s32 $0x3100  }
0x9a: {  	[tilespmem:s11], [sflag:$0x1] =	stream.indirect_vreg.gather [hbm4b:s5+s2], $0x80, v3, vm0, $0xb8;
	[tilespmem:$0x10100] =	vst v63  }
0x9b: {  	s13 =	simm.s32 $0x3900  }
0x9c: {  	[tilespmem:s13], [sflag:$0x1] =	stream.indirect_vreg.gather [hbm4b:s6+s2], $0x80, v3, vm0, $0xb8;
	[tilespmem:$0x10100] =	vst v63  }
0x9d: {  	v3 =	vld [tilespmem:$0x10];
	_ =	sdelay $0x4  }
0x9e: {  	v53 =	vshll.u32 v3, $0x3  }
0x9f: {  	v3 =	vand.u32 $0x7, v3;
	v4 =	vand.u32 $0xFFFFFFC0, v53  }
0xa0: {  	v3 =	vor.u32 v3, v4  }
0xa1: {  	v4 =	vperm.xlane v3, v0;
	_ =	sdelay $0x1  }
0xa2: {  	v4 =	vadd.s32 v1, v4;
	_ =	sdelay $0x3  }
0xa3: {  	s14 =	simm.s32 $0x4100  }
0xa4: {  	[tilespmem:s14], [sflag:$0x1] =	stream.indirect_vreg.gather [hbm4b:s3+s2], $0x80, v4, vm0, $0xb8;
	[tilespmem:$0x10100] =	vst v63  }
0xa5: {  	s12 =	simm.s32 $0x4900;
	v3 =	vperm.xlane v3, v2  }
0xa6: {  	[tilespmem:s12], [sflag:$0x1] =	stream.indirect_vreg.gather [hbm4b:s4+s2], $0x80, v4, vm0, $0xb8;
	[tilespmem:$0x10100] =	vst v63  }
0xa7: {  	v3 =	vadd.s32 v1, v3;
	s12 =	simm.s32 $0x5100  }
0xa8: {  	[tilespmem:s12], [sflag:$0x1] =	stream.indirect_vreg.gather [hbm4b:s5+s2], $0x80, v4, vm0, $0xb8;
	[tilespmem:$0x10100] =	vst v63  }
0xa9: {  	s13 =	simm.s32 $0x5900  }
0xaa: {  	[tilespmem:s13], [sflag:$0x1] =	stream.indirect_vreg.gather [hbm4b:s6+s2], $0x80, v4, vm0, $0xb8;
	[tilespmem:$0x10100] =	vst v63  }
0xab: {  	s14 =	simm.s32 $0x6100  }
0xac: {  	[tilespmem:s14], [sflag:$0x1] =	stream.indirect_vreg.gather [hbm4b:s3+s2], $0x80, v3, vm0, $0xb8;
	[tilespmem:$0x10100] =	vst v63  }
0xad: {  	s15 =	simm.s32 $0x6900  }
0xae: {  	[tilespmem:s15], [sflag:$0x1] =	stream.indirect_vreg.gather [hbm4b:s4+s2], $0x80, v3, vm0, $0xb8;
	[tilespmem:$0x10100] =	vst v63  }
0xaf: {  	s16 =	simm.s32 $0x7100  }
0xb0: {  	[tilespmem:s16], [sflag:$0x1] =	stream.indirect_vreg.gather [hbm4b:s5+s2], $0x80, v3, vm0, $0xb8;
	[tilespmem:$0x10100] =	vst v63  }
0xb1: {  	s17 =	simm.s32 $0x7900  }
0xb2: {  	[tilespmem:s17], [sflag:$0x1] =	stream.indirect_vreg.gather [hbm4b:s6+s2], $0x80, v3, vm0, $0xb8;
	[tilespmem:$0x10100] =	vst v63  }
0xb3: {  	_ =	swait.ge [sflag:s20], $0x8000  }
0xb4: {  	[sflag:s20] =	ssyncset.done $0x0  }
0xb5: {  	s1 =	rddreg [dreg:$0x7];
	[sflag:s20] =	ssyncadd.s32 $0xFFFF8000  }
0xb6: {  	[hbm4b:s1+s2] =	stream.linear.scatter [tilespmem:s26], [sflag:$0x3], $0x8000, $0x38;
	[tilespmem:$0x10100] =	vst v63  }
0xb7: {  	_ =	swait.ge [sflag:s8], $0x8000  }
0xb8: {  	[sflag:s8] =	ssyncset.done $0x0  }
0xb9: {  	s1 =	simm.s32 $0x80;
	s9 =	rddreg [dreg:$0x8];
	[sflag:s8] =	ssyncadd.s32 $0xFFFF8000  }
0xba: {  	[tilespmem:s1], [sflag:$0x3] =	stream.linear.gather [hbm4b:s9+s2], $0x20, $0x38;
	[tilespmem:$0x10100] =	vst v63  }
0xbb: {  	_ =	swait.ge [sflag:s8], $0x20  }
0xbc: {  	[sflag:s8] =	ssyncset.done $0x0  }
0xbd: {  	[sflag:s8] =	ssyncadd.s32 $0xFFFFFFE0  }
0xbe: {  	v3 =	vld [tilespmem:$0x80];
	_ =	sdelay $0x4  }
0xbf: {  	v54 =	vshll.u32 v3, $0x3  }
0xc0: {  	v3 =	vand.u32 $0x7, v3;
	v4 =	vand.u32 $0xFFFFFFC0, v54  }
0xc1: {  	v3 =	vor.u32 v3, v4  }
0xc2: {  	v4 =	vperm.xlane v3, v0;
	_ =	sdelay $0x1  }
0xc3: {  	v4 =	vadd.s32 v1, v4;
	_ =	sdelay $0x4  }
0xc4: {  	[tilespmem:s26], [sflag:$0x2] =	stream.indirect_vreg.gather [hbm4b:s3+s2], $0x80, v4, vm0, $0xb8;
	[tilespmem:$0x10100] =	vst v63  }
0xc5: {  	s9 =	simm.s32 $0x8900;
	v3 =	vperm.xlane v3, v2  }
0xc6: {  	[tilespmem:s9], [sflag:$0x2] =	stream.indirect_vreg.gather [hbm4b:s4+s2], $0x80, v4, vm0, $0xb8;
	[tilespmem:$0x10100] =	vst v63  }
0xc7: {  	s0 =	simm.s32 $0x9100;
	v3 =	vadd.s32 v1, v3  }
0xc8: {  	[tilespmem:s0], [sflag:$0x2] =	stream.indirect_vreg.gather [hbm4b:s5+s2], $0x80, v4, vm0, $0xb8;
	[tilespmem:$0x10100] =	vst v63  }
0xc9: {  	s21 =	simm.s32 $0x9900  }
0xca: {  	[tilespmem:s21], [sflag:$0x2] =	stream.indirect_vreg.gather [hbm4b:s6+s2], $0x80, v4, vm0, $0xb8;
	[tilespmem:$0x10100] =	vst v63  }
0xcb: {  	s25 =	simm.s32 $0xA100  }
0xcc: {  	[tilespmem:s25], [sflag:$0x2] =	stream.indirect_vreg.gather [hbm4b:s3+s2], $0x80, v3, vm0, $0xb8;
	[tilespmem:$0x10100] =	vst v63  }
0xcd: {  	s28 =	simm.s32 $0xA900  }
0xce: {  	[tilespmem:s28], [sflag:$0x2] =	stream.indirect_vreg.gather [hbm4b:s4+s2], $0x80, v3, vm0, $0xb8;
	[tilespmem:$0x10100] =	vst v63  }
0xcf: {  	s31 =	simm.s32 $0xB100  }
0xd0: {  	[tilespmem:s31], [sflag:$0x2] =	stream.indirect_vreg.gather [hbm4b:s5+s2], $0x80, v3, vm0, $0xb8;
	[tilespmem:$0x10100] =	vst v63  }
0xd1: {  	s24 =	simm.s32 $0xB900  }
0xd2: {  	[tilespmem:s24], [sflag:$0x2] =	stream.indirect_vreg.gather [hbm4b:s6+s2], $0x80, v3, vm0, $0xb8;
	[tilespmem:$0x10100] =	vst v63  }
0xd3: {  	v3 =	vld [tilespmem:$0x90];
	_ =	sdelay $0x4  }
0xd4: {  	v55 =	vshll.u32 v3, $0x3  }
0xd5: {  	v3 =	vand.u32 $0x7, v3;
	v4 =	vand.u32 $0xFFFFFFC0, v55  }
0xd6: {  	v3 =	vor.u32 v3, v4  }
0xd7: {  	v4 =	vperm.xlane v3, v0;
	_ =	sdelay $0x1  }
0xd8: {  	v4 =	vadd.s32 v1, v4;
	_ =	sdelay $0x3  }
0xd9: {  	s18 =	simm.s32 $0xC100  }
0xda: {  	[tilespmem:s18], [sflag:$0x2] =	stream.indirect_vreg.gather [hbm4b:s3+s2], $0x80, v4, vm0, $0xb8;
	[tilespmem:$0x10100] =	vst v63  }
0xdb: {  	s22 =	simm.s32 $0xC900;
	v3 =	vperm.xlane v3, v2  }
0xdc: {  	[tilespmem:s22], [sflag:$0x2] =	stream.indirect_vreg.gather [hbm4b:s4+s2], $0x80, v4, vm0, $0xb8;
	[tilespmem:$0x10100] =	vst v63  }
0xdd: {  	s21 =	simm.s32 $0xD100;
	v3 =	vadd.s32 v1, v3  }
0xde: {  	[tilespmem:s21], [sflag:$0x2] =	stream.indirect_vreg.gather [hbm4b:s5+s2], $0x80, v4, vm0, $0xb8;
	[tilespmem:$0x10100] =	vst v63  }
0xdf: {  	s22 =	simm.s32 $0xD900  }
0xe0: {  	[tilespmem:s22], [sflag:$0x2] =	stream.indirect_vreg.gather [hbm4b:s6+s2], $0x80, v4, vm0, $0xb8;
	[tilespmem:$0x10100] =	vst v63  }
0xe1: {  	s24 =	simm.s32 $0xE100  }
0xe2: {  	[tilespmem:s24], [sflag:$0x2] =	stream.indirect_vreg.gather [hbm4b:s3+s2], $0x80, v3, vm0, $0xb8;
	[tilespmem:$0x10100] =	vst v63  }
0xe3: {  	s22 =	simm.s32 $0xE900  }
0xe4: {  	[tilespmem:s22], [sflag:$0x2] =	stream.indirect_vreg.gather [hbm4b:s4+s2], $0x80, v3, vm0, $0xb8;
	[tilespmem:$0x10100] =	vst v63  }
0xe5: {  	s21 =	simm.s32 $0xF100  }
0xe6: {  	[tilespmem:s21], [sflag:$0x2] =	stream.indirect_vreg.gather [hbm4b:s5+s2], $0x80, v3, vm0, $0xb8;
	[tilespmem:$0x10100] =	vst v63  }
0xe7: {  	s23 =	simm.s32 $0xF900  }
0xe8: {  	[tilespmem:s23], [sflag:$0x2] =	stream.indirect_vreg.gather [hbm4b:s6+s2], $0x80, v3, vm0, $0xb8;
	[tilespmem:$0x10100] =	vst v63  }
0xe9: {  	_ =	swait.ge [sflag:s19], $0x8000  }
0xea: {  	[sflag:s19] =	ssyncset.done $0x0  }
0xeb: {  	s23 =	rddreg [dreg:$0x9];
	[sflag:s19] =	ssyncadd.s32 $0xFFFF8000  }
0xec: {  	[hbm4b:s23+s2] =	stream.linear.scatter [tilespmem:s30], [sflag:$0x3], $0x8000, $0x38;
	[tilespmem:$0x10100] =	vst v63  }
0xed: {  	_ =	swait.ge [sflag:s8], $0x8000  }
0xee: {  	[sflag:s8] =	ssyncset.done $0x0  }
0xef: {  	s23 =	rddreg [dreg:$0xa];
	[sflag:s8] =	ssyncadd.s32 $0xFFFF8000  }
0xf0: {  	[tilespmem:s2], [sflag:$0x3] =	stream.linear.gather [hbm4b:s23+s2], $0x20, $0x38;
	[tilespmem:$0x10100] =	vst v63  }
0xf1: {  	_ =	swait.ge [sflag:s8], $0x20  }
0xf2: {  	[sflag:s8] =	ssyncset.done $0x0  }
0xf3: {  	[sflag:s8] =	ssyncadd.s32 $0xFFFFFFE0  }
0xf4: {  	v3 =	vld [tilespmem:$0x0];
	_ =	sdelay $0x4  }
0xf5: {  	v56 =	vshll.u32 v3, $0x3  }
0xf6: {  	v3 =	vand.u32 $0x7, v3;
	v4 =	vand.u32 $0xFFFFFFC0, v56  }
0xf7: {  	v3 =	vor.u32 v3, v4  }
0xf8: {  	v4 =	vperm.xlane v3, v0;
	_ =	sdelay $0x1  }
0xf9: {  	v4 =	vadd.s32 v1, v4;
	_ =	sdelay $0x4  }
0xfa: {  	[tilespmem:s30], [sflag:$0x1] =	stream.indirect_vreg.gather [hbm4b:s3+s2], $0x80, v4, vm0, $0xb8;
	[tilespmem:$0x10100] =	vst v63  }
0xfb: {  	s23 =	simm.s32 $0x900;
	v3 =	vperm.xlane v3, v2  }
0xfc: {  	[tilespmem:s23], [sflag:$0x1] =	stream.indirect_vreg.gather [hbm4b:s4+s2], $0x80, v4, vm0, $0xb8;
	[tilespmem:$0x10100] =	vst v63  }
0xfd: {  	v3 =	vadd.s32 v1, v3;
	s23 =	simm.s32 $0x1100  }
0xfe: {  	[tilespmem:s23], [sflag:$0x1] =	stream.indirect_vreg.gather [hbm4b:s5+s2], $0x80, v4, vm0, $0xb8;
	[tilespmem:$0x10100] =	vst v63  }
0xff: {  	s23 =	simm.s32 $0x1900  }
0x100: {  	[tilespmem:s23], [sflag:$0x1] =	stream.indirect_vreg.gather [hbm4b:s6+s2], $0x80, v4, vm0, $0xb8;
	[tilespmem:$0x10100] =	vst v63  }
0x101: {  	_ = 	snop  }
0x102: {  	[tilespmem:s29], [sflag:$0x1] =	stream.indirect_vreg.gather [hbm4b:s3+s2], $0x80, v3, vm0, $0xb8;
	[tilespmem:$0x10100] =	vst v63  }
0x103: {  	_ = 	snop  }
0x104: {  	[tilespmem:s10], [sflag:$0x1] =	stream.indirect_vreg.gather [hbm4b:s4+s2], $0x80, v3, vm0, $0xb8;
	[tilespmem:$0x10100] =	vst v63  }
0x105: {  	_ = 	snop  }
0x106: {  	[tilespmem:s11], [sflag:$0x1] =	stream.indirect_vreg.gather [hbm4b:s5+s2], $0x80, v3, vm0, $0xb8;
	[tilespmem:$0x10100] =	vst v63  }
0x107: {  	s29 =	simm.s32 $0x3900  }
0x108: {  	[tilespmem:s29], [sflag:$0x1] =	stream.indirect_vreg.gather [hbm4b:s6+s2], $0x80, v3, vm0, $0xb8;
	[tilespmem:$0x10100] =	vst v63  }
0x109: {  	v3 =	vld [tilespmem:$0x10];
	_ =	sdelay $0x4  }
0x10a: {  	v57 =	vshll.u32 v3, $0x3  }
0x10b: {  	v3 =	vand.u32 $0x7, v3;
	v4 =	vand.u32 $0xFFFFFFC0, v57  }
0x10c: {  	v3 =	vor.u32 v3, v4  }
0x10d: {  	v4 =	vperm.xlane v3, v0;
	_ =	sdelay $0x1  }
0x10e: {  	v4 =	vadd.s32 v1, v4;
	_ =	sdelay $0x3  }
0x10f: {  	s29 =	simm.s32 $0x4100  }
0x110: {  	[tilespmem:s29], [sflag:$0x1] =	stream.indirect_vreg.gather [hbm4b:s3+s2], $0x80, v4, vm0, $0xb8;
	[tilespmem:$0x10100] =	vst v63  }
0x111: {  	v3 =	vperm.xlane v3, v2;
	s29 =	simm.s32 $0x4900  }
0x112: {  	[tilespmem:s29], [sflag:$0x1] =	stream.indirect_vreg.gather [hbm4b:s4+s2], $0x80, v4, vm0, $0xb8;
	[tilespmem:$0x10100] =	vst v63  }
0x113: {  	v3 =	vadd.s32 v1, v3  }
0x114: {  	[tilespmem:s12], [sflag:$0x1] =	stream.indirect_vreg.gather [hbm4b:s5+s2], $0x80, v4, vm0, $0xb8;
	[tilespmem:$0x10100] =	vst v63  }
0x115: {  	_ = 	snop  }
0x116: {  	[tilespmem:s13], [sflag:$0x1] =	stream.indirect_vreg.gather [hbm4b:s6+s2], $0x80, v4, vm0, $0xb8;
	[tilespmem:$0x10100] =	vst v63  }
0x117: {  	_ = 	snop  }
0x118: {  	[tilespmem:s14], [sflag:$0x1] =	stream.indirect_vreg.gather [hbm4b:s3+s2], $0x80, v3, vm0, $0xb8;
	[tilespmem:$0x10100] =	vst v63  }
0x119: {  	_ = 	snop  }
0x11a: {  	[tilespmem:s15], [sflag:$0x1] =	stream.indirect_vreg.gather [hbm4b:s4+s2], $0x80, v3, vm0, $0xb8;
	[tilespmem:$0x10100] =	vst v63  }
0x11b: {  	_ = 	snop  }
0x11c: {  	[tilespmem:s16], [sflag:$0x1] =	stream.indirect_vreg.gather [hbm4b:s5+s2], $0x80, v3, vm0, $0xb8;
	[tilespmem:$0x10100] =	vst v63  }
0x11d: {  	_ = 	snop  }
0x11e: {  	[tilespmem:s17], [sflag:$0x1] =	stream.indirect_vreg.gather [hbm4b:s6+s2], $0x80, v3, vm0, $0xb8;
	[tilespmem:$0x10100] =	vst v63  }
0x11f: {  	_ =	swait.ge [sflag:s20], $0x8000  }
0x120: {  	[sflag:s20] =	ssyncset.done $0x0  }
0x121: {  	s29 =	rddreg [dreg:$0xb];
	[sflag:s20] =	ssyncadd.s32 $0xFFFF8000  }
0x122: {  	[hbm4b:s29+s2] =	stream.linear.scatter [tilespmem:s26], [sflag:$0x3], $0x8000, $0x38;
	[tilespmem:$0x10100] =	vst v63  }
0x123: {  	_ =	swait.ge [sflag:s8], $0x8000  }
0x124: {  	[sflag:s8] =	ssyncset.done $0x0  }
0x125: {  	s29 =	rddreg [dreg:$0xc];
	[sflag:s8] =	ssyncadd.s32 $0xFFFF8000  }
0x126: {  	[tilespmem:s1], [sflag:$0x3] =	stream.linear.gather [hbm4b:s29+s2], $0x20, $0x38;
	[tilespmem:$0x10100] =	vst v63  }
0x127: {  	_ =	swait.ge [sflag:s8], $0x20  }
0x128: {  	[sflag:s8] =	ssyncset.done $0x0  }
0x129: {  	[sflag:s8] =	ssyncadd.s32 $0xFFFFFFE0  }
0x12a: {  	v3 =	vld [tilespmem:$0x80];
	_ =	sdelay $0x4  }
0x12b: {  	v58 =	vshll.u32 v3, $0x3  }
0x12c: {  	v3 =	vand.u32 $0x7, v3;
	v4 =	vand.u32 $0xFFFFFFC0, v58  }
0x12d: {  	v3 =	vor.u32 v3, v4  }
0x12e: {  	v4 =	vperm.xlane v3, v0;
	_ =	sdelay $0x1  }
0x12f: {  	v4 =	vadd.s32 v1, v4;
	_ =	sdelay $0x4  }
0x130: {  	[tilespmem:s26], [sflag:$0x2] =	stream.indirect_vreg.gather [hbm4b:s3+s2], $0x80, v4, vm0, $0xb8;
	[tilespmem:$0x10100] =	vst v63  }
0x131: {  	v3 =	vperm.xlane v3, v2  }
0x132: {  	[tilespmem:s9], [sflag:$0x2] =	stream.indirect_vreg.gather [hbm4b:s4+s2], $0x80, v4, vm0, $0xb8;
	[tilespmem:$0x10100] =	vst v63  }
0x133: {  	v3 =	vadd.s32 v1, v3  }
0x134: {  	[tilespmem:s0], [sflag:$0x2] =	stream.indirect_vreg.gather [hbm4b:s5+s2], $0x80, v4, vm0, $0xb8;
	[tilespmem:$0x10100] =	vst v63  }
0x135: {  	s29 =	simm.s32 $0x9900  }
0x136: {  	[tilespmem:s29], [sflag:$0x2] =	stream.indirect_vreg.gather [hbm4b:s6+s2], $0x80, v4, vm0, $0xb8;
	[tilespmem:$0x10100] =	vst v63  }
0x137: {  	s25 =	simm.s32 $0xA100  }
0x138: {  	[tilespmem:s25], [sflag:$0x2] =	stream.indirect_vreg.gather [hbm4b:s3+s2], $0x80, v3, vm0, $0xb8;
	[tilespmem:$0x10100] =	vst v63  }
0x139: {  	s28 =	simm.s32 $0xA900  }
0x13a: {  	[tilespmem:s28], [sflag:$0x2] =	stream.indirect_vreg.gather [hbm4b:s4+s2], $0x80, v3, vm0, $0xb8;
	[tilespmem:$0x10100] =	vst v63  }
0x13b: {  	s31 =	simm.s32 $0xB100  }
0x13c: {  	[tilespmem:s31], [sflag:$0x2] =	stream.indirect_vreg.gather [hbm4b:s5+s2], $0x80, v3, vm0, $0xb8;
	[tilespmem:$0x10100] =	vst v63  }
0x13d: {  	s31 =	simm.s32 $0xB900  }
0x13e: {  	[tilespmem:s31], [sflag:$0x2] =	stream.indirect_vreg.gather [hbm4b:s6+s2], $0x80, v3, vm0, $0xb8;
	[tilespmem:$0x10100] =	vst v63  }
0x13f: {  	v3 =	vld [tilespmem:$0x90];
	_ =	sdelay $0x4  }
0x140: {  	v59 =	vshll.u32 v3, $0x3  }
0x141: {  	v3 =	vand.u32 $0x7, v3;
	v4 =	vand.u32 $0xFFFFFFC0, v59  }
0x142: {  	v3 =	vor.u32 v3, v4  }
0x143: {  	v4 =	vperm.xlane v3, v0;
	_ =	sdelay $0x1  }
0x144: {  	v4 =	vadd.s32 v1, v4;
	_ =	sdelay $0x3  }
0x145: {  	s31 =	simm.s32 $0xC100  }
0x146: {  	[tilespmem:s31], [sflag:$0x2] =	stream.indirect_vreg.gather [hbm4b:s3+s2], $0x80, v4, vm0, $0xb8;
	[tilespmem:$0x10100] =	vst v63  }
0x147: {  	v3 =	vperm.xlane v3, v2;
	s31 =	simm.s32 $0xC900  }
0x148: {  	[tilespmem:s31], [sflag:$0x2] =	stream.indirect_vreg.gather [hbm4b:s4+s2], $0x80, v4, vm0, $0xb8;
	[tilespmem:$0x10100] =	vst v63  }
0x149: {  	s18 =	simm.s32 $0xD100;
	v3 =	vadd.s32 v1, v3  }
0x14a: {  	[tilespmem:s18], [sflag:$0x2] =	stream.indirect_vreg.gather [hbm4b:s5+s2], $0x80, v4, vm0, $0xb8;
	[tilespmem:$0x10100] =	vst v63  }
0x14b: {  	s21 =	simm.s32 $0xD900  }
0x14c: {  	[tilespmem:s21], [sflag:$0x2] =	stream.indirect_vreg.gather [hbm4b:s6+s2], $0x80, v4, vm0, $0xb8;
	[tilespmem:$0x10100] =	vst v63  }
0x14d: {  	s24 =	simm.s32 $0xE100  }
0x14e: {  	[tilespmem:s24], [sflag:$0x2] =	stream.indirect_vreg.gather [hbm4b:s3+s2], $0x80, v3, vm0, $0xb8;
	[tilespmem:$0x10100] =	vst v63  }
0x14f: {  	s22 =	simm.s32 $0xE900  }
0x150: {  	[tilespmem:s22], [sflag:$0x2] =	stream.indirect_vreg.gather [hbm4b:s4+s2], $0x80, v3, vm0, $0xb8;
	[tilespmem:$0x10100] =	vst v63  }
0x151: {  	s22 =	simm.s32 $0xF100  }
0x152: {  	[tilespmem:s22], [sflag:$0x2] =	stream.indirect_vreg.gather [hbm4b:s5+s2], $0x80, v3, vm0, $0xb8;
	[tilespmem:$0x10100] =	vst v63  }
0x153: {  	s21 =	simm.s32 $0xF900  }
0x154: {  	[tilespmem:s21], [sflag:$0x2] =	stream.indirect_vreg.gather [hbm4b:s6+s2], $0x80, v3, vm0, $0xb8;
	[tilespmem:$0x10100] =	vst v63  }
0x155: {  	_ =	swait.ge [sflag:s19], $0x8000  }
0x156: {  	[sflag:s19] =	ssyncset.done $0x0  }
0x157: {  	s21 =	rddreg [dreg:$0xd];
	[sflag:s19] =	ssyncadd.s32 $0xFFFF8000  }
0x158: {  	[hbm4b:s21+s2] =	stream.linear.scatter [tilespmem:s30], [sflag:$0x3], $0x8000, $0x38;
	[tilespmem:$0x10100] =	vst v63  }
0x159: {  	_ =	swait.ge [sflag:s8], $0x8000  }
0x15a: {  	[sflag:s8] =	ssyncset.done $0x0  }
0x15b: {  	s21 =	rddreg [dreg:$0xe];
	[sflag:s8] =	ssyncadd.s32 $0xFFFF8000  }
0x15c: {  	[tilespmem:s2], [sflag:$0x3] =	stream.linear.gather [hbm4b:s21+s2], $0x20, $0x38;
	[tilespmem:$0x10100] =	vst v63  }
0x15d: {  	_ =	swait.ge [sflag:s8], $0x20  }
0x15e: {  	[sflag:s8] =	ssyncset.done $0x0  }
0x15f: {  	[sflag:s8] =	ssyncadd.s32 $0xFFFFFFE0  }
0x160: {  	v3 =	vld [tilespmem:$0x0];
	_ =	sdelay $0x4  }
0x161: {  	v60 =	vshll.u32 v3, $0x3  }
0x162: {  	v3 =	vand.u32 $0x7, v3;
	v4 =	vand.u32 $0xFFFFFFC0, v60  }
0x163: {  	v3 =	vor.u32 v3, v4  }
0x164: {  	v4 =	vperm.xlane v3, v0;
	_ =	sdelay $0x1  }
0x165: {  	v4 =	vadd.s32 v1, v4;
	_ =	sdelay $0x4  }
0x166: {  	[tilespmem:s30], [sflag:$0x1] =	stream.indirect_vreg.gather [hbm4b:s3+s2], $0x80, v4, vm0, $0xb8;
	[tilespmem:$0x10100] =	vst v63  }
0x167: {  	s21 =	simm.s32 $0x900;
	v3 =	vperm.xlane v3, v2  }
0x168: {  	[tilespmem:s21], [sflag:$0x1] =	stream.indirect_vreg.gather [hbm4b:s4+s2], $0x80, v4, vm0, $0xb8;
	[tilespmem:$0x10100] =	vst v63  }
0x169: {  	v3 =	vadd.s32 v1, v3;
	s21 =	simm.s32 $0x1100  }
0x16a: {  	[tilespmem:s21], [sflag:$0x1] =	stream.indirect_vreg.gather [hbm4b:s5+s2], $0x80, v4, vm0, $0xb8;
	[tilespmem:$0x10100] =	vst v63  }
0x16b: {  	s21 =	simm.s32 $0x1900  }
0x16c: {  	[tilespmem:s21], [sflag:$0x1] =	stream.indirect_vreg.gather [hbm4b:s6+s2], $0x80, v4, vm0, $0xb8;
	[tilespmem:$0x10100] =	vst v63  }
0x16d: {  	s23 =	simm.s32 $0x2100  }
0x16e: {  	[tilespmem:s23], [sflag:$0x1] =	stream.indirect_vreg.gather [hbm4b:s3+s2], $0x80, v3, vm0, $0xb8;
	[tilespmem:$0x10100] =	vst v63  }
0x16f: {  	s10 =	simm.s32 $0x2900  }
0x170: {  	[tilespmem:s10], [sflag:$0x1] =	stream.indirect_vreg.gather [hbm4b:s4+s2], $0x80, v3, vm0, $0xb8;
	[tilespmem:$0x10100] =	vst v63  }
0x171: {  	s11 =	simm.s32 $0x3100  }
0x172: {  	[tilespmem:s11], [sflag:$0x1] =	stream.indirect_vreg.gather [hbm4b:s5+s2], $0x80, v3, vm0, $0xb8;
	[tilespmem:$0x10100] =	vst v63  }
0x173: {  	s21 =	simm.s32 $0x3900  }
0x174: {  	[tilespmem:s21], [sflag:$0x1] =	stream.indirect_vreg.gather [hbm4b:s6+s2], $0x80, v3, vm0, $0xb8;
	[tilespmem:$0x10100] =	vst v63  }
0x175: {  	v3 =	vld [tilespmem:$0x10];
	_ =	sdelay $0x4  }
0x176: {  	v61 =	vshll.u32 v3, $0x3  }
0x177: {  	v3 =	vand.u32 $0x7, v3;
	v4 =	vand.u32 $0xFFFFFFC0, v61  }
0x178: {  	v3 =	vor.u32 v3, v4  }
0x179: {  	v4 =	vperm.xlane v3, v0;
	_ =	sdelay $0x1  }
0x17a: {  	v4 =	vadd.s32 v1, v4;
	_ =	sdelay $0x3  }
0x17b: {  	s23 =	simm.s32 $0x4100  }
0x17c: {  	[tilespmem:s23], [sflag:$0x1] =	stream.indirect_vreg.gather [hbm4b:s3+s2], $0x80, v4, vm0, $0xb8;
	[tilespmem:$0x10100] =	vst v63  }
0x17d: {  	s11 =	simm.s32 $0x4900;
	v3 =	vperm.xlane v3, v2  }
0x17e: {  	[tilespmem:s11], [sflag:$0x1] =	stream.indirect_vreg.gather [hbm4b:s4+s2], $0x80, v4, vm0, $0xb8;
	[tilespmem:$0x10100] =	vst v63  }
0x17f: {  	s12 =	simm.s32 $0x5100;
	v3 =	vadd.s32 v1, v3  }
0x180: {  	[tilespmem:s12], [sflag:$0x1] =	stream.indirect_vreg.gather [hbm4b:s5+s2], $0x80, v4, vm0, $0xb8;
	[tilespmem:$0x10100] =	vst v63  }
0x181: {  	s13 =	simm.s32 $0x5900  }
0x182: {  	[tilespmem:s13], [sflag:$0x1] =	stream.indirect_vreg.gather [hbm4b:s6+s2], $0x80, v4, vm0, $0xb8;
	[tilespmem:$0x10100] =	vst v63  }
0x183: {  	s14 =	simm.s32 $0x6100  }
0x184: {  	[tilespmem:s14], [sflag:$0x1] =	stream.indirect_vreg.gather [hbm4b:s3+s2], $0x80, v3, vm0, $0xb8;
	[tilespmem:$0x10100] =	vst v63  }
0x185: {  	s15 =	simm.s32 $0x6900  }
0x186: {  	[tilespmem:s15], [sflag:$0x1] =	stream.indirect_vreg.gather [hbm4b:s4+s2], $0x80, v3, vm0, $0xb8;
	[tilespmem:$0x10100] =	vst v63  }
0x187: {  	s16 =	simm.s32 $0x7100  }
0x188: {  	[tilespmem:s16], [sflag:$0x1] =	stream.indirect_vreg.gather [hbm4b:s5+s2], $0x80, v3, vm0, $0xb8;
	[tilespmem:$0x10100] =	vst v63  }
0x189: {  	s17 =	simm.s32 $0x7900  }
0x18a: {  	[tilespmem:s17], [sflag:$0x1] =	stream.indirect_vreg.gather [hbm4b:s6+s2], $0x80, v3, vm0, $0xb8;
	[tilespmem:$0x10100] =	vst v63  }
0x18b: {  	_ =	swait.ge [sflag:s20], $0x8000  }
0x18c: {  	[sflag:s20] =	ssyncset.done $0x0  }
0x18d: {  	s14 =	rddreg [dreg:$0xf];
	[sflag:s20] =	ssyncadd.s32 $0xFFFF8000  }
0x18e: {  	[hbm4b:s14+s2] =	stream.linear.scatter [tilespmem:s26], [sflag:$0x3], $0x8000, $0x38;
	[tilespmem:$0x10100] =	vst v63  }
0x18f: {  	_ =	swait.ge [sflag:s8], $0x8000  }
0x190: {  	[sflag:s8] =	ssyncset.done $0x0  }
0x191: {  	s1 =	simm.s32 $0x80;
	s15 =	rddreg [dreg:$0x10];
	[sflag:s8] =	ssyncadd.s32 $0xFFFF8000  }
0x192: {  	[tilespmem:s1], [sflag:$0x3] =	stream.linear.gather [hbm4b:s15+s2], $0x20, $0x38;
	[tilespmem:$0x10100] =	vst v63  }
0x193: {  	_ =	swait.ge [sflag:s8], $0x20  }
0x194: {  	[sflag:s8] =	ssyncset.done $0x0  }
0x195: {  	[sflag:s8] =	ssyncadd.s32 $0xFFFFFFE0  }
0x196: {  	v3 =	vld [tilespmem:$0x80];
	_ =	sdelay $0x4  }
0x197: {  	v62 =	vshll.u32 v3, $0x3  }
0x198: {  	v3 =	vand.u32 $0x7, v3;
	v4 =	vand.u32 $0xFFFFFFC0, v62  }
0x199: {  	v3 =	vor.u32 v3, v4  }
0x19a: {  	v4 =	vperm.xlane v3, v0;
	_ =	sdelay $0x1  }
0x19b: {  	v4 =	vadd.s32 v1, v4;
	_ =	sdelay $0x4  }
0x19c: {  	[tilespmem:s26], [sflag:$0x2] =	stream.indirect_vreg.gather [hbm4b:s3+s2], $0x80, v4, vm0, $0xb8;
	[tilespmem:$0x10100] =	vst v63  }
0x19d: {  	s9 =	simm.s32 $0x8900;
	v3 =	vperm.xlane v3, v2  }
0x19e: {  	[tilespmem:s9], [sflag:$0x2] =	stream.indirect_vreg.gather [hbm4b:s4+s2], $0x80, v4, vm0, $0xb8;
	[tilespmem:$0x10100] =	vst v63  }
0x19f: {  	s0 =	simm.s32 $0x9100;
	v3 =	vadd.s32 v1, v3  }
0x1a0: {  	[tilespmem:s0], [sflag:$0x2] =	stream.indirect_vreg.gather [hbm4b:s5+s2], $0x80, v4, vm0, $0xb8;
	[tilespmem:$0x10100] =	vst v63  }
0x1a1: {  	s16 =	simm.s32 $0x9900  }
0x1a2: {  	[tilespmem:s16], [sflag:$0x2] =	stream.indirect_vreg.gather [hbm4b:s6+s2], $0x80, v4, vm0, $0xb8;
	[tilespmem:$0x10100] =	vst v63  }
0x1a3: {  	s29 =	simm.s32 $0xA100  }
0x1a4: {  	[tilespmem:s29], [sflag:$0x2] =	stream.indirect_vreg.gather [hbm4b:s3+s2], $0x80, v3, vm0, $0xb8;
	[tilespmem:$0x10100] =	vst v63  }
0x1a5: {  	s25 =	simm.s32 $0xA900  }
0x1a6: {  	[tilespmem:s25], [sflag:$0x2] =	stream.indirect_vreg.gather [hbm4b:s4+s2], $0x80, v3, vm0, $0xb8;
	[tilespmem:$0x10100] =	vst v63  }
0x1a7: {  	s28 =	simm.s32 $0xB100  }
0x1a8: {  	[tilespmem:s28], [sflag:$0x2] =	stream.indirect_vreg.gather [hbm4b:s5+s2], $0x80, v3, vm0, $0xb8;
	[tilespmem:$0x10100] =	vst v63  }
0x1a9: {  	s17 =	simm.s32 $0xB900  }
0x1aa: {  	[tilespmem:s17], [sflag:$0x2] =	stream.indirect_vreg.gather [hbm4b:s6+s2], $0x80, v3, vm0, $0xb8;
	[tilespmem:$0x10100] =	vst v63  }
0x1ab: {  	v3 =	vld [tilespmem:$0x90];
	_ =	sdelay $0x4  }
0x1ac: {  	v63 =	vshll.u32 v3, $0x3  }
0x1ad: {  	v3 =	vand.u32 $0x7, v3;
	v4 =	vand.u32 $0xFFFFFFC0, v63  }
0x1ae: {  	v3 =	vor.u32 v3, v4  }
0x1af: {  	v4 =	vperm.xlane v3, v0;
	_ =	sdelay $0x1  }
0x1b0: {  	v4 =	vadd.s32 v1, v4;
	_ =	sdelay $0x3  }
0x1b1: {  	s21 =	simm.s32 $0xC100  }
0x1b2: {  	[tilespmem:s21], [sflag:$0x2] =	stream.indirect_vreg.gather [hbm4b:s3+s2], $0x80, v4, vm0, $0xb8;
	[tilespmem:$0x10100] =	vst v63  }
0x1b3: {  	s23 =	simm.s32 $0xC900;
	v3 =	vperm.xlane v3, v2  }
0x1b4: {  	[tilespmem:s23], [sflag:$0x2] =	stream.indirect_vreg.gather [hbm4b:s4+s2], $0x80, v4, vm0, $0xb8;
	[tilespmem:$0x10100] =	vst v63  }
0x1b5: {  	s31 =	simm.s32 $0xD100;
	v3 =	vadd.s32 v1, v3  }
0x1b6: {  	[tilespmem:s31], [sflag:$0x2] =	stream.indirect_vreg.gather [hbm4b:s5+s2], $0x80, v4, vm0, $0xb8;
	[tilespmem:$0x10100] =	vst v63  }
0x1b7: {  	s25 =	simm.s32 $0xD900  }
0x1b8: {  	[tilespmem:s25], [sflag:$0x2] =	stream.indirect_vreg.gather [hbm4b:s6+s2], $0x80, v4, vm0, $0xb8;
	[tilespmem:$0x10100] =	vst v63  }
0x1b9: {  	s24 =	simm.s32 $0xE100  }
0x1ba: {  	[tilespmem:s24], [sflag:$0x2] =	stream.indirect_vreg.gather [hbm4b:s3+s2], $0x80, v3, vm0, $0xb8;
	[tilespmem:$0x10100] =	vst v63  }
0x1bb: {  	s18 =	simm.s32 $0xE900  }
0x1bc: {  	[tilespmem:s18], [sflag:$0x2] =	stream.indirect_vreg.gather [hbm4b:s4+s2], $0x80, v3, vm0, $0xb8;
	[tilespmem:$0x10100] =	vst v63  }
0x1bd: {  	s22 =	simm.s32 $0xF100  }
0x1be: {  	[tilespmem:s22], [sflag:$0x2] =	stream.indirect_vreg.gather [hbm4b:s5+s2], $0x80, v3, vm0, $0xb8;
	[tilespmem:$0x10100] =	vst v63  }
0x1bf: {  	s28 =	simm.s32 $0xF900  }
0x1c0: {  	[tilespmem:s28], [sflag:$0x2] =	stream.indirect_vreg.gather [hbm4b:s6+s2], $0x80, v3, vm0, $0xb8;
	[tilespmem:$0x10100] =	vst v63  }
0x1c1: {  	_ =	swait.ge [sflag:s19], $0x8000  }
0x1c2: {  	[sflag:s19] =	ssyncset.done $0x0  }
0x1c3: {  	s29 =	rddreg [dreg:$0x11];
	[sflag:s19] =	ssyncadd.s32 $0xFFFF8000  }
0x1c4: {  	[hbm4b:s29+s2] =	stream.linear.scatter [tilespmem:s30], [sflag:$0x3], $0x8000, $0x38;
	[tilespmem:$0x10100] =	vst v63  }
0x1c5: {  	_ =	swait.ge [sflag:s8], $0x8000  }
0x1c6: {  	[sflag:s8] =	ssyncset.done $0x0  }
0x1c7: {  	[sflag:s8] =	ssyncadd.s32 $0xFFFF8000  }
0x1c8: {  	_ =	swait.ge [sflag:s20], $0x8000  }
0x1c9: {  	p0 =	sne.s32 s7, $0x1;
	[sflag:s20] =	ssyncset.done $0x0  }
.Ltmp0:
0x1ca: {  	s31 =	rddreg [dreg:$0x12];
	[sflag:s20] =	ssyncadd.s32 $0xFFFF8000;
	(pc) =	sbr.rel @p0 .LBB2_1-.Ltmp0, $4  }
0x1cb: {  	[hbm4b:s31+s2] =	stream.linear.scatter [tilespmem:s26], [sflag:$0x3], $0x8000, $0x38;
	[tilespmem:$0x10100] =	vst v63  }
0x1cc: {  	_ =	swait.ge [sflag:s8], $0x8000  }
0x1cd: {  	[sflag:s8] =	ssyncset.done $0x0  }
0x1ce: {  	s7 =	sadd.s32 $0xFFFFFFFF, s7;
	[sflag:s8] =	ssyncadd.s32 $0xFFFF8000  }
0x1cf: {  	_ =	sfence.sel $0x180000  }
0x1d0: {  	[bflag:$0x0] =	sbarrier.arrive $0xFFFF  }
0x1d1: {  	_ =	strace $0x9000004A  }
0x1d2: {  	s0 =	stileid.u32;
	[bflag:$0x2] =	sbarrier.arrive $0xFFFF  }
0x1d3: {  	p0 =	sne.s32 s0, $0x0;
	s0 =	rddreg [dreg:$0x2]  }
0x1d4: {  	s0 =	sadd.s32 @!p0 $0x100000, s0  }
0x1d5: {  	[sflag:s0] =	ssyncadd.tile.s32 @!p0 $0x1;
	_ =	shalt  }
.Lfunc_end2:
_tile_overlayer_lowered:
.L_overlay_start_2:
0x1d6: {  	(tag) =	ssettag $0x2  }
0x1d7: {  	s0 =	rddreg [dreg:$0x0];
	s2 =	stileid.u32  }
0x1d8: {  	s1 =	rddreg [dreg:$0x1];
	p0 =	sne.s32 s2, $0x0  }
0x1d9: {  	s3 =	rddreg [dreg:$0x2];
	[bflag:$0x3] =	sbarrier.arrive $0xFFFF;
	s2 =	simm.s32 @!p0 $0x1C03  }
0x1da: {  	[timem:s3], [sflag:s2] =	dma.local @!p0 [hbm:s0], s1  }
0x1db: {  	s0 =	simm.s32 @!p0 $0x3  }
0x1dc: {  	_ =	swait.ge @!p0 [sflag:s0], s1  }
0x1dd: {  	s1 =	ssub.s32 @!p0 $0x0, s1;
	[sflag:s0] =	ssyncset.done @!p0 $0x0  }
0x1de: {  	[sflag:s0] =	ssyncadd.s32 @!p0 s1  }
0x1df: {  	[bflag:$0x3] =	sbarrier.arrive $0xFFFF  }
0x1e0: {  	_ =	shalt  }

</sc_bundles>
